<compile_context>
chip_gen: v7x
topology: tpu7x:2x2x1
jax: 0.10.2.dev20260603
libtpu: 0.0.44.dev20260713+nightly
codegen_flags: <defaults>
</compile_context>

<pallas_src>
import functools

import jax
import jax.numpy as jnp
from jax import lax
from jax.experimental import pallas as pl
from jax.experimental.pallas import tpu as pltpu
from jax.experimental.pallas import tpu_sc as plsc

_N = 10000
_E = 160000
_IN = 256
_HID = 512
_CLS = 64
_ITERS = 5
_DAMP = 0.5

_NC = 2
_NS = 16
_CH = 256
_NCHUNK = 40
_EPW = _CH * _NCHUNK
_EPAD = _NS * _EPW
_NACC = 10112
_RPT = _NACC // _NS

_mesh = plsc.VectorSubcoreMesh(
    core_axis_name="c", subcore_axis_name="s", num_cores=_NC, num_subcores=_NS
)
_sc_params = pltpu.CompilerParams(use_tc_tiling_on_sc=False)


@functools.partial(
    pl.kernel,
    out_type=jax.ShapeDtypeStruct((_NACC,), jnp.float32),
    mesh=_mesh,
    compiler_params=_sc_params,
    scratch_types=[
        pltpu.VMEM((_NCHUNK, _CH), jnp.int32),
        pltpu.VMEM((_CH,), jnp.float32),
        pltpu.VMEM_SHARED((_NACC,), jnp.float32),
    ],
)
def _deg(col_hbm, zero_hbm, out_hbm, col_v, ones_v, acc):
    cid = lax.axis_index("c")
    sid = lax.axis_index("s")

    @pl.when(cid == 0)
    def _():
        pltpu.sync_copy(col_hbm.at[sid], col_v)
        for i in range(_CH // 16):
            ones_v[pl.ds(i * 16, 16)] = jnp.ones((16,), jnp.float32)

        @pl.when(sid == 0)
        def _():
            pltpu.sync_copy(zero_hbm, acc)

        plsc.subcore_barrier()

        @pl.loop(0, _NCHUNK)
        def _(j):
            pltpu.sync_copy(ones_v, acc.at[col_v.at[j]], add=True)

        plsc.subcore_barrier()

        @pl.when(sid == 0)
        def _():
            pltpu.sync_copy(acc, out_hbm)


@functools.partial(
    pl.kernel,
    out_type=jax.ShapeDtypeStruct((_NS, _NCHUNK, _CH), jnp.float32),
    mesh=_mesh,
    compiler_params=_sc_params,
    scratch_types=[
        pltpu.VMEM((_NCHUNK, _CH), jnp.int32),
        pltpu.VMEM((_NCHUNK, _CH), jnp.float32),
    ],
)
def _ew(di_hbm, col_hbm, out_hbm, col_v, ew_v):
    cid = lax.axis_index("c")
    sid = lax.axis_index("s")

    @pl.when(cid == 0)
    def _():
        pltpu.sync_copy(col_hbm.at[sid], col_v)

        @pl.loop(0, _NCHUNK)
        def _(j):
            pltpu.sync_copy(di_hbm.at[col_v.at[j]], ew_v.at[j])

        pltpu.sync_copy(ew_v, out_hbm.at[sid])


@functools.partial(
    pl.kernel,
    out_type=jax.ShapeDtypeStruct((_NACC, _CLS), jnp.float32),
    mesh=_mesh,
    compiler_params=_sc_params,
    scratch_types=[
        pltpu.VMEM((_NCHUNK, _CH), jnp.int32),
        pltpu.VMEM((_NCHUNK, _CH), jnp.int32),
        [pltpu.VMEM((_CH, _CLS), jnp.float32)] * 2,
        pltpu.VMEM_SHARED((_NACC, _CLS), jnp.float32),
        [pltpu.SemaphoreType.DMA] * 2,
    ],
)
def _scatter(q_hbm, row_hbm, col_hbm, zero_hbm, out_hbm,
             row_v, col_v, bufs, acc, gsems):
    cid = lax.axis_index("c")
    sid = lax.axis_index("s")
    base = sid * _RPT

    def gather(j, b):
        pltpu.async_copy(q_hbm.at[row_v.at[j]], bufs[b], gsems[b])

    def gather_wait(j, b):
        pltpu.make_async_copy(q_hbm.at[row_v.at[j]], bufs[b], gsems[b]).wait()

    def scat(j, b):
        pltpu.sync_copy(bufs[b], acc.at[col_v.at[j]], add=True)

    @pl.when(cid == 0)
    def _():
        pltpu.sync_copy(row_hbm.at[sid], row_v)
        pltpu.sync_copy(col_hbm.at[sid], col_v)
        pltpu.sync_copy(zero_hbm.at[pl.ds(base, _RPT)],
                        acc.at[pl.ds(base, _RPT)])
        plsc.subcore_barrier()

        gather(0, 0)

        @pl.loop(0, _NCHUNK // 2 - 1)
        def _(g):
            j0 = g * 2
            gather_wait(j0, 0)
            gather(j0 + 1, 1)
            scat(j0, 0)
            gather_wait(j0 + 1, 1)
            gather(j0 + 2, 0)
            scat(j0 + 1, 1)

        gather_wait(_NCHUNK - 2, 0)
        gather(_NCHUNK - 1, 1)
        scat(_NCHUNK - 2, 0)
        gather_wait(_NCHUNK - 1, 1)
        scat(_NCHUNK - 1, 1)

        plsc.subcore_barrier()
        pltpu.sync_copy(acc.at[pl.ds(base, _RPT)],
                        out_hbm.at[pl.ds(base, _RPT)])


def _dense_body(x_ref, we_ref, wd_ref, lg_ref, q_ref, xe_ref):
    x1 = jnp.dot(x_ref[...], we_ref[...], preferred_element_type=jnp.float32)
    lg = jnp.dot(x1, wd_ref[...], preferred_element_type=jnp.float32)
    lg_ref[...] = lg
    m = jnp.max(lg, axis=1, keepdims=True)
    e = jnp.exp(lg - m)
    q_ref[...] = e / jnp.sum(e, axis=1, keepdims=True)
    nrm = jnp.sqrt(jnp.sum(x1 * x1, axis=1, keepdims=True))
    xe_ref[...] = x1 / jnp.maximum(nrm, 1e-12)


_BLK = 1000


def _dense(x, we_t, wd_t):
    return pl.pallas_call(
        _dense_body,
        grid=(_N // _BLK,),
        in_specs=[
            pl.BlockSpec((_BLK, _IN), lambda i: (i, 0)),
            pl.BlockSpec((_IN, _HID), lambda i: (0, 0)),
            pl.BlockSpec((_HID, _CLS), lambda i: (0, 0)),
        ],
        out_specs=[
            pl.BlockSpec((_BLK, _CLS), lambda i: (i, 0)),
            pl.BlockSpec((_BLK, _CLS), lambda i: (i, 0)),
            pl.BlockSpec((_BLK, _HID), lambda i: (i, 0)),
        ],
        out_shape=[
            jax.ShapeDtypeStruct((_N, _CLS), jnp.float32),
            jax.ShapeDtypeStruct((_N, _CLS), jnp.float32),
            jax.ShapeDtypeStruct((_N, _HID), jnp.float32),
        ],
    )(x, we_t, wd_t)


def _deginv_body(deg_ref, out_ref):
    d = deg_ref[...]
    out_ref[...] = jnp.where(d > 0, 1.0 / d, 0.0)


def _deginv(deg):
    return pl.pallas_call(
        _deginv_body,
        out_shape=jax.ShapeDtypeStruct((_NACC,), jnp.float32),
    )(deg)


def _update_body(lg_ref, p_ref, di_ref, q_ref):
    s = lg_ref[...] + _DAMP * di_ref[...] * p_ref[...]
    m = jnp.max(s, axis=1, keepdims=True)
    e = jnp.exp(s - m)
    q_ref[...] = e / jnp.sum(e, axis=1, keepdims=True)


def _update(logits, agg, deginv):
    return pl.pallas_call(
        _update_body,
        grid=(_N // _BLK,),
        in_specs=[
            pl.BlockSpec((_BLK, _CLS), lambda i: (i, 0)),
            pl.BlockSpec((_BLK, _CLS), lambda i: (i, 0)),
            pl.BlockSpec((_BLK, 1), lambda i: (i, 0)),
        ],
        out_specs=pl.BlockSpec((_BLK, _CLS), lambda i: (i, 0)),
        out_shape=jax.ShapeDtypeStruct((_N, _CLS), jnp.float32),
    )(logits, agg, deginv)


def kernel(x, edge_index, W_embed, W_dec):
    row = edge_index[0]
    col = edge_index[1]
    rowp = jnp.concatenate(
        [row, jnp.zeros((_EPAD - _E,), jnp.int32)]).reshape(_NS, _NCHUNK, _CH)
    colp = jnp.concatenate(
        [col, jnp.full((_EPAD - _E,), _N, jnp.int32)]).reshape(_NS, _NCHUNK, _CH)
    zero_n = jnp.zeros((_NACC,), jnp.float32)
    zero_nc = jnp.zeros((_NACC, _CLS), jnp.float32)

    logits, q, x_embed = _dense(x, W_embed.T, W_dec.T)
    deg = _deg(colp, zero_n)
    deginv = _deginv(deg)
    ew = _ew(deginv, colp).reshape(-1)[:_E]
    deginv2 = deginv.reshape(_NACC, 1)

    for _ in range(_ITERS):
        agg = _scatter(q, rowp, colp, zero_nc)
        q = _update(logits, agg, deginv2)

    return (q, x_embed, ew)

# --- scband reference (transcript-rebuilt; emitter-appended) ---
"""Pipeline reference for scband-rnncrf-4234837754298 (READ-ONLY COPY).

The authoritative reference and input builder live on the scoring server;
editing this copy changes nothing except your own understanding.
"""

import jax, jax.numpy as jnp
import numpy as np

N = 10000
E = 160000
IN_FEAT = 256
HIDDEN = 512
NUM_CLS = 64
CRF_IT = 5
DAMPING = 0.5


def setup_inputs(seed: int = 0) -> dict:
    key = jax.random.key(seed)
    k1, k2, k3, k4 = jax.random.split(key, 4)
    x = jax.random.normal(k1, (N, IN_FEAT), dtype=jnp.float32)
    edge_index = jax.random.randint(k2, (2, E), 0, N, dtype=jnp.int32)
    # learned params (bias=False linears)
    W_embed = jax.random.normal(k3, (HIDDEN, IN_FEAT), dtype=jnp.float32) * (1.0 / np.sqrt(IN_FEAT))
    W_dec = jax.random.normal(k4, (NUM_CLS, HIDDEN), dtype=jnp.float32) * (1.0 / np.sqrt(HIDDEN))
    return {"x": x, "edge_index": edge_index, "W_embed": W_embed, "W_dec": W_dec}


def reference(x, edge_index, W_embed, W_dec):
    # dropout is identity in eval mode
    x1 = x @ W_embed.T  # embed_feat
    row, col = edge_index[0], edge_index[1]
    # get_rw_adj with norm_dim=1, fill_value=0: random-walk normalize by dst degree
    ew = jnp.ones((E,), dtype=jnp.float32)
    deg = jax.ops.segment_sum(ew, col, num_segments=N)
    deg_inv = jnp.where(deg > 0, 1.0 / deg, 0.0)
    ew = ew * deg_inv[col]
    # CRF mean-field iterations (CRFRWKV): unary from decoder, damped pairwise messages
    logits = x1 @ W_dec.T  # decoder
    Q = jax.nn.softmax(logits, axis=-1)
    for _ in range(CRF_IT):
        agg = jax.ops.segment_sum(Q[row] * ew[:, None], col, num_segments=N)
        Q = jax.nn.softmax(logits + DAMPING * agg, axis=-1)
    # x_embed = F.normalize(x1, p=2) along feature dim
    nrm = jnp.clip(jnp.linalg.norm(x1, axis=1, keepdims=True), 1e-12)
    x_embed = x1 / nrm
    return (Q, x_embed, ew)

if __name__ == "__main__":
    import jax
    _d = setup_inputs()
    print(jax.jit(kernel)(*tuple(_d.values())))

</pallas_src>

<mosaic_0001>
#map = affine_map<(d0, d1) -> (0, 0)>
#map1 = affine_map<(d0, d1) -> (0, 0, 0)>
module attributes {stable_mosaic.version = 14 : i64} {
  func.func @_scatter(%arg0: i32, %arg1: i32, %arg2: memref<10000x64xf32, #tpu.memory_space<hbm>>, %arg3: memref<16x40x256xi32, #tpu.memory_space<hbm>>, %arg4: memref<16x40x256xi32, #tpu.memory_space<hbm>>, %arg5: memref<10112x64xf32, #tpu.memory_space<hbm>>, %arg6: memref<10112x64xf32, #tpu.memory_space<hbm>>, %arg7: memref<40x256xi32, #tpu.memory_space<vmem>>, %arg8: memref<40x256xi32, #tpu.memory_space<vmem>>, %arg9: memref<256x64xf32, #tpu.memory_space<vmem>>, %arg10: memref<256x64xf32, #tpu.memory_space<vmem>>, %arg11: memref<10112x64xf32, #tpu.memory_space<vmem_shared>>, %arg12: memref<!tpu.dma_semaphore, #tpu.memory_space<semaphore_mem>>, %arg13: memref<!tpu.dma_semaphore, #tpu.memory_space<semaphore_mem>>) attributes {dimension_semantics = [#tpu.dimension_semantics<core_parallel>, #tpu.dimension_semantics<subcore_parallel>], iteration_bounds = array<i64: 2, 16>, scalar_prefetch = 0 : i64, scratch_operands = 7 : i64, tpu.core_type = #tpu.core_type<sc_vector_subcore>, window_params = [{transform_indices = #map}, {transform_indices = #map1}, {transform_indices = #map1}, {transform_indices = #map}, {transform_indices = #map}]} {
    %mul3A = arith.constant 632 : i32
    %mul3A_0 = arith.muli %arg1, %mul3A : i32
    %eq3A = arith.constant 0 : i32
    %eq3A_1 = arith.cmpi eq, %arg0, %eq3A : i32
    %convert_element_type3A = arith.extui %eq3A_1 : i1 to i32
    %cond3A = arith.constant 0 : i32
    %cond3A_2 = arith.cmpi ne, %convert_element_type3A, %cond3A : i32
    scf.if %cond3A_2 {
      "tpu.region"() ({
        %run_scoped3A_35 = tpu.sem_alloc : memref<!tpu.dma_semaphore, #tpu.memory_space<semaphore_mem>>
        %dma_start3A_36 = arith.constant 0 : i32
        %dma_start3A_37 = arith.constant 0 : i32
        %dma_start3A_38 = tpu.memref_slice %arg3[%arg1, %dma_start3A_36, %dma_start3A_37] : memref<16x40x256xi32, #tpu.memory_space<hbm>> -> memref<1x40x256xi32, #tpu.memory_space<hbm>>
        %dma_start3A_39 = tpu.memref_squeeze %dma_start3A_38 : memref<1x40x256xi32, #tpu.memory_space<hbm>> -> memref<40x256xi32, #tpu.memory_space<hbm>>
        %dma_start3A_40 = arith.constant 0 : i32
        %dma_start3A_41 = arith.constant 0 : i32
        %dma_start3A_42 = tpu.memref_slice %arg3[%arg1, %dma_start3A_40, %dma_start3A_41] : memref<16x40x256xi32, #tpu.memory_space<hbm>> -> memref<1x40x256xi32, #tpu.memory_space<hbm>>
        %dma_start3A_43 = tpu.memref_squeeze %dma_start3A_42 : memref<1x40x256xi32, #tpu.memory_space<hbm>> -> memref<40x256xi32, #tpu.memory_space<hbm>>
        tpu.enqueue_dma source(%dma_start3A_43 : memref<40x256xi32, #tpu.memory_space<hbm>>) target(%arg7 : memref<40x256xi32, #tpu.memory_space<vmem>>) target_semaphore(%run_scoped3A_35 : memref<!tpu.dma_semaphore, #tpu.memory_space<semaphore_mem>>)
        %dma_wait3A_44 = arith.constant 0 : i32
        %dma_wait3A_45 = arith.constant 0 : i32
        %dma_wait3A_46 = tpu.memref_slice %arg3[%arg1, %dma_wait3A_44, %dma_wait3A_45] : memref<16x40x256xi32, #tpu.memory_space<hbm>> -> memref<1x40x256xi32, #tpu.memory_space<hbm>>
        %dma_wait3A_47 = tpu.memref_squeeze %dma_wait3A_46 : memref<1x40x256xi32, #tpu.memory_space<hbm>> -> memref<40x256xi32, #tpu.memory_space<hbm>>
        %dma_wait3A_48 = arith.constant 0 : i32
        %dma_wait3A_49 = arith.constant 0 : i32
        %dma_wait3A_50 = tpu.memref_slice %arg3[%arg1, %dma_wait3A_48, %dma_wait3A_49] : memref<16x40x256xi32, #tpu.memory_space<hbm>> -> memref<1x40x256xi32, #tpu.memory_space<hbm>>
        %dma_wait3A_51 = tpu.memref_squeeze %dma_wait3A_50 : memref<1x40x256xi32, #tpu.memory_space<hbm>> -> memref<40x256xi32, #tpu.memory_space<hbm>>
        tpu.wait_dma2 semaphore(%run_scoped3A_35 : memref<!tpu.dma_semaphore, #tpu.memory_space<semaphore_mem>>) src(%dma_wait3A_51 : memref<40x256xi32, #tpu.memory_space<hbm>>) dst(%arg7 : memref<40x256xi32, #tpu.memory_space<vmem>>)
        tpu.yield
      }) : () -> ()
      "tpu.region"() ({
        %run_scoped3A_35 = tpu.sem_alloc : memref<!tpu.dma_semaphore, #tpu.memory_space<semaphore_mem>>
        %dma_start3A_36 = arith.constant 0 : i32
        %dma_start3A_37 = arith.constant 0 : i32
        %dma_start3A_38 = tpu.memref_slice %arg4[%arg1, %dma_start3A_36, %dma_start3A_37] : memref<16x40x256xi32, #tpu.memory_space<hbm>> -> memref<1x40x256xi32, #tpu.memory_space<hbm>>
        %dma_start3A_39 = tpu.memref_squeeze %dma_start3A_38 : memref<1x40x256xi32, #tpu.memory_space<hbm>> -> memref<40x256xi32, #tpu.memory_space<hbm>>
        %dma_start3A_40 = arith.constant 0 : i32
        %dma_start3A_41 = arith.constant 0 : i32
        %dma_start3A_42 = tpu.memref_slice %arg4[%arg1, %dma_start3A_40, %dma_start3A_41] : memref<16x40x256xi32, #tpu.memory_space<hbm>> -> memref<1x40x256xi32, #tpu.memory_space<hbm>>
        %dma_start3A_43 = tpu.memref_squeeze %dma_start3A_42 : memref<1x40x256xi32, #tpu.memory_space<hbm>> -> memref<40x256xi32, #tpu.memory_space<hbm>>
        tpu.enqueue_dma source(%dma_start3A_43 : memref<40x256xi32, #tpu.memory_space<hbm>>) target(%arg8 : memref<40x256xi32, #tpu.memory_space<vmem>>) target_semaphore(%run_scoped3A_35 : memref<!tpu.dma_semaphore, #tpu.memory_space<semaphore_mem>>)
        %dma_wait3A_44 = arith.constant 0 : i32
        %dma_wait3A_45 = arith.constant 0 : i32
        %dma_wait3A_46 = tpu.memref_slice %arg4[%arg1, %dma_wait3A_44, %dma_wait3A_45] : memref<16x40x256xi32, #tpu.memory_space<hbm>> -> memref<1x40x256xi32, #tpu.memory_space<hbm>>
        %dma_wait3A_47 = tpu.memref_squeeze %dma_wait3A_46 : memref<1x40x256xi32, #tpu.memory_space<hbm>> -> memref<40x256xi32, #tpu.memory_space<hbm>>
        %dma_wait3A_48 = arith.constant 0 : i32
        %dma_wait3A_49 = arith.constant 0 : i32
        %dma_wait3A_50 = tpu.memref_slice %arg4[%arg1, %dma_wait3A_48, %dma_wait3A_49] : memref<16x40x256xi32, #tpu.memory_space<hbm>> -> memref<1x40x256xi32, #tpu.memory_space<hbm>>
        %dma_wait3A_51 = tpu.memref_squeeze %dma_wait3A_50 : memref<1x40x256xi32, #tpu.memory_space<hbm>> -> memref<40x256xi32, #tpu.memory_space<hbm>>
        tpu.wait_dma2 semaphore(%run_scoped3A_35 : memref<!tpu.dma_semaphore, #tpu.memory_space<semaphore_mem>>) src(%dma_wait3A_51 : memref<40x256xi32, #tpu.memory_space<hbm>>) dst(%arg8 : memref<40x256xi32, #tpu.memory_space<vmem>>)
        tpu.yield
      }) : () -> ()
      "tpu.region"() ({
        %run_scoped3A_35 = tpu.sem_alloc : memref<!tpu.dma_semaphore, #tpu.memory_space<semaphore_mem>>
        %dma_start3A_36 = arith.constant 0 : i32
        %dma_start3A_37 = tpu.memref_slice %arg11[%mul3A_0, %dma_start3A_36] : memref<10112x64xf32, #tpu.memory_space<vmem_shared>> -> memref<632x64xf32, #tpu.memory_space<vmem_shared>>
        %dma_start3A_38 = arith.constant 0 : i32
        %dma_start3A_39 = tpu.memref_slice %arg5[%mul3A_0, %dma_start3A_38] : memref<10112x64xf32, #tpu.memory_space<hbm>> -> memref<632x64xf32, #tpu.memory_space<hbm>>
        tpu.enqueue_dma source(%dma_start3A_39 : memref<632x64xf32, #tpu.memory_space<hbm>>) target(%dma_start3A_37 : memref<632x64xf32, #tpu.memory_space<vmem_shared>>) target_semaphore(%run_scoped3A_35 : memref<!tpu.dma_semaphore, #tpu.memory_space<semaphore_mem>>)
        %dma_wait3A_40 = arith.constant 0 : i32
        %dma_wait3A_41 = tpu.memref_slice %arg11[%mul3A_0, %dma_wait3A_40] : memref<10112x64xf32, #tpu.memory_space<vmem_shared>> -> memref<632x64xf32, #tpu.memory_space<vmem_shared>>
        %dma_wait3A_42 = arith.constant 0 : i32
        %dma_wait3A_43 = tpu.memref_slice %arg5[%mul3A_0, %dma_wait3A_42] : memref<10112x64xf32, #tpu.memory_space<hbm>> -> memref<632x64xf32, #tpu.memory_space<hbm>>
        tpu.wait_dma2 semaphore(%run_scoped3A_35 : memref<!tpu.dma_semaphore, #tpu.memory_space<semaphore_mem>>) src(%dma_wait3A_43 : memref<632x64xf32, #tpu.memory_space<hbm>>) dst(%dma_wait3A_41 : memref<632x64xf32, #tpu.memory_space<vmem_shared>>)
        tpu.yield
      }) : () -> ()
      %barrier3A = arith.constant 0 : index
      tpu.barrier barrier_id(%barrier3A)
      %dma_start3A = arith.constant 0 : i32
      %dma_start3A_3 = arith.constant 0 : i32
      %dma_start3A_4 = tpu.memref_slice %arg7[%dma_start3A, %dma_start3A_3] : memref<40x256xi32, #tpu.memory_space<vmem>> -> memref<1x256xi32, #tpu.memory_space<vmem>>
      %dma_start3A_5 = tpu.memref_squeeze %dma_start3A_4 : memref<1x256xi32, #tpu.memory_space<vmem>> -> memref<256xi32, #tpu.memory_space<vmem>>
      %dma_start3A_6 = arith.constant 0 : i32
      %dma_start3A_7 = arith.constant 0 : i32
      %dma_start3A_8 = tpu.memref_slice %arg2[%dma_start3A_6, %dma_start3A_7] : memref<10000x64xf32, #tpu.memory_space<hbm>> -> memref<10000x64xf32, #tpu.memory_space<hbm>>
      tpu.enqueue_indirect_dma source(%dma_start3A_8 : memref<10000x64xf32, #tpu.memory_space<hbm>>) target(%arg9 : memref<256x64xf32, #tpu.memory_space<vmem>>) offsets(%dma_start3A_5 : memref<256xi32, #tpu.memory_space<vmem>>) semaphore(%arg12 : memref<!tpu.dma_semaphore, #tpu.memory_space<semaphore_mem>>)
      %scan3A = arith.constant 0 : i32
      %scan3A_9 = arith.constant 19 : i32
      %scan3A_10 = arith.addi %scan3A, %scan3A_9 : i32
      %scan3A_11 = arith.constant 1 : i32
      scf.for %scan3A_35 = %scan3A to %scan3A_10 step %scan3A_11  : i32 {
        %mul3A_36 = arith.constant 1 : i32
        %mul3A_37 = arith.muli %scan3A_35, %mul3A_36 : i32
        %add3A = arith.constant 0 : i32
        %add3A_38 = arith.addi %add3A, %mul3A_37 : i32
        %mul3A_39 = arith.constant 2 : i32
        %mul3A_40 = arith.muli %add3A_38, %mul3A_39 : i32
        %dma_wait3A_41 = arith.constant 0 : i32
        %dma_wait3A_42 = tpu.memref_slice %arg7[%mul3A_40, %dma_wait3A_41] : memref<40x256xi32, #tpu.memory_space<vmem>> -> memref<1x256xi32, #tpu.memory_space<vmem>>
        %dma_wait3A_43 = tpu.memref_squeeze %dma_wait3A_42 : memref<1x256xi32, #tpu.memory_space<vmem>> -> memref<256xi32, #tpu.memory_space<vmem>>
        %dma_wait3A_44 = arith.constant 0 : i32
        %dma_wait3A_45 = arith.constant 0 : i32
        %dma_wait3A_46 = tpu.memref_slice %arg2[%dma_wait3A_44, %dma_wait3A_45] : memref<10000x64xf32, #tpu.memory_space<hbm>> -> memref<10000x64xf32, #tpu.memory_space<hbm>>
        tpu.wait_indirect_dma semaphore(%arg12 : memref<!tpu.dma_semaphore, #tpu.memory_space<semaphore_mem>>) src(%dma_wait3A_46 : memref<10000x64xf32, #tpu.memory_space<hbm>>) dst(%arg9 : memref<256x64xf32, #tpu.memory_space<vmem>>)
        %add3A_47 = arith.constant 1 : i32
        %add3A_48 = arith.addi %mul3A_40, %add3A_47 : i32
        %dma_start3A_49 = arith.constant 0 : i32
        %dma_start3A_50 = tpu.memref_slice %arg7[%add3A_48, %dma_start3A_49] : memref<40x256xi32, #tpu.memory_space<vmem>> -> memref<1x256xi32, #tpu.memory_space<vmem>>
        %dma_start3A_51 = tpu.memref_squeeze %dma_start3A_50 : memref<1x256xi32, #tpu.memory_space<vmem>> -> memref<256xi32, #tpu.memory_space<vmem>>
        %dma_start3A_52 = arith.constant 0 : i32
        %dma_start3A_53 = arith.constant 0 : i32
        %dma_start3A_54 = tpu.memref_slice %arg2[%dma_start3A_52, %dma_start3A_53] : memref<10000x64xf32, #tpu.memory_space<hbm>> -> memref<10000x64xf32, #tpu.memory_space<hbm>>
        tpu.enqueue_indirect_dma source(%dma_start3A_54 : memref<10000x64xf32, #tpu.memory_space<hbm>>) target(%arg10 : memref<256x64xf32, #tpu.memory_space<vmem>>) offsets(%dma_start3A_51 : memref<256xi32, #tpu.memory_space<vmem>>) semaphore(%arg13 : memref<!tpu.dma_semaphore, #tpu.memory_space<semaphore_mem>>)
        "tpu.region"() ({
          %run_scoped3A_73 = tpu.sem_alloc : memref<!tpu.dma_semaphore, #tpu.memory_space<semaphore_mem>>
          %dma_start3A_74 = arith.constant 0 : i32
          %dma_start3A_75 = tpu.memref_slice %arg8[%mul3A_40, %dma_start3A_74] : memref<40x256xi32, #tpu.memory_space<vmem>> -> memref<1x256xi32, #tpu.memory_space<vmem>>
          %dma_start3A_76 = tpu.memref_squeeze %dma_start3A_75 : memref<1x256xi32, #tpu.memory_space<vmem>> -> memref<256xi32, #tpu.memory_space<vmem>>
          %dma_start3A_77 = arith.constant 0 : i32
          %dma_start3A_78 = arith.constant 0 : i32
          %dma_start3A_79 = tpu.memref_slice %arg11[%dma_start3A_77, %dma_start3A_78] : memref<10112x64xf32, #tpu.memory_space<vmem_shared>> -> memref<10112x64xf32, #tpu.memory_space<vmem_shared>>
          tpu.enqueue_indirect_dma source(%arg9 : memref<256x64xf32, #tpu.memory_space<vmem>>) target(%dma_start3A_79 : memref<10112x64xf32, #tpu.memory_space<vmem_shared>>) offsets(%dma_start3A_76 : memref<256xi32, #tpu.memory_space<vmem>>) semaphore(%run_scoped3A_73 : memref<!tpu.dma_semaphore, #tpu.memory_space<semaphore_mem>>) {add = true}
          %dma_wait3A_80 = arith.constant 0 : i32
          %dma_wait3A_81 = tpu.memref_slice %arg8[%mul3A_40, %dma_wait3A_80] : memref<40x256xi32, #tpu.memory_space<vmem>> -> memref<1x256xi32, #tpu.memory_space<vmem>>
          %dma_wait3A_82 = tpu.memref_squeeze %dma_wait3A_81 : memref<1x256xi32, #tpu.memory_space<vmem>> -> memref<256xi32, #tpu.memory_space<vmem>>
          %dma_wait3A_83 = arith.constant 0 : i32
          %dma_wait3A_84 = arith.constant 0 : i32
          %dma_wait3A_85 = tpu.memref_slice %arg11[%dma_wait3A_83, %dma_wait3A_84] : memref<10112x64xf32, #tpu.memory_space<vmem_shared>> -> memref<10112x64xf32, #tpu.memory_space<vmem_shared>>
          tpu.wait_indirect_dma semaphore(%run_scoped3A_73 : memref<!tpu.dma_semaphore, #tpu.memory_space<semaphore_mem>>) src(%arg9 : memref<256x64xf32, #tpu.memory_space<vmem>>) dst(%dma_wait3A_85 : memref<10112x64xf32, #tpu.memory_space<vmem_shared>>)
          tpu.yield
        }) : () -> ()
        %add3A_55 = arith.constant 1 : i32
        %add3A_56 = arith.addi %mul3A_40, %add3A_55 : i32
        %dma_wait3A_57 = arith.constant 0 : i32
        %dma_wait3A_58 = tpu.memref_slice %arg7[%add3A_56, %dma_wait3A_57] : memref<40x256xi32, #tpu.memory_space<vmem>> -> memref<1x256xi32, #tpu.memory_space<vmem>>
        %dma_wait3A_59 = tpu.memref_squeeze %dma_wait3A_58 : memref<1x256xi32, #tpu.memory_space<vmem>> -> memref<256xi32, #tpu.memory_space<vmem>>
        %dma_wait3A_60 = arith.constant 0 : i32
        %dma_wait3A_61 = arith.constant 0 : i32
        %dma_wait3A_62 = tpu.memref_slice %arg2[%dma_wait3A_60, %dma_wait3A_61] : memref<10000x64xf32, #tpu.memory_space<hbm>> -> memref<10000x64xf32, #tpu.memory_space<hbm>>
        tpu.wait_indirect_dma semaphore(%arg13 : memref<!tpu.dma_semaphore, #tpu.memory_space<semaphore_mem>>) src(%dma_wait3A_62 : memref<10000x64xf32, #tpu.memory_space<hbm>>) dst(%arg10 : memref<256x64xf32, #tpu.memory_space<vmem>>)
        %add3A_63 = arith.constant 2 : i32
        %add3A_64 = arith.addi %mul3A_40, %add3A_63 : i32
        %dma_start3A_65 = arith.constant 0 : i32
        %dma_start3A_66 = tpu.memref_slice %arg7[%add3A_64, %dma_start3A_65] : memref<40x256xi32, #tpu.memory_space<vmem>> -> memref<1x256xi32, #tpu.memory_space<vmem>>
        %dma_start3A_67 = tpu.memref_squeeze %dma_start3A_66 : memref<1x256xi32, #tpu.memory_space<vmem>> -> memref<256xi32, #tpu.memory_space<vmem>>
        %dma_start3A_68 = arith.constant 0 : i32
        %dma_start3A_69 = arith.constant 0 : i32
        %dma_start3A_70 = tpu.memref_slice %arg2[%dma_start3A_68, %dma_start3A_69] : memref<10000x64xf32, #tpu.memory_space<hbm>> -> memref<10000x64xf32, #tpu.memory_space<hbm>>
        tpu.enqueue_indirect_dma source(%dma_start3A_70 : memref<10000x64xf32, #tpu.memory_space<hbm>>) target(%arg9 : memref<256x64xf32, #tpu.memory_space<vmem>>) offsets(%dma_start3A_67 : memref<256xi32, #tpu.memory_space<vmem>>) semaphore(%arg12 : memref<!tpu.dma_semaphore, #tpu.memory_space<semaphore_mem>>)
        %add3A_71 = arith.constant 1 : i32
        %add3A_72 = arith.addi %mul3A_40, %add3A_71 : i32
        "tpu.region"() ({
          %run_scoped3A_73 = tpu.sem_alloc : memref<!tpu.dma_semaphore, #tpu.memory_space<semaphore_mem>>
          %dma_start3A_74 = arith.constant 0 : i32
          %dma_start3A_75 = tpu.memref_slice %arg8[%add3A_72, %dma_start3A_74] : memref<40x256xi32, #tpu.memory_space<vmem>> -> memref<1x256xi32, #tpu.memory_space<vmem>>
          %dma_start3A_76 = tpu.memref_squeeze %dma_start3A_75 : memref<1x256xi32, #tpu.memory_space<vmem>> -> memref<256xi32, #tpu.memory_space<vmem>>
          %dma_start3A_77 = arith.constant 0 : i32
          %dma_start3A_78 = arith.constant 0 : i32
          %dma_start3A_79 = tpu.memref_slice %arg11[%dma_start3A_77, %dma_start3A_78] : memref<10112x64xf32, #tpu.memory_space<vmem_shared>> -> memref<10112x64xf32, #tpu.memory_space<vmem_shared>>
          tpu.enqueue_indirect_dma source(%arg10 : memref<256x64xf32, #tpu.memory_space<vmem>>) target(%dma_start3A_79 : memref<10112x64xf32, #tpu.memory_space<vmem_shared>>) offsets(%dma_start3A_76 : memref<256xi32, #tpu.memory_space<vmem>>) semaphore(%run_scoped3A_73 : memref<!tpu.dma_semaphore, #tpu.memory_space<semaphore_mem>>) {add = true}
          %dma_wait3A_80 = arith.constant 0 : i32
          %dma_wait3A_81 = tpu.memref_slice %arg8[%add3A_72, %dma_wait3A_80] : memref<40x256xi32, #tpu.memory_space<vmem>> -> memref<1x256xi32, #tpu.memory_space<vmem>>
          %dma_wait3A_82 = tpu.memref_squeeze %dma_wait3A_81 : memref<1x256xi32, #tpu.memory_space<vmem>> -> memref<256xi32, #tpu.memory_space<vmem>>
          %dma_wait3A_83 = arith.constant 0 : i32
          %dma_wait3A_84 = arith.constant 0 : i32
          %dma_wait3A_85 = tpu.memref_slice %arg11[%dma_wait3A_83, %dma_wait3A_84] : memref<10112x64xf32, #tpu.memory_space<vmem_shared>> -> memref<10112x64xf32, #tpu.memory_space<vmem_shared>>
          tpu.wait_indirect_dma semaphore(%run_scoped3A_73 : memref<!tpu.dma_semaphore, #tpu.memory_space<semaphore_mem>>) src(%arg10 : memref<256x64xf32, #tpu.memory_space<vmem>>) dst(%dma_wait3A_85 : memref<10112x64xf32, #tpu.memory_space<vmem_shared>>)
          tpu.yield
        }) : () -> ()
      }
      %scan3A_12 = arith.constant 19 : i32
      %dma_wait3A = arith.constant 38 : i32
      %dma_wait3A_13 = arith.constant 0 : i32
      %dma_wait3A_14 = tpu.memref_slice %arg7[%dma_wait3A, %dma_wait3A_13] : memref<40x256xi32, #tpu.memory_space<vmem>> -> memref<1x256xi32, #tpu.memory_space<vmem>>
      %dma_wait3A_15 = tpu.memref_squeeze %dma_wait3A_14 : memref<1x256xi32, #tpu.memory_space<vmem>> -> memref<256xi32, #tpu.memory_space<vmem>>
      %dma_wait3A_16 = arith.constant 0 : i32
      %dma_wait3A_17 = arith.constant 0 : i32
      %dma_wait3A_18 = tpu.memref_slice %arg2[%dma_wait3A_16, %dma_wait3A_17] : memref<10000x64xf32, #tpu.memory_space<hbm>> -> memref<10000x64xf32, #tpu.memory_space<hbm>>
      tpu.wait_indirect_dma semaphore(%arg12 : memref<!tpu.dma_semaphore, #tpu.memory_space<semaphore_mem>>) src(%dma_wait3A_18 : memref<10000x64xf32, #tpu.memory_space<hbm>>) dst(%arg9 : memref<256x64xf32, #tpu.memory_space<vmem>>)
      %dma_start3A_19 = arith.constant 39 : i32
      %dma_start3A_20 = arith.constant 0 : i32
      %dma_start3A_21 = tpu.memref_slice %arg7[%dma_start3A_19, %dma_start3A_20] : memref<40x256xi32, #tpu.memory_space<vmem>> -> memref<1x256xi32, #tpu.memory_space<vmem>>
      %dma_start3A_22 = tpu.memref_squeeze %dma_start3A_21 : memref<1x256xi32, #tpu.memory_space<vmem>> -> memref<256xi32, #tpu.memory_space<vmem>>
      %dma_start3A_23 = arith.constant 0 : i32
      %dma_start3A_24 = arith.constant 0 : i32
      %dma_start3A_25 = tpu.memref_slice %arg2[%dma_start3A_23, %dma_start3A_24] : memref<10000x64xf32, #tpu.memory_space<hbm>> -> memref<10000x64xf32, #tpu.memory_space<hbm>>
      tpu.enqueue_indirect_dma source(%dma_start3A_25 : memref<10000x64xf32, #tpu.memory_space<hbm>>) target(%arg10 : memref<256x64xf32, #tpu.memory_space<vmem>>) offsets(%dma_start3A_22 : memref<256xi32, #tpu.memory_space<vmem>>) semaphore(%arg13 : memref<!tpu.dma_semaphore, #tpu.memory_space<semaphore_mem>>)
      %run_scoped3A = arith.constant 38 : i32
      "tpu.region"() ({
        %run_scoped3A_35 = tpu.sem_alloc : memref<!tpu.dma_semaphore, #tpu.memory_space<semaphore_mem>>
        %dma_start3A_36 = arith.constant 0 : i32
        %dma_start3A_37 = tpu.memref_slice %arg8[%run_scoped3A, %dma_start3A_36] : memref<40x256xi32, #tpu.memory_space<vmem>> -> memref<1x256xi32, #tpu.memory_space<vmem>>
        %dma_start3A_38 = tpu.memref_squeeze %dma_start3A_37 : memref<1x256xi32, #tpu.memory_space<vmem>> -> memref<256xi32, #tpu.memory_space<vmem>>
        %dma_start3A_39 = arith.constant 0 : i32
        %dma_start3A_40 = arith.constant 0 : i32
        %dma_start3A_41 = tpu.memref_slice %arg11[%dma_start3A_39, %dma_start3A_40] : memref<10112x64xf32, #tpu.memory_space<vmem_shared>> -> memref<10112x64xf32, #tpu.memory_space<vmem_shared>>
        tpu.enqueue_indirect_dma source(%arg9 : memref<256x64xf32, #tpu.memory_space<vmem>>) target(%dma_start3A_41 : memref<10112x64xf32, #tpu.memory_space<vmem_shared>>) offsets(%dma_start3A_38 : memref<256xi32, #tpu.memory_space<vmem>>) semaphore(%run_scoped3A_35 : memref<!tpu.dma_semaphore, #tpu.memory_space<semaphore_mem>>) {add = true}
        %dma_wait3A_42 = arith.constant 0 : i32
        %dma_wait3A_43 = tpu.memref_slice %arg8[%run_scoped3A, %dma_wait3A_42] : memref<40x256xi32, #tpu.memory_space<vmem>> -> memref<1x256xi32, #tpu.memory_space<vmem>>
        %dma_wait3A_44 = tpu.memref_squeeze %dma_wait3A_43 : memref<1x256xi32, #tpu.memory_space<vmem>> -> memref<256xi32, #tpu.memory_space<vmem>>
        %dma_wait3A_45 = arith.constant 0 : i32
        %dma_wait3A_46 = arith.constant 0 : i32
        %dma_wait3A_47 = tpu.memref_slice %arg11[%dma_wait3A_45, %dma_wait3A_46] : memref<10112x64xf32, #tpu.memory_space<vmem_shared>> -> memref<10112x64xf32, #tpu.memory_space<vmem_shared>>
        tpu.wait_indirect_dma semaphore(%run_scoped3A_35 : memref<!tpu.dma_semaphore, #tpu.memory_space<semaphore_mem>>) src(%arg9 : memref<256x64xf32, #tpu.memory_space<vmem>>) dst(%dma_wait3A_47 : memref<10112x64xf32, #tpu.memory_space<vmem_shared>>)
        tpu.yield
      }) : () -> ()
      %dma_wait3A_26 = arith.constant 39 : i32
      %dma_wait3A_27 = arith.constant 0 : i32
      %dma_wait3A_28 = tpu.memref_slice %arg7[%dma_wait3A_26, %dma_wait3A_27] : memref<40x256xi32, #tpu.memory_space<vmem>> -> memref<1x256xi32, #tpu.memory_space<vmem>>
      %dma_wait3A_29 = tpu.memref_squeeze %dma_wait3A_28 : memref<1x256xi32, #tpu.memory_space<vmem>> -> memref<256xi32, #tpu.memory_space<vmem>>
      %dma_wait3A_30 = arith.constant 0 : i32
      %dma_wait3A_31 = arith.constant 0 : i32
      %dma_wait3A_32 = tpu.memref_slice %arg2[%dma_wait3A_30, %dma_wait3A_31] : memref<10000x64xf32, #tpu.memory_space<hbm>> -> memref<10000x64xf32, #tpu.memory_space<hbm>>
      tpu.wait_indirect_dma semaphore(%arg13 : memref<!tpu.dma_semaphore, #tpu.memory_space<semaphore_mem>>) src(%dma_wait3A_32 : memref<10000x64xf32, #tpu.memory_space<hbm>>) dst(%arg10 : memref<256x64xf32, #tpu.memory_space<vmem>>)
      %run_scoped3A_33 = arith.constant 39 : i32
      "tpu.region"() ({
        %run_scoped3A_35 = tpu.sem_alloc : memref<!tpu.dma_semaphore, #tpu.memory_space<semaphore_mem>>
        %dma_start3A_36 = arith.constant 0 : i32
        %dma_start3A_37 = tpu.memref_slice %arg8[%run_scoped3A_33, %dma_start3A_36] : memref<40x256xi32, #tpu.memory_space<vmem>> -> memref<1x256xi32, #tpu.memory_space<vmem>>
        %dma_start3A_38 = tpu.memref_squeeze %dma_start3A_37 : memref<1x256xi32, #tpu.memory_space<vmem>> -> memref<256xi32, #tpu.memory_space<vmem>>
        %dma_start3A_39 = arith.constant 0 : i32
        %dma_start3A_40 = arith.constant 0 : i32
        %dma_start3A_41 = tpu.memref_slice %arg11[%dma_start3A_39, %dma_start3A_40] : memref<10112x64xf32, #tpu.memory_space<vmem_shared>> -> memref<10112x64xf32, #tpu.memory_space<vmem_shared>>
        tpu.enqueue_indirect_dma source(%arg10 : memref<256x64xf32, #tpu.memory_space<vmem>>) target(%dma_start3A_41 : memref<10112x64xf32, #tpu.memory_space<vmem_shared>>) offsets(%dma_start3A_38 : memref<256xi32, #tpu.memory_space<vmem>>) semaphore(%run_scoped3A_35 : memref<!tpu.dma_semaphore, #tpu.memory_space<semaphore_mem>>) {add = true}
        %dma_wait3A_42 = arith.constant 0 : i32
        %dma_wait3A_43 = tpu.memref_slice %arg8[%run_scoped3A_33, %dma_wait3A_42] : memref<40x256xi32, #tpu.memory_space<vmem>> -> memref<1x256xi32, #tpu.memory_space<vmem>>
        %dma_wait3A_44 = tpu.memref_squeeze %dma_wait3A_43 : memref<1x256xi32, #tpu.memory_space<vmem>> -> memref<256xi32, #tpu.memory_space<vmem>>
        %dma_wait3A_45 = arith.constant 0 : i32
        %dma_wait3A_46 = arith.constant 0 : i32
        %dma_wait3A_47 = tpu.memref_slice %arg11[%dma_wait3A_45, %dma_wait3A_46] : memref<10112x64xf32, #tpu.memory_space<vmem_shared>> -> memref<10112x64xf32, #tpu.memory_space<vmem_shared>>
        tpu.wait_indirect_dma semaphore(%run_scoped3A_35 : memref<!tpu.dma_semaphore, #tpu.memory_space<semaphore_mem>>) src(%arg10 : memref<256x64xf32, #tpu.memory_space<vmem>>) dst(%dma_wait3A_47 : memref<10112x64xf32, #tpu.memory_space<vmem_shared>>)
        tpu.yield
      }) : () -> ()
      %barrier3A_34 = arith.constant 0 : index
      tpu.barrier barrier_id(%barrier3A_34)
      "tpu.region"() ({
        %run_scoped3A_35 = tpu.sem_alloc : memref<!tpu.dma_semaphore, #tpu.memory_space<semaphore_mem>>
        %dma_start3A_36 = arith.constant 0 : i32
        %dma_start3A_37 = tpu.memref_slice %arg6[%mul3A_0, %dma_start3A_36] : memref<10112x64xf32, #tpu.memory_space<hbm>> -> memref<632x64xf32, #tpu.memory_space<hbm>>
        %dma_start3A_38 = arith.constant 0 : i32
        %dma_start3A_39 = tpu.memref_slice %arg11[%mul3A_0, %dma_start3A_38] : memref<10112x64xf32, #tpu.memory_space<vmem_shared>> -> memref<632x64xf32, #tpu.memory_space<vmem_shared>>
        tpu.enqueue_dma source(%dma_start3A_39 : memref<632x64xf32, #tpu.memory_space<vmem_shared>>) target(%dma_start3A_37 : memref<632x64xf32, #tpu.memory_space<hbm>>) target_semaphore(%run_scoped3A_35 : memref<!tpu.dma_semaphore, #tpu.memory_space<semaphore_mem>>)
        %dma_wait3A_40 = arith.constant 0 : i32
        %dma_wait3A_41 = tpu.memref_slice %arg6[%mul3A_0, %dma_wait3A_40] : memref<10112x64xf32, #tpu.memory_space<hbm>> -> memref<632x64xf32, #tpu.memory_space<hbm>>
        %dma_wait3A_42 = arith.constant 0 : i32
        %dma_wait3A_43 = tpu.memref_slice %arg11[%mul3A_0, %dma_wait3A_42] : memref<10112x64xf32, #tpu.memory_space<vmem_shared>> -> memref<632x64xf32, #tpu.memory_space<vmem_shared>>
        tpu.wait_dma2 semaphore(%run_scoped3A_35 : memref<!tpu.dma_semaphore, #tpu.memory_space<semaphore_mem>>) src(%dma_wait3A_43 : memref<632x64xf32, #tpu.memory_space<vmem_shared>>) dst(%dma_wait3A_41 : memref<632x64xf32, #tpu.memory_space<hbm>>)
        tpu.yield
      }) : () -> ()
    } else {
    }
    return
  }
}

#map = affine_map<(d0, d1) -> (0, 0, 0)>
#map1 = affine_map<(d0, d1) -> (0)>
module attributes {stable_mosaic.version = 14 : i64} {
  func.func @_deg(%arg0: i32, %arg1: i32, %arg2: memref<16x40x256xi32, #tpu.memory_space<hbm>>, %arg3: memref<10112xf32, #tpu.memory_space<hbm>>, %arg4: memref<10112xf32, #tpu.memory_space<hbm>>, %arg5: memref<40x256xi32, #tpu.memory_space<vmem>>, %arg6: memref<256xf32, #tpu.memory_space<vmem>>, %arg7: memref<10112xf32, #tpu.memory_space<vmem_shared>>) attributes {dimension_semantics = [#tpu.dimension_semantics<core_parallel>, #tpu.dimension_semantics<subcore_parallel>], iteration_bounds = array<i64: 2, 16>, scalar_prefetch = 0 : i64, scratch_operands = 3 : i64, tpu.core_type = #tpu.core_type<sc_vector_subcore>, window_params = [{transform_indices = #map}, {transform_indices = #map1}, {transform_indices = #map1}]} {
    %eq3A = arith.constant 0 : i32
    %eq3A_0 = arith.cmpi eq, %arg0, %eq3A : i32
    %convert_element_type3A = arith.extui %eq3A_0 : i1 to i32
    %cond3A = arith.constant 0 : i32
    %cond3A_1 = arith.cmpi ne, %convert_element_type3A, %cond3A : i32
    scf.if %cond3A_1 {
      "tpu.region"() ({
        %run_scoped3A = tpu.sem_alloc : memref<!tpu.dma_semaphore, #tpu.memory_space<semaphore_mem>>
        %dma_start3A = arith.constant 0 : i32
        %dma_start3A_111 = arith.constant 0 : i32
        %dma_start3A_112 = tpu.memref_slice %arg2[%arg1, %dma_start3A, %dma_start3A_111] : memref<16x40x256xi32, #tpu.memory_space<hbm>> -> memref<1x40x256xi32, #tpu.memory_space<hbm>>
        %dma_start3A_113 = tpu.memref_squeeze %dma_start3A_112 : memref<1x40x256xi32, #tpu.memory_space<hbm>> -> memref<40x256xi32, #tpu.memory_space<hbm>>
        %dma_start3A_114 = arith.constant 0 : i32
        %dma_start3A_115 = arith.constant 0 : i32
        %dma_start3A_116 = tpu.memref_slice %arg2[%arg1, %dma_start3A_114, %dma_start3A_115] : memref<16x40x256xi32, #tpu.memory_space<hbm>> -> memref<1x40x256xi32, #tpu.memory_space<hbm>>
        %dma_start3A_117 = tpu.memref_squeeze %dma_start3A_116 : memref<1x40x256xi32, #tpu.memory_space<hbm>> -> memref<40x256xi32, #tpu.memory_space<hbm>>
        tpu.enqueue_dma source(%dma_start3A_117 : memref<40x256xi32, #tpu.memory_space<hbm>>) target(%arg5 : memref<40x256xi32, #tpu.memory_space<vmem>>) target_semaphore(%run_scoped3A : memref<!tpu.dma_semaphore, #tpu.memory_space<semaphore_mem>>)
        %dma_wait3A = arith.constant 0 : i32
        %dma_wait3A_118 = arith.constant 0 : i32
        %dma_wait3A_119 = tpu.memref_slice %arg2[%arg1, %dma_wait3A, %dma_wait3A_118] : memref<16x40x256xi32, #tpu.memory_space<hbm>> -> memref<1x40x256xi32, #tpu.memory_space<hbm>>
        %dma_wait3A_120 = tpu.memref_squeeze %dma_wait3A_119 : memref<1x40x256xi32, #tpu.memory_space<hbm>> -> memref<40x256xi32, #tpu.memory_space<hbm>>
        %dma_wait3A_121 = arith.constant 0 : i32
        %dma_wait3A_122 = arith.constant 0 : i32
        %dma_wait3A_123 = tpu.memref_slice %arg2[%arg1, %dma_wait3A_121, %dma_wait3A_122] : memref<16x40x256xi32, #tpu.memory_space<hbm>> -> memref<1x40x256xi32, #tpu.memory_space<hbm>>
        %dma_wait3A_124 = tpu.memref_squeeze %dma_wait3A_123 : memref<1x40x256xi32, #tpu.memory_space<hbm>> -> memref<40x256xi32, #tpu.memory_space<hbm>>
        tpu.wait_dma2 semaphore(%run_scoped3A : memref<!tpu.dma_semaphore, #tpu.memory_space<semaphore_mem>>) src(%dma_wait3A_124 : memref<40x256xi32, #tpu.memory_space<hbm>>) dst(%arg5 : memref<40x256xi32, #tpu.memory_space<vmem>>)
        tpu.yield
      }) : () -> ()
      %broadcast_in_dim3A = arith.constant 1.000000e+00 : f32
      %broadcast_in_dim3A_2 = vector.broadcast %broadcast_in_dim3A : f32 to vector<16xf32>
      %swap3A = arith.constant 0 : index
      %swap3A_3 = tpu.vector_load %arg6[%swap3A] {strides = array<i32>} : memref<256xf32, #tpu.memory_space<vmem>>, vector<16xf32>,
      %swap3A_4 = vector.shape_cast %swap3A_3 : vector<16xf32> to vector<16xf32>
      %swap3A_5 = vector.shape_cast %broadcast_in_dim3A_2 : vector<16xf32> to vector<16xf32>
      tpu.vector_store %arg6[%swap3A], %swap3A_5 {strides = array<i32>} : memref<256xf32, #tpu.memory_space<vmem>>, vector<16xf32>,
      %broadcast_in_dim3A_6 = arith.constant 1.000000e+00 : f32
      %broadcast_in_dim3A_7 = vector.broadcast %broadcast_in_dim3A_6 : f32 to vector<16xf32>
      %swap3A_8 = arith.constant 16 : index
      %swap3A_9 = tpu.vector_load %arg6[%swap3A_8] {strides = array<i32>} : memref<256xf32, #tpu.memory_space<vmem>>, vector<16xf32>,
      %swap3A_10 = vector.shape_cast %swap3A_9 : vector<16xf32> to vector<16xf32>
      %swap3A_11 = vector.shape_cast %broadcast_in_dim3A_7 : vector<16xf32> to vector<16xf32>
      tpu.vector_store %arg6[%swap3A_8], %swap3A_11 {strides = array<i32>} : memref<256xf32, #tpu.memory_space<vmem>>, vector<16xf32>,
      %broadcast_in_dim3A_12 = arith.constant 1.000000e+00 : f32
      %broadcast_in_dim3A_13 = vector.broadcast %broadcast_in_dim3A_12 : f32 to vector<16xf32>
      %swap3A_14 = arith.constant 32 : index
      %swap3A_15 = tpu.vector_load %arg6[%swap3A_14] {strides = array<i32>} : memref<256xf32, #tpu.memory_space<vmem>>, vector<16xf32>,
      %swap3A_16 = vector.shape_cast %swap3A_15 : vector<16xf32> to vector<16xf32>
      %swap3A_17 = vector.shape_cast %broadcast_in_dim3A_13 : vector<16xf32> to vector<16xf32>
      tpu.vector_store %arg6[%swap3A_14], %swap3A_17 {strides = array<i32>} : memref<256xf32, #tpu.memory_space<vmem>>, vector<16xf32>,
      %broadcast_in_dim3A_18 = arith.constant 1.000000e+00 : f32
      %broadcast_in_dim3A_19 = vector.broadcast %broadcast_in_dim3A_18 : f32 to vector<16xf32>
      %swap3A_20 = arith.constant 48 : index
      %swap3A_21 = tpu.vector_load %arg6[%swap3A_20] {strides = array<i32>} : memref<256xf32, #tpu.memory_space<vmem>>, vector<16xf32>,
      %swap3A_22 = vector.shape_cast %swap3A_21 : vector<16xf32> to vector<16xf32>
      %swap3A_23 = vector.shape_cast %broadcast_in_dim3A_19 : vector<16xf32> to vector<16xf32>
      tpu.vector_store %arg6[%swap3A_20], %swap3A_23 {strides = array<i32>} : memref<256xf32, #tpu.memory_space<vmem>>, vector<16xf32>,
      %broadcast_in_dim3A_24 = arith.constant 1.000000e+00 : f32
      %broadcast_in_dim3A_25 = vector.broadcast %broadcast_in_dim3A_24 : f32 to vector<16xf32>
      %swap3A_26 = arith.constant 64 : index
      %swap3A_27 = tpu.vector_load %arg6[%swap3A_26] {strides = array<i32>} : memref<256xf32, #tpu.memory_space<vmem>>, vector<16xf32>,
      %swap3A_28 = vector.shape_cast %swap3A_27 : vector<16xf32> to vector<16xf32>
      %swap3A_29 = vector.shape_cast %broadcast_in_dim3A_25 : vector<16xf32> to vector<16xf32>
      tpu.vector_store %arg6[%swap3A_26], %swap3A_29 {strides = array<i32>} : memref<256xf32, #tpu.memory_space<vmem>>, vector<16xf32>,
      %broadcast_in_dim3A_30 = arith.constant 1.000000e+00 : f32
      %broadcast_in_dim3A_31 = vector.broadcast %broadcast_in_dim3A_30 : f32 to vector<16xf32>
      %swap3A_32 = arith.constant 80 : index
      %swap3A_33 = tpu.vector_load %arg6[%swap3A_32] {strides = array<i32>} : memref<256xf32, #tpu.memory_space<vmem>>, vector<16xf32>,
      %swap3A_34 = vector.shape_cast %swap3A_33 : vector<16xf32> to vector<16xf32>
      %swap3A_35 = vector.shape_cast %broadcast_in_dim3A_31 : vector<16xf32> to vector<16xf32>
      tpu.vector_store %arg6[%swap3A_32], %swap3A_35 {strides = array<i32>} : memref<256xf32, #tpu.memory_space<vmem>>, vector<16xf32>,
      %broadcast_in_dim3A_36 = arith.constant 1.000000e+00 : f32
      %broadcast_in_dim3A_37 = vector.broadcast %broadcast_in_dim3A_36 : f32 to vector<16xf32>
      %swap3A_38 = arith.constant 96 : index
      %swap3A_39 = tpu.vector_load %arg6[%swap3A_38] {strides = array<i32>} : memref<256xf32, #tpu.memory_space<vmem>>, vector<16xf32>,
      %swap3A_40 = vector.shape_cast %swap3A_39 : vector<16xf32> to vector<16xf32>
      %swap3A_41 = vector.shape_cast %broadcast_in_dim3A_37 : vector<16xf32> to vector<16xf32>
      tpu.vector_store %arg6[%swap3A_38], %swap3A_41 {strides = array<i32>} : memref<256xf32, #tpu.memory_space<vmem>>, vector<16xf32>,
      %broadcast_in_dim3A_42 = arith.constant 1.000000e+00 : f32
      %broadcast_in_dim3A_43 = vector.broadcast %broadcast_in_dim3A_42 : f32 to vector<16xf32>
      %swap3A_44 = arith.constant 112 : index
      %swap3A_45 = tpu.vector_load %arg6[%swap3A_44] {strides = array<i32>} : memref<256xf32, #tpu.memory_space<vmem>>, vector<16xf32>,
      %swap3A_46 = vector.shape_cast %swap3A_45 : vector<16xf32> to vector<16xf32>
      %swap3A_47 = vector.shape_cast %broadcast_in_dim3A_43 : vector<16xf32> to vector<16xf32>
      tpu.vector_store %arg6[%swap3A_44], %swap3A_47 {strides = array<i32>} : memref<256xf32, #tpu.memory_space<vmem>>, vector<16xf32>,
      %broadcast_in_dim3A_48 = arith.constant 1.000000e+00 : f32
      %broadcast_in_dim3A_49 = vector.broadcast %broadcast_in_dim3A_48 : f32 to vector<16xf32>
      %swap3A_50 = arith.constant 128 : index
      %swap3A_51 = tpu.vector_load %arg6[%swap3A_50] {strides = array<i32>} : memref<256xf32, #tpu.memory_space<vmem>>, vector<16xf32>,
      %swap3A_52 = vector.shape_cast %swap3A_51 : vector<16xf32> to vector<16xf32>
      %swap3A_53 = vector.shape_cast %broadcast_in_dim3A_49 : vector<16xf32> to vector<16xf32>
      tpu.vector_store %arg6[%swap3A_50], %swap3A_53 {strides = array<i32>} : memref<256xf32, #tpu.memory_space<vmem>>, vector<16xf32>,
      %broadcast_in_dim3A_54 = arith.constant 1.000000e+00 : f32
      %broadcast_in_dim3A_55 = vector.broadcast %broadcast_in_dim3A_54 : f32 to vector<16xf32>
      %swap3A_56 = arith.constant 144 : index
      %swap3A_57 = tpu.vector_load %arg6[%swap3A_56] {strides = array<i32>} : memref<256xf32, #tpu.memory_space<vmem>>, vector<16xf32>,
      %swap3A_58 = vector.shape_cast %swap3A_57 : vector<16xf32> to vector<16xf32>
      %swap3A_59 = vector.shape_cast %broadcast_in_dim3A_55 : vector<16xf32> to vector<16xf32>
      tpu.vector_store %arg6[%swap3A_56], %swap3A_59 {strides = array<i32>} : memref<256xf32, #tpu.memory_space<vmem>>, vector<16xf32>,
      %broadcast_in_dim3A_60 = arith.constant 1.000000e+00 : f32
      %broadcast_in_dim3A_61 = vector.broadcast %broadcast_in_dim3A_60 : f32 to vector<16xf32>
      %swap3A_62 = arith.constant 160 : index
      %swap3A_63 = tpu.vector_load %arg6[%swap3A_62] {strides = array<i32>} : memref<256xf32, #tpu.memory_space<vmem>>, vector<16xf32>,
      %swap3A_64 = vector.shape_cast %swap3A_63 : vector<16xf32> to vector<16xf32>
      %swap3A_65 = vector.shape_cast %broadcast_in_dim3A_61 : vector<16xf32> to vector<16xf32>
      tpu.vector_store %arg6[%swap3A_62], %swap3A_65 {strides = array<i32>} : memref<256xf32, #tpu.memory_space<vmem>>, vector<16xf32>,
      %broadcast_in_dim3A_66 = arith.constant 1.000000e+00 : f32
      %broadcast_in_dim3A_67 = vector.broadcast %broadcast_in_dim3A_66 : f32 to vector<16xf32>
      %swap3A_68 = arith.constant 176 : index
      %swap3A_69 = tpu.vector_load %arg6[%swap3A_68] {strides = array<i32>} : memref<256xf32, #tpu.memory_space<vmem>>, vector<16xf32>,
      %swap3A_70 = vector.shape_cast %swap3A_69 : vector<16xf32> to vector<16xf32>
      %swap3A_71 = vector.shape_cast %broadcast_in_dim3A_67 : vector<16xf32> to vector<16xf32>
      tpu.vector_store %arg6[%swap3A_68], %swap3A_71 {strides = array<i32>} : memref<256xf32, #tpu.memory_space<vmem>>, vector<16xf32>,
      %broadcast_in_dim3A_72 = arith.constant 1.000000e+00 : f32
      %broadcast_in_dim3A_73 = vector.broadcast %broadcast_in_dim3A_72 : f32 to vector<16xf32>
      %swap3A_74 = arith.constant 192 : index
      %swap3A_75 = tpu.vector_load %arg6[%swap3A_74] {strides = array<i32>} : memref<256xf32, #tpu.memory_space<vmem>>, vector<16xf32>,
      %swap3A_76 = vector.shape_cast %swap3A_75 : vector<16xf32> to vector<16xf32>
      %swap3A_77 = vector.shape_cast %broadcast_in_dim3A_73 : vector<16xf32> to vector<16xf32>
      tpu.vector_store %arg6[%swap3A_74], %swap3A_77 {strides = array<i32>} : memref<256xf32, #tpu.memory_space<vmem>>, vector<16xf32>,
      %broadcast_in_dim3A_78 = arith.constant 1.000000e+00 : f32
      %broadcast_in_dim3A_79 = vector.broadcast %broadcast_in_dim3A_78 : f32 to vector<16xf32>
      %swap3A_80 = arith.constant 208 : index
      %swap3A_81 = tpu.vector_load %arg6[%swap3A_80] {strides = array<i32>} : memref<256xf32, #tpu.memory_space<vmem>>, vector<16xf32>,
      %swap3A_82 = vector.shape_cast %swap3A_81 : vector<16xf32> to vector<16xf32>
      %swap3A_83 = vector.shape_cast %broadcast_in_dim3A_79 : vector<16xf32> to vector<16xf32>
      tpu.vector_store %arg6[%swap3A_80], %swap3A_83 {strides = array<i32>} : memref<256xf32, #tpu.memory_space<vmem>>, vector<16xf32>,
      %broadcast_in_dim3A_84 = arith.constant 1.000000e+00 : f32
      %broadcast_in_dim3A_85 = vector.broadcast %broadcast_in_dim3A_84 : f32 to vector<16xf32>
      %swap3A_86 = arith.constant 224 : index
      %swap3A_87 = tpu.vector_load %arg6[%swap3A_86] {strides = array<i32>} : memref<256xf32, #tpu.memory_space<vmem>>, vector<16xf32>,
      %swap3A_88 = vector.shape_cast %swap3A_87 : vector<16xf32> to vector<16xf32>
      %swap3A_89 = vector.shape_cast %broadcast_in_dim3A_85 : vector<16xf32> to vector<16xf32>
      tpu.vector_store %arg6[%swap3A_86], %swap3A_89 {strides = array<i32>} : memref<256xf32, #tpu.memory_space<vmem>>, vector<16xf32>,
      %broadcast_in_dim3A_90 = arith.constant 1.000000e+00 : f32
      %broadcast_in_dim3A_91 = vector.broadcast %broadcast_in_dim3A_90 : f32 to vector<16xf32>
      %swap3A_92 = arith.constant 240 : index
      %swap3A_93 = tpu.vector_load %arg6[%swap3A_92] {strides = array<i32>} : memref<256xf32, #tpu.memory_space<vmem>>, vector<16xf32>,
      %swap3A_94 = vector.shape_cast %swap3A_93 : vector<16xf32> to vector<16xf32>
      %swap3A_95 = vector.shape_cast %broadcast_in_dim3A_91 : vector<16xf32> to vector<16xf32>
      tpu.vector_store %arg6[%swap3A_92], %swap3A_95 {strides = array<i32>} : memref<256xf32, #tpu.memory_space<vmem>>, vector<16xf32>,
      %eq3A_96 = arith.constant 0 : i32
      %eq3A_97 = arith.cmpi eq, %arg1, %eq3A_96 : i32
      %convert_element_type3A_98 = arith.extui %eq3A_97 : i1 to i32
      %cond3A_99 = arith.constant 0 : i32
      %cond3A_100 = arith.cmpi ne, %convert_element_type3A_98, %cond3A_99 : i32
      scf.if %cond3A_100 {
        "tpu.region"() ({
          %run_scoped3A = tpu.sem_alloc : memref<!tpu.dma_semaphore, #tpu.memory_space<semaphore_mem>>
          tpu.enqueue_dma source(%arg3 : memref<10112xf32, #tpu.memory_space<hbm>>) target(%arg7 : memref<10112xf32, #tpu.memory_space<vmem_shared>>) target_semaphore(%run_scoped3A : memref<!tpu.dma_semaphore, #tpu.memory_space<semaphore_mem>>)
          tpu.wait_dma2 semaphore(%run_scoped3A : memref<!tpu.dma_semaphore, #tpu.memory_space<semaphore_mem>>) src(%arg3 : memref<10112xf32, #tpu.memory_space<hbm>>) dst(%arg7 : memref<10112xf32, #tpu.memory_space<vmem_shared>>)
          tpu.yield
        }) : () -> ()
      } else {
      }
      %barrier3A = arith.constant 0 : index
      tpu.barrier barrier_id(%barrier3A)
      %scan3A = arith.constant 0 : i32
      %scan3A_101 = arith.constant 40 : i32
      %scan3A_102 = arith.addi %scan3A, %scan3A_101 : i32
      %scan3A_103 = arith.constant 1 : i32
      scf.for %scan3A_111 = %scan3A to %scan3A_102 step %scan3A_103  : i32 {
        %mul3A = arith.constant 1 : i32
        %mul3A_112 = arith.muli %scan3A_111, %mul3A : i32
        %add3A = arith.constant 0 : i32
        %add3A_113 = arith.addi %add3A, %mul3A_112 : i32
        "tpu.region"() ({
          %run_scoped3A = tpu.sem_alloc : memref<!tpu.dma_semaphore, #tpu.memory_space<semaphore_mem>>
          %dma_start3A = arith.constant 0 : i32
          %dma_start3A_114 = tpu.memref_slice %arg5[%add3A_113, %dma_start3A] : memref<40x256xi32, #tpu.memory_space<vmem>> -> memref<1x256xi32, #tpu.memory_space<vmem>>
          %dma_start3A_115 = tpu.memref_squeeze %dma_start3A_114 : memref<1x256xi32, #tpu.memory_space<vmem>> -> memref<256xi32, #tpu.memory_space<vmem>>
          %dma_start3A_116 = arith.constant 0 : i32
          %dma_start3A_117 = tpu.memref_slice %arg7[%dma_start3A_116] : memref<10112xf32, #tpu.memory_space<vmem_shared>> -> memref<10112xf32, #tpu.memory_space<vmem_shared>>
          tpu.enqueue_indirect_dma source(%arg6 : memref<256xf32, #tpu.memory_space<vmem>>) target(%dma_start3A_117 : memref<10112xf32, #tpu.memory_space<vmem_shared>>) offsets(%dma_start3A_115 : memref<256xi32, #tpu.memory_space<vmem>>) semaphore(%run_scoped3A : memref<!tpu.dma_semaphore, #tpu.memory_space<semaphore_mem>>) {add = true}
          %dma_wait3A = arith.constant 0 : i32
          %dma_wait3A_118 = tpu.memref_slice %arg5[%add3A_113, %dma_wait3A] : memref<40x256xi32, #tpu.memory_space<vmem>> -> memref<1x256xi32, #tpu.memory_space<vmem>>
          %dma_wait3A_119 = tpu.memref_squeeze %dma_wait3A_118 : memref<1x256xi32, #tpu.memory_space<vmem>> -> memref<256xi32, #tpu.memory_space<vmem>>
          %dma_wait3A_120 = arith.constant 0 : i32
          %dma_wait3A_121 = tpu.memref_slice %arg7[%dma_wait3A_120] : memref<10112xf32, #tpu.memory_space<vmem_shared>> -> memref<10112xf32, #tpu.memory_space<vmem_shared>>
          tpu.wait_indirect_dma semaphore(%run_scoped3A : memref<!tpu.dma_semaphore, #tpu.memory_space<semaphore_mem>>) src(%arg6 : memref<256xf32, #tpu.memory_space<vmem>>) dst(%dma_wait3A_121 : memref<10112xf32, #tpu.memory_space<vmem_shared>>)
          tpu.yield
        }) : () -> ()
      }
      %scan3A_104 = arith.constant 40 : i32
      %barrier3A_105 = arith.constant 0 : index
      tpu.barrier barrier_id(%barrier3A_105)
      %eq3A_106 = arith.constant 0 : i32
      %eq3A_107 = arith.cmpi eq, %arg1, %eq3A_106 : i32
      %convert_element_type3A_108 = arith.extui %eq3A_107 : i1 to i32
      %cond3A_109 = arith.constant 0 : i32
      %cond3A_110 = arith.cmpi ne, %convert_element_type3A_108, %cond3A_109 : i32
      scf.if %cond3A_110 {
        "tpu.region"() ({
          %run_scoped3A = tpu.sem_alloc : memref<!tpu.dma_semaphore, #tpu.memory_space<semaphore_mem>>
          tpu.enqueue_dma source(%arg7 : memref<10112xf32, #tpu.memory_space<vmem_shared>>) target(%arg4 : memref<10112xf32, #tpu.memory_space<hbm>>) target_semaphore(%run_scoped3A : memref<!tpu.dma_semaphore, #tpu.memory_space<semaphore_mem>>)
          tpu.wait_dma2 semaphore(%run_scoped3A : memref<!tpu.dma_semaphore, #tpu.memory_space<semaphore_mem>>) src(%arg7 : memref<10112xf32, #tpu.memory_space<vmem_shared>>) dst(%arg4 : memref<10112xf32, #tpu.memory_space<hbm>>)
          tpu.yield
        }) : () -> ()
      } else {
      }
    } else {
    }
    return
  }
}

#map = affine_map<(d0, d1) -> (0, 0)>
#map1 = affine_map<(d0, d1) -> (0, 0, 0)>
module attributes {stable_mosaic.version = 14 : i64} {
  func.func @_scatter(%arg0: i32, %arg1: i32, %arg2: memref<10000x64xf32, #tpu.memory_space<hbm>>, %arg3: memref<16x40x256xi32, #tpu.memory_space<hbm>>, %arg4: memref<16x40x256xi32, #tpu.memory_space<hbm>>, %arg5: memref<10112x64xf32, #tpu.memory_space<hbm>>, %arg6: memref<10112x64xf32, #tpu.memory_space<hbm>>, %arg7: memref<40x256xi32, #tpu.memory_space<vmem>>, %arg8: memref<40x256xi32, #tpu.memory_space<vmem>>, %arg9: memref<256x64xf32, #tpu.memory_space<vmem>>, %arg10: memref<256x64xf32, #tpu.memory_space<vmem>>, %arg11: memref<10112x64xf32, #tpu.memory_space<vmem_shared>>, %arg12: memref<!tpu.dma_semaphore, #tpu.memory_space<semaphore_mem>>, %arg13: memref<!tpu.dma_semaphore, #tpu.memory_space<semaphore_mem>>) attributes {dimension_semantics = [#tpu.dimension_semantics<core_parallel>, #tpu.dimension_semantics<subcore_parallel>], iteration_bounds = array<i64: 2, 16>, scalar_prefetch = 0 : i64, scratch_operands = 7 : i64, tpu.core_type = #tpu.core_type<sc_vector_subcore>, window_params = [{transform_indices = #map}, {transform_indices = #map1}, {transform_indices = #map1}, {transform_indices = #map}, {transform_indices = #map}]} {
    %mul3A = arith.constant 632 : i32
    %mul3A_0 = arith.muli %arg1, %mul3A : i32
    %eq3A = arith.constant 0 : i32
    %eq3A_1 = arith.cmpi eq, %arg0, %eq3A : i32
    %convert_element_type3A = arith.extui %eq3A_1 : i1 to i32
    %cond3A = arith.constant 0 : i32
    %cond3A_2 = arith.cmpi ne, %convert_element_type3A, %cond3A : i32
    scf.if %cond3A_2 {
      "tpu.region"() ({
        %run_scoped3A_35 = tpu.sem_alloc : memref<!tpu.dma_semaphore, #tpu.memory_space<semaphore_mem>>
        %dma_start3A_36 = arith.constant 0 : i32
        %dma_start3A_37 = arith.constant 0 : i32
        %dma_start3A_38 = tpu.memref_slice %arg3[%arg1, %dma_start3A_36, %dma_start3A_37] : memref<16x40x256xi32, #tpu.memory_space<hbm>> -> memref<1x40x256xi32, #tpu.memory_space<hbm>>
        %dma_start3A_39 = tpu.memref_squeeze %dma_start3A_38 : memref<1x40x256xi32, #tpu.memory_space<hbm>> -> memref<40x256xi32, #tpu.memory_space<hbm>>
        %dma_start3A_40 = arith.constant 0 : i32
        %dma_start3A_41 = arith.constant 0 : i32
        %dma_start3A_42 = tpu.memref_slice %arg3[%arg1, %dma_start3A_40, %dma_start3A_41] : memref<16x40x256xi32, #tpu.memory_space<hbm>> -> memref<1x40x256xi32, #tpu.memory_space<hbm>>
        %dma_start3A_43 = tpu.memref_squeeze %dma_start3A_42 : memref<1x40x256xi32, #tpu.memory_space<hbm>> -> memref<40x256xi32, #tpu.memory_space<hbm>>
        tpu.enqueue_dma source(%dma_start3A_43 : memref<40x256xi32, #tpu.memory_space<hbm>>) target(%arg7 : memref<40x256xi32, #tpu.memory_space<vmem>>) target_semaphore(%run_scoped3A_35 : memref<!tpu.dma_semaphore, #tpu.memory_space<semaphore_mem>>)
        %dma_wait3A_44 = arith.constant 0 : i32
        %dma_wait3A_45 = arith.constant 0 : i32
        %dma_wait3A_46 = tpu.memref_slice %arg3[%arg1, %dma_wait3A_44, %dma_wait3A_45] : memref<16x40x256xi32, #tpu.memory_space<hbm>> -> memref<1x40x256xi32, #tpu.memory_space<hbm>>
        %dma_wait3A_47 = tpu.memref_squeeze %dma_wait3A_46 : memref<1x40x256xi32, #tpu.memory_space<hbm>> -> memref<40x256xi32, #tpu.memory_space<hbm>>
        %dma_wait3A_48 = arith.constant 0 : i32
        %dma_wait3A_49 = arith.constant 0 : i32
        %dma_wait3A_50 = tpu.memref_slice %arg3[%arg1, %dma_wait3A_48, %dma_wait3A_49] : memref<16x40x256xi32, #tpu.memory_space<hbm>> -> memref<1x40x256xi32, #tpu.memory_space<hbm>>
        %dma_wait3A_51 = tpu.memref_squeeze %dma_wait3A_50 : memref<1x40x256xi32, #tpu.memory_space<hbm>> -> memref<40x256xi32, #tpu.memory_space<hbm>>
        tpu.wait_dma2 semaphore(%run_scoped3A_35 : memref<!tpu.dma_semaphore, #tpu.memory_space<semaphore_mem>>) src(%dma_wait3A_51 : memref<40x256xi32, #tpu.memory_space<hbm>>) dst(%arg7 : memref<40x256xi32, #tpu.memory_space<vmem>>)
        tpu.yield
      }) : () -> ()
      "tpu.region"() ({
        %run_scoped3A_35 = tpu.sem_alloc : memref<!tpu.dma_semaphore, #tpu.memory_space<semaphore_mem>>
        %dma_start3A_36 = arith.constant 0 : i32
        %dma_start3A_37 = arith.constant 0 : i32
        %dma_start3A_38 = tpu.memref_slice %arg4[%arg1, %dma_start3A_36, %dma_start3A_37] : memref<16x40x256xi32, #tpu.memory_space<hbm>> -> memref<1x40x256xi32, #tpu.memory_space<hbm>>
        %dma_start3A_39 = tpu.memref_squeeze %dma_start3A_38 : memref<1x40x256xi32, #tpu.memory_space<hbm>> -> memref<40x256xi32, #tpu.memory_space<hbm>>
        %dma_start3A_40 = arith.constant 0 : i32
        %dma_start3A_41 = arith.constant 0 : i32
        %dma_start3A_42 = tpu.memref_slice %arg4[%arg1, %dma_start3A_40, %dma_start3A_41] : memref<16x40x256xi32, #tpu.memory_space<hbm>> -> memref<1x40x256xi32, #tpu.memory_space<hbm>>
        %dma_start3A_43 = tpu.memref_squeeze %dma_start3A_42 : memref<1x40x256xi32, #tpu.memory_space<hbm>> -> memref<40x256xi32, #tpu.memory_space<hbm>>
        tpu.enqueue_dma source(%dma_start3A_43 : memref<40x256xi32, #tpu.memory_space<hbm>>) target(%arg8 : memref<40x256xi32, #tpu.memory_space<vmem>>) target_semaphore(%run_scoped3A_35 : memref<!tpu.dma_semaphore, #tpu.memory_space<semaphore_mem>>)
        %dma_wait3A_44 = arith.constant 0 : i32
        %dma_wait3A_45 = arith.constant 0 : i32
        %dma_wait3A_46 = tpu.memref_slice %arg4[%arg1, %dma_wait3A_44, %dma_wait3A_45] : memref<16x40x256xi32, #tpu.memory_space<hbm>> -> memref<1x40x256xi32, #tpu.memory_space<hbm>>
        %dma_wait3A_47 = tpu.memref_squeeze %dma_wait3A_46 : memref<1x40x256xi32, #tpu.memory_space<hbm>> -> memref<40x256xi32, #tpu.memory_space<hbm>>
        %dma_wait3A_48 = arith.constant 0 : i32
        %dma_wait3A_49 = arith.constant 0 : i32
        %dma_wait3A_50 = tpu.memref_slice %arg4[%arg1, %dma_wait3A_48, %dma_wait3A_49] : memref<16x40x256xi32, #tpu.memory_space<hbm>> -> memref<1x40x256xi32, #tpu.memory_space<hbm>>
        %dma_wait3A_51 = tpu.memref_squeeze %dma_wait3A_50 : memref<1x40x256xi32, #tpu.memory_space<hbm>> -> memref<40x256xi32, #tpu.memory_space<hbm>>
        tpu.wait_dma2 semaphore(%run_scoped3A_35 : memref<!tpu.dma_semaphore, #tpu.memory_space<semaphore_mem>>) src(%dma_wait3A_51 : memref<40x256xi32, #tpu.memory_space<hbm>>) dst(%arg8 : memref<40x256xi32, #tpu.memory_space<vmem>>)
        tpu.yield
      }) : () -> ()
      "tpu.region"() ({
        %run_scoped3A_35 = tpu.sem_alloc : memref<!tpu.dma_semaphore, #tpu.memory_space<semaphore_mem>>
        %dma_start3A_36 = arith.constant 0 : i32
        %dma_start3A_37 = tpu.memref_slice %arg11[%mul3A_0, %dma_start3A_36] : memref<10112x64xf32, #tpu.memory_space<vmem_shared>> -> memref<632x64xf32, #tpu.memory_space<vmem_shared>>
        %dma_start3A_38 = arith.constant 0 : i32
        %dma_start3A_39 = tpu.memref_slice %arg5[%mul3A_0, %dma_start3A_38] : memref<10112x64xf32, #tpu.memory_space<hbm>> -> memref<632x64xf32, #tpu.memory_space<hbm>>
        tpu.enqueue_dma source(%dma_start3A_39 : memref<632x64xf32, #tpu.memory_space<hbm>>) target(%dma_start3A_37 : memref<632x64xf32, #tpu.memory_space<vmem_shared>>) target_semaphore(%run_scoped3A_35 : memref<!tpu.dma_semaphore, #tpu.memory_space<semaphore_mem>>)
        %dma_wait3A_40 = arith.constant 0 : i32
        %dma_wait3A_41 = tpu.memref_slice %arg11[%mul3A_0, %dma_wait3A_40] : memref<10112x64xf32, #tpu.memory_space<vmem_shared>> -> memref<632x64xf32, #tpu.memory_space<vmem_shared>>
        %dma_wait3A_42 = arith.constant 0 : i32
        %dma_wait3A_43 = tpu.memref_slice %arg5[%mul3A_0, %dma_wait3A_42] : memref<10112x64xf32, #tpu.memory_space<hbm>> -> memref<632x64xf32, #tpu.memory_space<hbm>>
        tpu.wait_dma2 semaphore(%run_scoped3A_35 : memref<!tpu.dma_semaphore, #tpu.memory_space<semaphore_mem>>) src(%dma_wait3A_43 : memref<632x64xf32, #tpu.memory_space<hbm>>) dst(%dma_wait3A_41 : memref<632x64xf32, #tpu.memory_space<vmem_shared>>)
        tpu.yield
      }) : () -> ()
      %barrier3A = arith.constant 0 : index
      tpu.barrier barrier_id(%barrier3A)
      %dma_start3A = arith.constant 0 : i32
      %dma_start3A_3 = arith.constant 0 : i32
      %dma_start3A_4 = tpu.memref_slice %arg7[%dma_start3A, %dma_start3A_3] : memref<40x256xi32, #tpu.memory_space<vmem>> -> memref<1x256xi32, #tpu.memory_space<vmem>>
      %dma_start3A_5 = tpu.memref_squeeze %dma_start3A_4 : memref<1x256xi32, #tpu.memory_space<vmem>> -> memref<256xi32, #tpu.memory_space<vmem>>
      %dma_start3A_6 = arith.constant 0 : i32
      %dma_start3A_7 = arith.constant 0 : i32
      %dma_start3A_8 = tpu.memref_slice %arg2[%dma_start3A_6, %dma_start3A_7] : memref<10000x64xf32, #tpu.memory_space<hbm>> -> memref<10000x64xf32, #tpu.memory_space<hbm>>
      tpu.enqueue_indirect_dma source(%dma_start3A_8 : memref<10000x64xf32, #tpu.memory_space<hbm>>) target(%arg9 : memref<256x64xf32, #tpu.memory_space<vmem>>) offsets(%dma_start3A_5 : memref<256xi32, #tpu.memory_space<vmem>>) semaphore(%arg12 : memref<!tpu.dma_semaphore, #tpu.memory_space<semaphore_mem>>)
      %scan3A = arith.constant 0 : i32
      %scan3A_9 = arith.constant 19 : i32
      %scan3A_10 = arith.addi %scan3A, %scan3A_9 : i32
      %scan3A_11 = arith.constant 1 : i32
      scf.for %scan3A_35 = %scan3A to %scan3A_10 step %scan3A_11  : i32 {
        %mul3A_36 = arith.constant 1 : i32
        %mul3A_37 = arith.muli %scan3A_35, %mul3A_36 : i32
        %add3A = arith.constant 0 : i32
        %add3A_38 = arith.addi %add3A, %mul3A_37 : i32
        %mul3A_39 = arith.constant 2 : i32
        %mul3A_40 = arith.muli %add3A_38, %mul3A_39 : i32
        %dma_wait3A_41 = arith.constant 0 : i32
        %dma_wait3A_42 = tpu.memref_slice %arg7[%mul3A_40, %dma_wait3A_41] : memref<40x256xi32, #tpu.memory_space<vmem>> -> memref<1x256xi32, #tpu.memory_space<vmem>>
        %dma_wait3A_43 = tpu.memref_squeeze %dma_wait3A_42 : memref<1x256xi32, #tpu.memory_space<vmem>> -> memref<256xi32, #tpu.memory_space<vmem>>
        %dma_wait3A_44 = arith.constant 0 : i32
        %dma_wait3A_45 = arith.constant 0 : i32
        %dma_wait3A_46 = tpu.memref_slice %arg2[%dma_wait3A_44, %dma_wait3A_45] : memref<10000x64xf32, #tpu.memory_space<hbm>> -> memref<10000x64xf32, #tpu.memory_space<hbm>>
        tpu.wait_indirect_dma semaphore(%arg12 : memref<!tpu.dma_semaphore, #tpu.memory_space<semaphore_mem>>) src(%dma_wait3A_46 : memref<10000x64xf32, #tpu.memory_space<hbm>>) dst(%arg9 : memref<256x64xf32, #tpu.memory_space<vmem>>)
        %add3A_47 = arith.constant 1 : i32
        %add3A_48 = arith.addi %mul3A_40, %add3A_47 : i32
        %dma_start3A_49 = arith.constant 0 : i32
        %dma_start3A_50 = tpu.memref_slice %arg7[%add3A_48, %dma_start3A_49] : memref<40x256xi32, #tpu.memory_space<vmem>> -> memref<1x256xi32, #tpu.memory_space<vmem>>
        %dma_start3A_51 = tpu.memref_squeeze %dma_start3A_50 : memref<1x256xi32, #tpu.memory_space<vmem>> -> memref<256xi32, #tpu.memory_space<vmem>>
        %dma_start3A_52 = arith.constant 0 : i32
        %dma_start3A_53 = arith.constant 0 : i32
        %dma_start3A_54 = tpu.memref_slice %arg2[%dma_start3A_52, %dma_start3A_53] : memref<10000x64xf32, #tpu.memory_space<hbm>> -> memref<10000x64xf32, #tpu.memory_space<hbm>>
        tpu.enqueue_indirect_dma source(%dma_start3A_54 : memref<10000x64xf32, #tpu.memory_space<hbm>>) target(%arg10 : memref<256x64xf32, #tpu.memory_space<vmem>>) offsets(%dma_start3A_51 : memref<256xi32, #tpu.memory_space<vmem>>) semaphore(%arg13 : memref<!tpu.dma_semaphore, #tpu.memory_space<semaphore_mem>>)
        "tpu.region"() ({
          %run_scoped3A_73 = tpu.sem_alloc : memref<!tpu.dma_semaphore, #tpu.memory_space<semaphore_mem>>
          %dma_start3A_74 = arith.constant 0 : i32
          %dma_start3A_75 = tpu.memref_slice %arg8[%mul3A_40, %dma_start3A_74] : memref<40x256xi32, #tpu.memory_space<vmem>> -> memref<1x256xi32, #tpu.memory_space<vmem>>
          %dma_start3A_76 = tpu.memref_squeeze %dma_start3A_75 : memref<1x256xi32, #tpu.memory_space<vmem>> -> memref<256xi32, #tpu.memory_space<vmem>>
          %dma_start3A_77 = arith.constant 0 : i32
          %dma_start3A_78 = arith.constant 0 : i32
          %dma_start3A_79 = tpu.memref_slice %arg11[%dma_start3A_77, %dma_start3A_78] : memref<10112x64xf32, #tpu.memory_space<vmem_shared>> -> memref<10112x64xf32, #tpu.memory_space<vmem_shared>>
          tpu.enqueue_indirect_dma source(%arg9 : memref<256x64xf32, #tpu.memory_space<vmem>>) target(%dma_start3A_79 : memref<10112x64xf32, #tpu.memory_space<vmem_shared>>) offsets(%dma_start3A_76 : memref<256xi32, #tpu.memory_space<vmem>>) semaphore(%run_scoped3A_73 : memref<!tpu.dma_semaphore, #tpu.memory_space<semaphore_mem>>) {add = true}
          %dma_wait3A_80 = arith.constant 0 : i32
          %dma_wait3A_81 = tpu.memref_slice %arg8[%mul3A_40, %dma_wait3A_80] : memref<40x256xi32, #tpu.memory_space<vmem>> -> memref<1x256xi32, #tpu.memory_space<vmem>>
          %dma_wait3A_82 = tpu.memref_squeeze %dma_wait3A_81 : memref<1x256xi32, #tpu.memory_space<vmem>> -> memref<256xi32, #tpu.memory_space<vmem>>
          %dma_wait3A_83 = arith.constant 0 : i32
          %dma_wait3A_84 = arith.constant 0 : i32
          %dma_wait3A_85 = tpu.memref_slice %arg11[%dma_wait3A_83, %dma_wait3A_84] : memref<10112x64xf32, #tpu.memory_space<vmem_shared>> -> memref<10112x64xf32, #tpu.memory_space<vmem_shared>>
          tpu.wait_indirect_dma semaphore(%run_scoped3A_73 : memref<!tpu.dma_semaphore, #tpu.memory_space<semaphore_mem>>) src(%arg9 : memref<256x64xf32, #tpu.memory_space<vmem>>) dst(%dma_wait3A_85 : memref<10112x64xf32, #tpu.memory_space<vmem_shared>>)
          tpu.yield
        }) : () -> ()
        %add3A_55 = arith.constant 1 : i32
        %add3A_56 = arith.addi %mul3A_40, %add3A_55 : i32
        %dma_wait3A_57 = arith.constant 0 : i32
        %dma_wait3A_58 = tpu.memref_slice %arg7[%add3A_56, %dma_wait3A_57] : memref<40x256xi32, #tpu.memory_space<vmem>> -> memref<1x256xi32, #tpu.memory_space<vmem>>
        %dma_wait3A_59 = tpu.memref_squeeze %dma_wait3A_58 : memref<1x256xi32, #tpu.memory_space<vmem>> -> memref<256xi32, #tpu.memory_space<vmem>>
        %dma_wait3A_60 = arith.constant 0 : i32
        %dma_wait3A_61 = arith.constant 0 : i32
        %dma_wait3A_62 = tpu.memref_slice %arg2[%dma_wait3A_60, %dma_wait3A_61] : memref<10000x64xf32, #tpu.memory_space<hbm>> -> memref<10000x64xf32, #tpu.memory_space<hbm>>
        tpu.wait_indirect_dma semaphore(%arg13 : memref<!tpu.dma_semaphore, #tpu.memory_space<semaphore_mem>>) src(%dma_wait3A_62 : memref<10000x64xf32, #tpu.memory_space<hbm>>) dst(%arg10 : memref<256x64xf32, #tpu.memory_space<vmem>>)
        %add3A_63 = arith.constant 2 : i32
        %add3A_64 = arith.addi %mul3A_40, %add3A_63 : i32
        %dma_start3A_65 = arith.constant 0 : i32
        %dma_start3A_66 = tpu.memref_slice %arg7[%add3A_64, %dma_start3A_65] : memref<40x256xi32, #tpu.memory_space<vmem>> -> memref<1x256xi32, #tpu.memory_space<vmem>>
        %dma_start3A_67 = tpu.memref_squeeze %dma_start3A_66 : memref<1x256xi32, #tpu.memory_space<vmem>> -> memref<256xi32, #tpu.memory_space<vmem>>
        %dma_start3A_68 = arith.constant 0 : i32
        %dma_start3A_69 = arith.constant 0 : i32
        %dma_start3A_70 = tpu.memref_slice %arg2[%dma_start3A_68, %dma_start3A_69] : memref<10000x64xf32, #tpu.memory_space<hbm>> -> memref<10000x64xf32, #tpu.memory_space<hbm>>
        tpu.enqueue_indirect_dma source(%dma_start3A_70 : memref<10000x64xf32, #tpu.memory_space<hbm>>) target(%arg9 : memref<256x64xf32, #tpu.memory_space<vmem>>) offsets(%dma_start3A_67 : memref<256xi32, #tpu.memory_space<vmem>>) semaphore(%arg12 : memref<!tpu.dma_semaphore, #tpu.memory_space<semaphore_mem>>)
        %add3A_71 = arith.constant 1 : i32
        %add3A_72 = arith.addi %mul3A_40, %add3A_71 : i32
        "tpu.region"() ({
          %run_scoped3A_73 = tpu.sem_alloc : memref<!tpu.dma_semaphore, #tpu.memory_space<semaphore_mem>>
          %dma_start3A_74 = arith.constant 0 : i32
          %dma_start3A_75 = tpu.memref_slice %arg8[%add3A_72, %dma_start3A_74] : memref<40x256xi32, #tpu.memory_space<vmem>> -> memref<1x256xi32, #tpu.memory_space<vmem>>
          %dma_start3A_76 = tpu.memref_squeeze %dma_start3A_75 : memref<1x256xi32, #tpu.memory_space<vmem>> -> memref<256xi32, #tpu.memory_space<vmem>>
          %dma_start3A_77 = arith.constant 0 : i32
          %dma_start3A_78 = arith.constant 0 : i32
          %dma_start3A_79 = tpu.memref_slice %arg11[%dma_start3A_77, %dma_start3A_78] : memref<10112x64xf32, #tpu.memory_space<vmem_shared>> -> memref<10112x64xf32, #tpu.memory_space<vmem_shared>>
          tpu.enqueue_indirect_dma source(%arg10 : memref<256x64xf32, #tpu.memory_space<vmem>>) target(%dma_start3A_79 : memref<10112x64xf32, #tpu.memory_space<vmem_shared>>) offsets(%dma_start3A_76 : memref<256xi32, #tpu.memory_space<vmem>>) semaphore(%run_scoped3A_73 : memref<!tpu.dma_semaphore, #tpu.memory_space<semaphore_mem>>) {add = true}
          %dma_wait3A_80 = arith.constant 0 : i32
          %dma_wait3A_81 = tpu.memref_slice %arg8[%add3A_72, %dma_wait3A_80] : memref<40x256xi32, #tpu.memory_space<vmem>> -> memref<1x256xi32, #tpu.memory_space<vmem>>
          %dma_wait3A_82 = tpu.memref_squeeze %dma_wait3A_81 : memref<1x256xi32, #tpu.memory_space<vmem>> -> memref<256xi32, #tpu.memory_space<vmem>>
          %dma_wait3A_83 = arith.constant 0 : i32
          %dma_wait3A_84 = arith.constant 0 : i32
          %dma_wait3A_85 = tpu.memref_slice %arg11[%dma_wait3A_83, %dma_wait3A_84] : memref<10112x64xf32, #tpu.memory_space<vmem_shared>> -> memref<10112x64xf32, #tpu.memory_space<vmem_shared>>
          tpu.wait_indirect_dma semaphore(%run_scoped3A_73 : memref<!tpu.dma_semaphore, #tpu.memory_space<semaphore_mem>>) src(%arg10 : memref<256x64xf32, #tpu.memory_space<vmem>>) dst(%dma_wait3A_85 : memref<10112x64xf32, #tpu.memory_space<vmem_shared>>)
          tpu.yield
        }) : () -> ()
      }
      %scan3A_12 = arith.constant 19 : i32
      %dma_wait3A = arith.constant 38 : i32
      %dma_wait3A_13 = arith.constant 0 : i32
      %dma_wait3A_14 = tpu.memref_slice %arg7[%dma_wait3A, %dma_wait3A_13] : memref<40x256xi32, #tpu.memory_space<vmem>> -> memref<1x256xi32, #tpu.memory_space<vmem>>
      %dma_wait3A_15 = tpu.memref_squeeze %dma_wait3A_14 : memref<1x256xi32, #tpu.memory_space<vmem>> -> memref<256xi32, #tpu.memory_space<vmem>>
      %dma_wait3A_16 = arith.constant 0 : i32
      %dma_wait3A_17 = arith.constant 0 : i32
      %dma_wait3A_18 = tpu.memref_slice %arg2[%dma_wait3A_16, %dma_wait3A_17] : memref<10000x64xf32, #tpu.memory_space<hbm>> -> memref<10000x64xf32, #tpu.memory_space<hbm>>
      tpu.wait_indirect_dma semaphore(%arg12 : memref<!tpu.dma_semaphore, #tpu.memory_space<semaphore_mem>>) src(%dma_wait3A_18 : memref<10000x64xf32, #tpu.memory_space<hbm>>) dst(%arg9 : memref<256x64xf32, #tpu.memory_space<vmem>>)
      %dma_start3A_19 = arith.constant 39 : i32
      %dma_start3A_20 = arith.constant 0 : i32
      %dma_start3A_21 = tpu.memref_slice %arg7[%dma_start3A_19, %dma_start3A_20] : memref<40x256xi32, #tpu.memory_space<vmem>> -> memref<1x256xi32, #tpu.memory_space<vmem>>
      %dma_start3A_22 = tpu.memref_squeeze %dma_start3A_21 : memref<1x256xi32, #tpu.memory_space<vmem>> -> memref<256xi32, #tpu.memory_space<vmem>>
      %dma_start3A_23 = arith.constant 0 : i32
      %dma_start3A_24 = arith.constant 0 : i32
      %dma_start3A_25 = tpu.memref_slice %arg2[%dma_start3A_23, %dma_start3A_24] : memref<10000x64xf32, #tpu.memory_space<hbm>> -> memref<10000x64xf32, #tpu.memory_space<hbm>>
      tpu.enqueue_indirect_dma source(%dma_start3A_25 : memref<10000x64xf32, #tpu.memory_space<hbm>>) target(%arg10 : memref<256x64xf32, #tpu.memory_space<vmem>>) offsets(%dma_start3A_22 : memref<256xi32, #tpu.memory_space<vmem>>) semaphore(%arg13 : memref<!tpu.dma_semaphore, #tpu.memory_space<semaphore_mem>>)
      %run_scoped3A = arith.constant 38 : i32
      "tpu.region"() ({
        %run_scoped3A_35 = tpu.sem_alloc : memref<!tpu.dma_semaphore, #tpu.memory_space<semaphore_mem>>
        %dma_start3A_36 = arith.constant 0 : i32
        %dma_start3A_37 = tpu.memref_slice %arg8[%run_scoped3A, %dma_start3A_36] : memref<40x256xi32, #tpu.memory_space<vmem>> -> memref<1x256xi32, #tpu.memory_space<vmem>>
        %dma_start3A_38 = tpu.memref_squeeze %dma_start3A_37 : memref<1x256xi32, #tpu.memory_space<vmem>> -> memref<256xi32, #tpu.memory_space<vmem>>
        %dma_start3A_39 = arith.constant 0 : i32
        %dma_start3A_40 = arith.constant 0 : i32
        %dma_start3A_41 = tpu.memref_slice %arg11[%dma_start3A_39, %dma_start3A_40] : memref<10112x64xf32, #tpu.memory_space<vmem_shared>> -> memref<10112x64xf32, #tpu.memory_space<vmem_shared>>
        tpu.enqueue_indirect_dma source(%arg9 : memref<256x64xf32, #tpu.memory_space<vmem>>) target(%dma_start3A_41 : memref<10112x64xf32, #tpu.memory_space<vmem_shared>>) offsets(%dma_start3A_38 : memref<256xi32, #tpu.memory_space<vmem>>) semaphore(%run_scoped3A_35 : memref<!tpu.dma_semaphore, #tpu.memory_space<semaphore_mem>>) {add = true}
        %dma_wait3A_42 = arith.constant 0 : i32
        %dma_wait3A_43 = tpu.memref_slice %arg8[%run_scoped3A, %dma_wait3A_42] : memref<40x256xi32, #tpu.memory_space<vmem>> -> memref<1x256xi32, #tpu.memory_space<vmem>>
        %dma_wait3A_44 = tpu.memref_squeeze %dma_wait3A_43 : memref<1x256xi32, #tpu.memory_space<vmem>> -> memref<256xi32, #tpu.memory_space<vmem>>
        %dma_wait3A_45 = arith.constant 0 : i32
        %dma_wait3A_46 = arith.constant 0 : i32
        %dma_wait3A_47 = tpu.memref_slice %arg11[%dma_wait3A_45, %dma_wait3A_46] : memref<10112x64xf32, #tpu.memory_space<vmem_shared>> -> memref<10112x64xf32, #tpu.memory_space<vmem_shared>>
        tpu.wait_indirect_dma semaphore(%run_scoped3A_35 : memref<!tpu.dma_semaphore, #tpu.memory_space<semaphore_mem>>) src(%arg9 : memref<256x64xf32, #tpu.memory_space<vmem>>) dst(%dma_wait3A_47 : memref<10112x64xf32, #tpu.memory_space<vmem_shared>>)
        tpu.yield
      }) : () -> ()
      %dma_wait3A_26 = arith.constant 39 : i32
      %dma_wait3A_27 = arith.constant 0 : i32
      %dma_wait3A_28 = tpu.memref_slice %arg7[%dma_wait3A_26, %dma_wait3A_27] : memref<40x256xi32, #tpu.memory_space<vmem>> -> memref<1x256xi32, #tpu.memory_space<vmem>>
      %dma_wait3A_29 = tpu.memref_squeeze %dma_wait3A_28 : memref<1x256xi32, #tpu.memory_space<vmem>> -> memref<256xi32, #tpu.memory_space<vmem>>
      %dma_wait3A_30 = arith.constant 0 : i32
      %dma_wait3A_31 = arith.constant 0 : i32
      %dma_wait3A_32 = tpu.memref_slice %arg2[%dma_wait3A_30, %dma_wait3A_31] : memref<10000x64xf32, #tpu.memory_space<hbm>> -> memref<10000x64xf32, #tpu.memory_space<hbm>>
      tpu.wait_indirect_dma semaphore(%arg13 : memref<!tpu.dma_semaphore, #tpu.memory_space<semaphore_mem>>) src(%dma_wait3A_32 : memref<10000x64xf32, #tpu.memory_space<hbm>>) dst(%arg10 : memref<256x64xf32, #tpu.memory_space<vmem>>)
      %run_scoped3A_33 = arith.constant 39 : i32
      "tpu.region"() ({
        %run_scoped3A_35 = tpu.sem_alloc : memref<!tpu.dma_semaphore, #tpu.memory_space<semaphore_mem>>
        %dma_start3A_36 = arith.constant 0 : i32
        %dma_start3A_37 = tpu.memref_slice %arg8[%run_scoped3A_33, %dma_start3A_36] : memref<40x256xi32, #tpu.memory_space<vmem>> -> memref<1x256xi32, #tpu.memory_space<vmem>>
        %dma_start3A_38 = tpu.memref_squeeze %dma_start3A_37 : memref<1x256xi32, #tpu.memory_space<vmem>> -> memref<256xi32, #tpu.memory_space<vmem>>
        %dma_start3A_39 = arith.constant 0 : i32
        %dma_start3A_40 = arith.constant 0 : i32
        %dma_start3A_41 = tpu.memref_slice %arg11[%dma_start3A_39, %dma_start3A_40] : memref<10112x64xf32, #tpu.memory_space<vmem_shared>> -> memref<10112x64xf32, #tpu.memory_space<vmem_shared>>
        tpu.enqueue_indirect_dma source(%arg10 : memref<256x64xf32, #tpu.memory_space<vmem>>) target(%dma_start3A_41 : memref<10112x64xf32, #tpu.memory_space<vmem_shared>>) offsets(%dma_start3A_38 : memref<256xi32, #tpu.memory_space<vmem>>) semaphore(%run_scoped3A_35 : memref<!tpu.dma_semaphore, #tpu.memory_space<semaphore_mem>>) {add = true}
        %dma_wait3A_42 = arith.constant 0 : i32
        %dma_wait3A_43 = tpu.memref_slice %arg8[%run_scoped3A_33, %dma_wait3A_42] : memref<40x256xi32, #tpu.memory_space<vmem>> -> memref<1x256xi32, #tpu.memory_space<vmem>>
        %dma_wait3A_44 = tpu.memref_squeeze %dma_wait3A_43 : memref<1x256xi32, #tpu.memory_space<vmem>> -> memref<256xi32, #tpu.memory_space<vmem>>
        %dma_wait3A_45 = arith.constant 0 : i32
        %dma_wait3A_46 = arith.constant 0 : i32
        %dma_wait3A_47 = tpu.memref_slice %arg11[%dma_wait3A_45, %dma_wait3A_46] : memref<10112x64xf32, #tpu.memory_space<vmem_shared>> -> memref<10112x64xf32, #tpu.memory_space<vmem_shared>>
        tpu.wait_indirect_dma semaphore(%run_scoped3A_35 : memref<!tpu.dma_semaphore, #tpu.memory_space<semaphore_mem>>) src(%arg10 : memref<256x64xf32, #tpu.memory_space<vmem>>) dst(%dma_wait3A_47 : memref<10112x64xf32, #tpu.memory_space<vmem_shared>>)
        tpu.yield
      }) : () -> ()
      %barrier3A_34 = arith.constant 0 : index
      tpu.barrier barrier_id(%barrier3A_34)
      "tpu.region"() ({
        %run_scoped3A_35 = tpu.sem_alloc : memref<!tpu.dma_semaphore, #tpu.memory_space<semaphore_mem>>
        %dma_start3A_36 = arith.constant 0 : i32
        %dma_start3A_37 = tpu.memref_slice %arg6[%mul3A_0, %dma_start3A_36] : memref<10112x64xf32, #tpu.memory_space<hbm>> -> memref<632x64xf32, #tpu.memory_space<hbm>>
        %dma_start3A_38 = arith.constant 0 : i32
        %dma_start3A_39 = tpu.memref_slice %arg11[%mul3A_0, %dma_start3A_38] : memref<10112x64xf32, #tpu.memory_space<vmem_shared>> -> memref<632x64xf32, #tpu.memory_space<vmem_shared>>
        tpu.enqueue_dma source(%dma_start3A_39 : memref<632x64xf32, #tpu.memory_space<vmem_shared>>) target(%dma_start3A_37 : memref<632x64xf32, #tpu.memory_space<hbm>>) target_semaphore(%run_scoped3A_35 : memref<!tpu.dma_semaphore, #tpu.memory_space<semaphore_mem>>)
        %dma_wait3A_40 = arith.constant 0 : i32
        %dma_wait3A_41 = tpu.memref_slice %arg6[%mul3A_0, %dma_wait3A_40] : memref<10112x64xf32, #tpu.memory_space<hbm>> -> memref<632x64xf32, #tpu.memory_space<hbm>>
        %dma_wait3A_42 = arith.constant 0 : i32
        %dma_wait3A_43 = tpu.memref_slice %arg11[%mul3A_0, %dma_wait3A_42] : memref<10112x64xf32, #tpu.memory_space<vmem_shared>> -> memref<632x64xf32, #tpu.memory_space<vmem_shared>>
        tpu.wait_dma2 semaphore(%run_scoped3A_35 : memref<!tpu.dma_semaphore, #tpu.memory_space<semaphore_mem>>) src(%dma_wait3A_43 : memref<632x64xf32, #tpu.memory_space<vmem_shared>>) dst(%dma_wait3A_41 : memref<632x64xf32, #tpu.memory_space<hbm>>)
        tpu.yield
      }) : () -> ()
    } else {
    }
    return
  }
}

#map = affine_map<(d0, d1) -> (0, 0)>
#map1 = affine_map<(d0, d1) -> (0, 0, 0)>
module attributes {stable_mosaic.version = 14 : i64} {
  func.func @_scatter(%arg0: i32, %arg1: i32, %arg2: memref<10000x64xf32, #tpu.memory_space<hbm>>, %arg3: memref<16x40x256xi32, #tpu.memory_space<hbm>>, %arg4: memref<16x40x256xi32, #tpu.memory_space<hbm>>, %arg5: memref<10112x64xf32, #tpu.memory_space<hbm>>, %arg6: memref<10112x64xf32, #tpu.memory_space<hbm>>, %arg7: memref<40x256xi32, #tpu.memory_space<vmem>>, %arg8: memref<40x256xi32, #tpu.memory_space<vmem>>, %arg9: memref<256x64xf32, #tpu.memory_space<vmem>>, %arg10: memref<256x64xf32, #tpu.memory_space<vmem>>, %arg11: memref<10112x64xf32, #tpu.memory_space<vmem_shared>>, %arg12: memref<!tpu.dma_semaphore, #tpu.memory_space<semaphore_mem>>, %arg13: memref<!tpu.dma_semaphore, #tpu.memory_space<semaphore_mem>>) attributes {dimension_semantics = [#tpu.dimension_semantics<core_parallel>, #tpu.dimension_semantics<subcore_parallel>], iteration_bounds = array<i64: 2, 16>, scalar_prefetch = 0 : i64, scratch_operands = 7 : i64, tpu.core_type = #tpu.core_type<sc_vector_subcore>, window_params = [{transform_indices = #map}, {transform_indices = #map1}, {transform_indices = #map1}, {transform_indices = #map}, {transform_indices = #map}]} {
    %mul3A = arith.constant 632 : i32
    %mul3A_0 = arith.muli %arg1, %mul3A : i32
    %eq3A = arith.constant 0 : i32
    %eq3A_1 = arith.cmpi eq, %arg0, %eq3A : i32
    %convert_element_type3A = arith.extui %eq3A_1 : i1 to i32
    %cond3A = arith.constant 0 : i32
    %cond3A_2 = arith.cmpi ne, %convert_element_type3A, %cond3A : i32
    scf.if %cond3A_2 {
      "tpu.region"() ({
        %run_scoped3A_35 = tpu.sem_alloc : memref<!tpu.dma_semaphore, #tpu.memory_space<semaphore_mem>>
        %dma_start3A_36 = arith.constant 0 : i32
        %dma_start3A_37 = arith.constant 0 : i32
        %dma_start3A_38 = tpu.memref_slice %arg3[%arg1, %dma_start3A_36, %dma_start3A_37] : memref<16x40x256xi32, #tpu.memory_space<hbm>> -> memref<1x40x256xi32, #tpu.memory_space<hbm>>
        %dma_start3A_39 = tpu.memref_squeeze %dma_start3A_38 : memref<1x40x256xi32, #tpu.memory_space<hbm>> -> memref<40x256xi32, #tpu.memory_space<hbm>>
        %dma_start3A_40 = arith.constant 0 : i32
        %dma_start3A_41 = arith.constant 0 : i32
        %dma_start3A_42 = tpu.memref_slice %arg3[%arg1, %dma_start3A_40, %dma_start3A_41] : memref<16x40x256xi32, #tpu.memory_space<hbm>> -> memref<1x40x256xi32, #tpu.memory_space<hbm>>
        %dma_start3A_43 = tpu.memref_squeeze %dma_start3A_42 : memref<1x40x256xi32, #tpu.memory_space<hbm>> -> memref<40x256xi32, #tpu.memory_space<hbm>>
        tpu.enqueue_dma source(%dma_start3A_43 : memref<40x256xi32, #tpu.memory_space<hbm>>) target(%arg7 : memref<40x256xi32, #tpu.memory_space<vmem>>) target_semaphore(%run_scoped3A_35 : memref<!tpu.dma_semaphore, #tpu.memory_space<semaphore_mem>>)
        %dma_wait3A_44 = arith.constant 0 : i32
        %dma_wait3A_45 = arith.constant 0 : i32
        %dma_wait3A_46 = tpu.memref_slice %arg3[%arg1, %dma_wait3A_44, %dma_wait3A_45] : memref<16x40x256xi32, #tpu.memory_space<hbm>> -> memref<1x40x256xi32, #tpu.memory_space<hbm>>
        %dma_wait3A_47 = tpu.memref_squeeze %dma_wait3A_46 : memref<1x40x256xi32, #tpu.memory_space<hbm>> -> memref<40x256xi32, #tpu.memory_space<hbm>>
        %dma_wait3A_48 = arith.constant 0 : i32
        %dma_wait3A_49 = arith.constant 0 : i32
        %dma_wait3A_50 = tpu.memref_slice %arg3[%arg1, %dma_wait3A_48, %dma_wait3A_49] : memref<16x40x256xi32, #tpu.memory_space<hbm>> -> memref<1x40x256xi32, #tpu.memory_space<hbm>>
        %dma_wait3A_51 = tpu.memref_squeeze %dma_wait3A_50 : memref<1x40x256xi32, #tpu.memory_space<hbm>> -> memref<40x256xi32, #tpu.memory_space<hbm>>
        tpu.wait_dma2 semaphore(%run_scoped3A_35 : memref<!tpu.dma_semaphore, #tpu.memory_space<semaphore_mem>>) src(%dma_wait3A_51 : memref<40x256xi32, #tpu.memory_space<hbm>>) dst(%arg7 : memref<40x256xi32, #tpu.memory_space<vmem>>)
        tpu.yield
      }) : () -> ()
      "tpu.region"() ({
        %run_scoped3A_35 = tpu.sem_alloc : memref<!tpu.dma_semaphore, #tpu.memory_space<semaphore_mem>>
        %dma_start3A_36 = arith.constant 0 : i32
        %dma_start3A_37 = arith.constant 0 : i32
        %dma_start3A_38 = tpu.memref_slice %arg4[%arg1, %dma_start3A_36, %dma_start3A_37] : memref<16x40x256xi32, #tpu.memory_space<hbm>> -> memref<1x40x256xi32, #tpu.memory_space<hbm>>
        %dma_start3A_39 = tpu.memref_squeeze %dma_start3A_38 : memref<1x40x256xi32, #tpu.memory_space<hbm>> -> memref<40x256xi32, #tpu.memory_space<hbm>>
        %dma_start3A_40 = arith.constant 0 : i32
        %dma_start3A_41 = arith.constant 0 : i32
        %dma_start3A_42 = tpu.memref_slice %arg4[%arg1, %dma_start3A_40, %dma_start3A_41] : memref<16x40x256xi32, #tpu.memory_space<hbm>> -> memref<1x40x256xi32, #tpu.memory_space<hbm>>
        %dma_start3A_43 = tpu.memref_squeeze %dma_start3A_42 : memref<1x40x256xi32, #tpu.memory_space<hbm>> -> memref<40x256xi32, #tpu.memory_space<hbm>>
        tpu.enqueue_dma source(%dma_start3A_43 : memref<40x256xi32, #tpu.memory_space<hbm>>) target(%arg8 : memref<40x256xi32, #tpu.memory_space<vmem>>) target_semaphore(%run_scoped3A_35 : memref<!tpu.dma_semaphore, #tpu.memory_space<semaphore_mem>>)
        %dma_wait3A_44 = arith.constant 0 : i32
        %dma_wait3A_45 = arith.constant 0 : i32
        %dma_wait3A_46 = tpu.memref_slice %arg4[%arg1, %dma_wait3A_44, %dma_wait3A_45] : memref<16x40x256xi32, #tpu.memory_space<hbm>> -> memref<1x40x256xi32, #tpu.memory_space<hbm>>
        %dma_wait3A_47 = tpu.memref_squeeze %dma_wait3A_46 : memref<1x40x256xi32, #tpu.memory_space<hbm>> -> memref<40x256xi32, #tpu.memory_space<hbm>>
        %dma_wait3A_48 = arith.constant 0 : i32
        %dma_wait3A_49 = arith.constant 0 : i32
        %dma_wait3A_50 = tpu.memref_slice %arg4[%arg1, %dma_wait3A_48, %dma_wait3A_49] : memref<16x40x256xi32, #tpu.memory_space<hbm>> -> memref<1x40x256xi32, #tpu.memory_space<hbm>>
        %dma_wait3A_51 = tpu.memref_squeeze %dma_wait3A_50 : memref<1x40x256xi32, #tpu.memory_space<hbm>> -> memref<40x256xi32, #tpu.memory_space<hbm>>
        tpu.wait_dma2 semaphore(%run_scoped3A_35 : memref<!tpu.dma_semaphore, #tpu.memory_space<semaphore_mem>>) src(%dma_wait3A_51 : memref<40x256xi32, #tpu.memory_space<hbm>>) dst(%arg8 : memref<40x256xi32, #tpu.memory_space<vmem>>)
        tpu.yield
      }) : () -> ()
      "tpu.region"() ({
        %run_scoped3A_35 = tpu.sem_alloc : memref<!tpu.dma_semaphore, #tpu.memory_space<semaphore_mem>>
        %dma_start3A_36 = arith.constant 0 : i32
        %dma_start3A_37 = tpu.memref_slice %arg11[%mul3A_0, %dma_start3A_36] : memref<10112x64xf32, #tpu.memory_space<vmem_shared>> -> memref<632x64xf32, #tpu.memory_space<vmem_shared>>
        %dma_start3A_38 = arith.constant 0 : i32
        %dma_start3A_39 = tpu.memref_slice %arg5[%mul3A_0, %dma_start3A_38] : memref<10112x64xf32, #tpu.memory_space<hbm>> -> memref<632x64xf32, #tpu.memory_space<hbm>>
        tpu.enqueue_dma source(%dma_start3A_39 : memref<632x64xf32, #tpu.memory_space<hbm>>) target(%dma_start3A_37 : memref<632x64xf32, #tpu.memory_space<vmem_shared>>) target_semaphore(%run_scoped3A_35 : memref<!tpu.dma_semaphore, #tpu.memory_space<semaphore_mem>>)
        %dma_wait3A_40 = arith.constant 0 : i32
        %dma_wait3A_41 = tpu.memref_slice %arg11[%mul3A_0, %dma_wait3A_40] : memref<10112x64xf32, #tpu.memory_space<vmem_shared>> -> memref<632x64xf32, #tpu.memory_space<vmem_shared>>
        %dma_wait3A_42 = arith.constant 0 : i32
        %dma_wait3A_43 = tpu.memref_slice %arg5[%mul3A_0, %dma_wait3A_42] : memref<10112x64xf32, #tpu.memory_space<hbm>> -> memref<632x64xf32, #tpu.memory_space<hbm>>
        tpu.wait_dma2 semaphore(%run_scoped3A_35 : memref<!tpu.dma_semaphore, #tpu.memory_space<semaphore_mem>>) src(%dma_wait3A_43 : memref<632x64xf32, #tpu.memory_space<hbm>>) dst(%dma_wait3A_41 : memref<632x64xf32, #tpu.memory_space<vmem_shared>>)
        tpu.yield
      }) : () -> ()
      %barrier3A = arith.constant 0 : index
      tpu.barrier barrier_id(%barrier3A)
      %dma_start3A = arith.constant 0 : i32
      %dma_start3A_3 = arith.constant 0 : i32
      %dma_start3A_4 = tpu.memref_slice %arg7[%dma_start3A, %dma_start3A_3] : memref<40x256xi32, #tpu.memory_space<vmem>> -> memref<1x256xi32, #tpu.memory_space<vmem>>
      %dma_start3A_5 = tpu.memref_squeeze %dma_start3A_4 : memref<1x256xi32, #tpu.memory_space<vmem>> -> memref<256xi32, #tpu.memory_space<vmem>>
      %dma_start3A_6 = arith.constant 0 : i32
      %dma_start3A_7 = arith.constant 0 : i32
      %dma_start3A_8 = tpu.memref_slice %arg2[%dma_start3A_6, %dma_start3A_7] : memref<10000x64xf32, #tpu.memory_space<hbm>> -> memref<10000x64xf32, #tpu.memory_space<hbm>>
      tpu.enqueue_indirect_dma source(%dma_start3A_8 : memref<10000x64xf32, #tpu.memory_space<hbm>>) target(%arg9 : memref<256x64xf32, #tpu.memory_space<vmem>>) offsets(%dma_start3A_5 : memref<256xi32, #tpu.memory_space<vmem>>) semaphore(%arg12 : memref<!tpu.dma_semaphore, #tpu.memory_space<semaphore_mem>>)
      %scan3A = arith.constant 0 : i32
      %scan3A_9 = arith.constant 19 : i32
      %scan3A_10 = arith.addi %scan3A, %scan3A_9 : i32
      %scan3A_11 = arith.constant 1 : i32
      scf.for %scan3A_35 = %scan3A to %scan3A_10 step %scan3A_11  : i32 {
        %mul3A_36 = arith.constant 1 : i32
        %mul3A_37 = arith.muli %scan3A_35, %mul3A_36 : i32
        %add3A = arith.constant 0 : i32
        %add3A_38 = arith.addi %add3A, %mul3A_37 : i32
        %mul3A_39 = arith.constant 2 : i32
        %mul3A_40 = arith.muli %add3A_38, %mul3A_39 : i32
        %dma_wait3A_41 = arith.constant 0 : i32
        %dma_wait3A_42 = tpu.memref_slice %arg7[%mul3A_40, %dma_wait3A_41] : memref<40x256xi32, #tpu.memory_space<vmem>> -> memref<1x256xi32, #tpu.memory_space<vmem>>
        %dma_wait3A_43 = tpu.memref_squeeze %dma_wait3A_42 : memref<1x256xi32, #tpu.memory_space<vmem>> -> memref<256xi32, #tpu.memory_space<vmem>>
        %dma_wait3A_44 = arith.constant 0 : i32
        %dma_wait3A_45 = arith.constant 0 : i32
        %dma_wait3A_46 = tpu.memref_slice %arg2[%dma_wait3A_44, %dma_wait3A_45] : memref<10000x64xf32, #tpu.memory_space<hbm>> -> memref<10000x64xf32, #tpu.memory_space<hbm>>
        tpu.wait_indirect_dma semaphore(%arg12 : memref<!tpu.dma_semaphore, #tpu.memory_space<semaphore_mem>>) src(%dma_wait3A_46 : memref<10000x64xf32, #tpu.memory_space<hbm>>) dst(%arg9 : memref<256x64xf32, #tpu.memory_space<vmem>>)
        %add3A_47 = arith.constant 1 : i32
        %add3A_48 = arith.addi %mul3A_40, %add3A_47 : i32
        %dma_start3A_49 = arith.constant 0 : i32
        %dma_start3A_50 = tpu.memref_slice %arg7[%add3A_48, %dma_start3A_49] : memref<40x256xi32, #tpu.memory_space<vmem>> -> memref<1x256xi32, #tpu.memory_space<vmem>>
        %dma_start3A_51 = tpu.memref_squeeze %dma_start3A_50 : memref<1x256xi32, #tpu.memory_space<vmem>> -> memref<256xi32, #tpu.memory_space<vmem>>
        %dma_start3A_52 = arith.constant 0 : i32
        %dma_start3A_53 = arith.constant 0 : i32
        %dma_start3A_54 = tpu.memref_slice %arg2[%dma_start3A_52, %dma_start3A_53] : memref<10000x64xf32, #tpu.memory_space<hbm>> -> memref<10000x64xf32, #tpu.memory_space<hbm>>
        tpu.enqueue_indirect_dma source(%dma_start3A_54 : memref<10000x64xf32, #tpu.memory_space<hbm>>) target(%arg10 : memref<256x64xf32, #tpu.memory_space<vmem>>) offsets(%dma_start3A_51 : memref<256xi32, #tpu.memory_space<vmem>>) semaphore(%arg13 : memref<!tpu.dma_semaphore, #tpu.memory_space<semaphore_mem>>)
        "tpu.region"() ({
          %run_scoped3A_73 = tpu.sem_alloc : memref<!tpu.dma_semaphore, #tpu.memory_space<semaphore_mem>>
          %dma_start3A_74 = arith.constant 0 : i32
          %dma_start3A_75 = tpu.memref_slice %arg8[%mul3A_40, %dma_start3A_74] : memref<40x256xi32, #tpu.memory_space<vmem>> -> memref<1x256xi32, #tpu.memory_space<vmem>>
          %dma_start3A_76 = tpu.memref_squeeze %dma_start3A_75 : memref<1x256xi32, #tpu.memory_space<vmem>> -> memref<256xi32, #tpu.memory_space<vmem>>
          %dma_start3A_77 = arith.constant 0 : i32
          %dma_start3A_78 = arith.constant 0 : i32
          %dma_start3A_79 = tpu.memref_slice %arg11[%dma_start3A_77, %dma_start3A_78] : memref<10112x64xf32, #tpu.memory_space<vmem_shared>> -> memref<10112x64xf32, #tpu.memory_space<vmem_shared>>
          tpu.enqueue_indirect_dma source(%arg9 : memref<256x64xf32, #tpu.memory_space<vmem>>) target(%dma_start3A_79 : memref<10112x64xf32, #tpu.memory_space<vmem_shared>>) offsets(%dma_start3A_76 : memref<256xi32, #tpu.memory_space<vmem>>) semaphore(%run_scoped3A_73 : memref<!tpu.dma_semaphore, #tpu.memory_space<semaphore_mem>>) {add = true}
          %dma_wait3A_80 = arith.constant 0 : i32
          %dma_wait3A_81 = tpu.memref_slice %arg8[%mul3A_40, %dma_wait3A_80] : memref<40x256xi32, #tpu.memory_space<vmem>> -> memref<1x256xi32, #tpu.memory_space<vmem>>
          %dma_wait3A_82 = tpu.memref_squeeze %dma_wait3A_81 : memref<1x256xi32, #tpu.memory_space<vmem>> -> memref<256xi32, #tpu.memory_space<vmem>>
          %dma_wait3A_83 = arith.constant 0 : i32
          %dma_wait3A_84 = arith.constant 0 : i32
          %dma_wait3A_85 = tpu.memref_slice %arg11[%dma_wait3A_83, %dma_wait3A_84] : memref<10112x64xf32, #tpu.memory_space<vmem_shared>> -> memref<10112x64xf32, #tpu.memory_space<vmem_shared>>
          tpu.wait_indirect_dma semaphore(%run_scoped3A_73 : memref<!tpu.dma_semaphore, #tpu.memory_space<semaphore_mem>>) src(%arg9 : memref<256x64xf32, #tpu.memory_space<vmem>>) dst(%dma_wait3A_85 : memref<10112x64xf32, #tpu.memory_space<vmem_shared>>)
          tpu.yield
        }) : () -> ()
        %add3A_55 = arith.constant 1 : i32
        %add3A_56 = arith.addi %mul3A_40, %add3A_55 : i32
        %dma_wait3A_57 = arith.constant 0 : i32
        %dma_wait3A_58 = tpu.memref_slice %arg7[%add3A_56, %dma_wait3A_57] : memref<40x256xi32, #tpu.memory_space<vmem>> -> memref<1x256xi32, #tpu.memory_space<vmem>>
        %dma_wait3A_59 = tpu.memref_squeeze %dma_wait3A_58 : memref<1x256xi32, #tpu.memory_space<vmem>> -> memref<256xi32, #tpu.memory_space<vmem>>
        %dma_wait3A_60 = arith.constant 0 : i32
        %dma_wait3A_61 = arith.constant 0 : i32
        %dma_wait3A_62 = tpu.memref_slice %arg2[%dma_wait3A_60, %dma_wait3A_61] : memref<10000x64xf32, #tpu.memory_space<hbm>> -> memref<10000x64xf32, #tpu.memory_space<hbm>>
        tpu.wait_indirect_dma semaphore(%arg13 : memref<!tpu.dma_semaphore, #tpu.memory_space<semaphore_mem>>) src(%dma_wait3A_62 : memref<10000x64xf32, #tpu.memory_space<hbm>>) dst(%arg10 : memref<256x64xf32, #tpu.memory_space<vmem>>)
        %add3A_63 = arith.constant 2 : i32
        %add3A_64 = arith.addi %mul3A_40, %add3A_63 : i32
        %dma_start3A_65 = arith.constant 0 : i32
        %dma_start3A_66 = tpu.memref_slice %arg7[%add3A_64, %dma_start3A_65] : memref<40x256xi32, #tpu.memory_space<vmem>> -> memref<1x256xi32, #tpu.memory_space<vmem>>
        %dma_start3A_67 = tpu.memref_squeeze %dma_start3A_66 : memref<1x256xi32, #tpu.memory_space<vmem>> -> memref<256xi32, #tpu.memory_space<vmem>>
        %dma_start3A_68 = arith.constant 0 : i32
        %dma_start3A_69 = arith.constant 0 : i32
        %dma_start3A_70 = tpu.memref_slice %arg2[%dma_start3A_68, %dma_start3A_69] : memref<10000x64xf32, #tpu.memory_space<hbm>> -> memref<10000x64xf32, #tpu.memory_space<hbm>>
        tpu.enqueue_indirect_dma source(%dma_start3A_70 : memref<10000x64xf32, #tpu.memory_space<hbm>>) target(%arg9 : memref<256x64xf32, #tpu.memory_space<vmem>>) offsets(%dma_start3A_67 : memref<256xi32, #tpu.memory_space<vmem>>) semaphore(%arg12 : memref<!tpu.dma_semaphore, #tpu.memory_space<semaphore_mem>>)
        %add3A_71 = arith.constant 1 : i32
        %add3A_72 = arith.addi %mul3A_40, %add3A_71 : i32
        "tpu.region"() ({
          %run_scoped3A_73 = tpu.sem_alloc : memref<!tpu.dma_semaphore, #tpu.memory_space<semaphore_mem>>
          %dma_start3A_74 = arith.constant 0 : i32
          %dma_start3A_75 = tpu.memref_slice %arg8[%add3A_72, %dma_start3A_74] : memref<40x256xi32, #tpu.memory_space<vmem>> -> memref<1x256xi32, #tpu.memory_space<vmem>>
          %dma_start3A_76 = tpu.memref_squeeze %dma_start3A_75 : memref<1x256xi32, #tpu.memory_space<vmem>> -> memref<256xi32, #tpu.memory_space<vmem>>
          %dma_start3A_77 = arith.constant 0 : i32
          %dma_start3A_78 = arith.constant 0 : i32
          %dma_start3A_79 = tpu.memref_slice %arg11[%dma_start3A_77, %dma_start3A_78] : memref<10112x64xf32, #tpu.memory_space<vmem_shared>> -> memref<10112x64xf32, #tpu.memory_space<vmem_shared>>
          tpu.enqueue_indirect_dma source(%arg10 : memref<256x64xf32, #tpu.memory_space<vmem>>) target(%dma_start3A_79 : memref<10112x64xf32, #tpu.memory_space<vmem_shared>>) offsets(%dma_start3A_76 : memref<256xi32, #tpu.memory_space<vmem>>) semaphore(%run_scoped3A_73 : memref<!tpu.dma_semaphore, #tpu.memory_space<semaphore_mem>>) {add = true}
          %dma_wait3A_80 = arith.constant 0 : i32
          %dma_wait3A_81 = tpu.memref_slice %arg8[%add3A_72, %dma_wait3A_80] : memref<40x256xi32, #tpu.memory_space<vmem>> -> memref<1x256xi32, #tpu.memory_space<vmem>>
          %dma_wait3A_82 = tpu.memref_squeeze %dma_wait3A_81 : memref<1x256xi32, #tpu.memory_space<vmem>> -> memref<256xi32, #tpu.memory_space<vmem>>
          %dma_wait3A_83 = arith.constant 0 : i32
          %dma_wait3A_84 = arith.constant 0 : i32
          %dma_wait3A_85 = tpu.memref_slice %arg11[%dma_wait3A_83, %dma_wait3A_84] : memref<10112x64xf32, #tpu.memory_space<vmem_shared>> -> memref<10112x64xf32, #tpu.memory_space<vmem_shared>>
          tpu.wait_indirect_dma semaphore(%run_scoped3A_73 : memref<!tpu.dma_semaphore, #tpu.memory_space<semaphore_mem>>) src(%arg10 : memref<256x64xf32, #tpu.memory_space<vmem>>) dst(%dma_wait3A_85 : memref<10112x64xf32, #tpu.memory_space<vmem_shared>>)
          tpu.yield
        }) : () -> ()
      }
      %scan3A_12 = arith.constant 19 : i32
      %dma_wait3A = arith.constant 38 : i32
      %dma_wait3A_13 = arith.constant 0 : i32
      %dma_wait3A_14 = tpu.memref_slice %arg7[%dma_wait3A, %dma_wait3A_13] : memref<40x256xi32, #tpu.memory_space<vmem>> -> memref<1x256xi32, #tpu.memory_space<vmem>>
      %dma_wait3A_15 = tpu.memref_squeeze %dma_wait3A_14 : memref<1x256xi32, #tpu.memory_space<vmem>> -> memref<256xi32, #tpu.memory_space<vmem>>
      %dma_wait3A_16 = arith.constant 0 : i32
      %dma_wait3A_17 = arith.constant 0 : i32
      %dma_wait3A_18 = tpu.memref_slice %arg2[%dma_wait3A_16, %dma_wait3A_17] : memref<10000x64xf32, #tpu.memory_space<hbm>> -> memref<10000x64xf32, #tpu.memory_space<hbm>>
      tpu.wait_indirect_dma semaphore(%arg12 : memref<!tpu.dma_semaphore, #tpu.memory_space<semaphore_mem>>) src(%dma_wait3A_18 : memref<10000x64xf32, #tpu.memory_space<hbm>>) dst(%arg9 : memref<256x64xf32, #tpu.memory_space<vmem>>)
      %dma_start3A_19 = arith.constant 39 : i32
      %dma_start3A_20 = arith.constant 0 : i32
      %dma_start3A_21 = tpu.memref_slice %arg7[%dma_start3A_19, %dma_start3A_20] : memref<40x256xi32, #tpu.memory_space<vmem>> -> memref<1x256xi32, #tpu.memory_space<vmem>>
      %dma_start3A_22 = tpu.memref_squeeze %dma_start3A_21 : memref<1x256xi32, #tpu.memory_space<vmem>> -> memref<256xi32, #tpu.memory_space<vmem>>
      %dma_start3A_23 = arith.constant 0 : i32
      %dma_start3A_24 = arith.constant 0 : i32
      %dma_start3A_25 = tpu.memref_slice %arg2[%dma_start3A_23, %dma_start3A_24] : memref<10000x64xf32, #tpu.memory_space<hbm>> -> memref<10000x64xf32, #tpu.memory_space<hbm>>
      tpu.enqueue_indirect_dma source(%dma_start3A_25 : memref<10000x64xf32, #tpu.memory_space<hbm>>) target(%arg10 : memref<256x64xf32, #tpu.memory_space<vmem>>) offsets(%dma_start3A_22 : memref<256xi32, #tpu.memory_space<vmem>>) semaphore(%arg13 : memref<!tpu.dma_semaphore, #tpu.memory_space<semaphore_mem>>)
      %run_scoped3A = arith.constant 38 : i32
      "tpu.region"() ({
        %run_scoped3A_35 = tpu.sem_alloc : memref<!tpu.dma_semaphore, #tpu.memory_space<semaphore_mem>>
        %dma_start3A_36 = arith.constant 0 : i32
        %dma_start3A_37 = tpu.memref_slice %arg8[%run_scoped3A, %dma_start3A_36] : memref<40x256xi32, #tpu.memory_space<vmem>> -> memref<1x256xi32, #tpu.memory_space<vmem>>
        %dma_start3A_38 = tpu.memref_squeeze %dma_start3A_37 : memref<1x256xi32, #tpu.memory_space<vmem>> -> memref<256xi32, #tpu.memory_space<vmem>>
        %dma_start3A_39 = arith.constant 0 : i32
        %dma_start3A_40 = arith.constant 0 : i32
        %dma_start3A_41 = tpu.memref_slice %arg11[%dma_start3A_39, %dma_start3A_40] : memref<10112x64xf32, #tpu.memory_space<vmem_shared>> -> memref<10112x64xf32, #tpu.memory_space<vmem_shared>>
        tpu.enqueue_indirect_dma source(%arg9 : memref<256x64xf32, #tpu.memory_space<vmem>>) target(%dma_start3A_41 : memref<10112x64xf32, #tpu.memory_space<vmem_shared>>) offsets(%dma_start3A_38 : memref<256xi32, #tpu.memory_space<vmem>>) semaphore(%run_scoped3A_35 : memref<!tpu.dma_semaphore, #tpu.memory_space<semaphore_mem>>) {add = true}
        %dma_wait3A_42 = arith.constant 0 : i32
        %dma_wait3A_43 = tpu.memref_slice %arg8[%run_scoped3A, %dma_wait3A_42] : memref<40x256xi32, #tpu.memory_space<vmem>> -> memref<1x256xi32, #tpu.memory_space<vmem>>
        %dma_wait3A_44 = tpu.memref_squeeze %dma_wait3A_43 : memref<1x256xi32, #tpu.memory_space<vmem>> -> memref<256xi32, #tpu.memory_space<vmem>>
        %dma_wait3A_45 = arith.constant 0 : i32
        %dma_wait3A_46 = arith.constant 0 : i32
        %dma_wait3A_47 = tpu.memref_slice %arg11[%dma_wait3A_45, %dma_wait3A_46] : memref<10112x64xf32, #tpu.memory_space<vmem_shared>> -> memref<10112x64xf32, #tpu.memory_space<vmem_shared>>
        tpu.wait_indirect_dma semaphore(%run_scoped3A_35 : memref<!tpu.dma_semaphore, #tpu.memory_space<semaphore_mem>>) src(%arg9 : memref<256x64xf32, #tpu.memory_space<vmem>>) dst(%dma_wait3A_47 : memref<10112x64xf32, #tpu.memory_space<vmem_shared>>)
        tpu.yield
      }) : () -> ()
      %dma_wait3A_26 = arith.constant 39 : i32
      %dma_wait3A_27 = arith.constant 0 : i32
      %dma_wait3A_28 = tpu.memref_slice %arg7[%dma_wait3A_26, %dma_wait3A_27] : memref<40x256xi32, #tpu.memory_space<vmem>> -> memref<1x256xi32, #tpu.memory_space<vmem>>
      %dma_wait3A_29 = tpu.memref_squeeze %dma_wait3A_28 : memref<1x256xi32, #tpu.memory_space<vmem>> -> memref<256xi32, #tpu.memory_space<vmem>>
      %dma_wait3A_30 = arith.constant 0 : i32
      %dma_wait3A_31 = arith.constant 0 : i32
      %dma_wait3A_32 = tpu.memref_slice %arg2[%dma_wait3A_30, %dma_wait3A_31] : memref<10000x64xf32, #tpu.memory_space<hbm>> -> memref<10000x64xf32, #tpu.memory_space<hbm>>
      tpu.wait_indirect_dma semaphore(%arg13 : memref<!tpu.dma_semaphore, #tpu.memory_space<semaphore_mem>>) src(%dma_wait3A_32 : memref<10000x64xf32, #tpu.memory_space<hbm>>) dst(%arg10 : memref<256x64xf32, #tpu.memory_space<vmem>>)
      %run_scoped3A_33 = arith.constant 39 : i32
      "tpu.region"() ({
        %run_scoped3A_35 = tpu.sem_alloc : memref<!tpu.dma_semaphore, #tpu.memory_space<semaphore_mem>>
        %dma_start3A_36 = arith.constant 0 : i32
        %dma_start3A_37 = tpu.memref_slice %arg8[%run_scoped3A_33, %dma_start3A_36] : memref<40x256xi32, #tpu.memory_space<vmem>> -> memref<1x256xi32, #tpu.memory_space<vmem>>
        %dma_start3A_38 = tpu.memref_squeeze %dma_start3A_37 : memref<1x256xi32, #tpu.memory_space<vmem>> -> memref<256xi32, #tpu.memory_space<vmem>>
        %dma_start3A_39 = arith.constant 0 : i32
        %dma_start3A_40 = arith.constant 0 : i32
        %dma_start3A_41 = tpu.memref_slice %arg11[%dma_start3A_39, %dma_start3A_40] : memref<10112x64xf32, #tpu.memory_space<vmem_shared>> -> memref<10112x64xf32, #tpu.memory_space<vmem_shared>>
        tpu.enqueue_indirect_dma source(%arg10 : memref<256x64xf32, #tpu.memory_space<vmem>>) target(%dma_start3A_41 : memref<10112x64xf32, #tpu.memory_space<vmem_shared>>) offsets(%dma_start3A_38 : memref<256xi32, #tpu.memory_space<vmem>>) semaphore(%run_scoped3A_35 : memref<!tpu.dma_semaphore, #tpu.memory_space<semaphore_mem>>) {add = true}
        %dma_wait3A_42 = arith.constant 0 : i32
        %dma_wait3A_43 = tpu.memref_slice %arg8[%run_scoped3A_33, %dma_wait3A_42] : memref<40x256xi32, #tpu.memory_space<vmem>> -> memref<1x256xi32, #tpu.memory_space<vmem>>
        %dma_wait3A_44 = tpu.memref_squeeze %dma_wait3A_43 : memref<1x256xi32, #tpu.memory_space<vmem>> -> memref<256xi32, #tpu.memory_space<vmem>>
        %dma_wait3A_45 = arith.constant 0 : i32
        %dma_wait3A_46 = arith.constant 0 : i32
        %dma_wait3A_47 = tpu.memref_slice %arg11[%dma_wait3A_45, %dma_wait3A_46] : memref<10112x64xf32, #tpu.memory_space<vmem_shared>> -> memref<10112x64xf32, #tpu.memory_space<vmem_shared>>
        tpu.wait_indirect_dma semaphore(%run_scoped3A_35 : memref<!tpu.dma_semaphore, #tpu.memory_space<semaphore_mem>>) src(%arg10 : memref<256x64xf32, #tpu.memory_space<vmem>>) dst(%dma_wait3A_47 : memref<10112x64xf32, #tpu.memory_space<vmem_shared>>)
        tpu.yield
      }) : () -> ()
      %barrier3A_34 = arith.constant 0 : index
      tpu.barrier barrier_id(%barrier3A_34)
      "tpu.region"() ({
        %run_scoped3A_35 = tpu.sem_alloc : memref<!tpu.dma_semaphore, #tpu.memory_space<semaphore_mem>>
        %dma_start3A_36 = arith.constant 0 : i32
        %dma_start3A_37 = tpu.memref_slice %arg6[%mul3A_0, %dma_start3A_36] : memref<10112x64xf32, #tpu.memory_space<hbm>> -> memref<632x64xf32, #tpu.memory_space<hbm>>
        %dma_start3A_38 = arith.constant 0 : i32
        %dma_start3A_39 = tpu.memref_slice %arg11[%mul3A_0, %dma_start3A_38] : memref<10112x64xf32, #tpu.memory_space<vmem_shared>> -> memref<632x64xf32, #tpu.memory_space<vmem_shared>>
        tpu.enqueue_dma source(%dma_start3A_39 : memref<632x64xf32, #tpu.memory_space<vmem_shared>>) target(%dma_start3A_37 : memref<632x64xf32, #tpu.memory_space<hbm>>) target_semaphore(%run_scoped3A_35 : memref<!tpu.dma_semaphore, #tpu.memory_space<semaphore_mem>>)
        %dma_wait3A_40 = arith.constant 0 : i32
        %dma_wait3A_41 = tpu.memref_slice %arg6[%mul3A_0, %dma_wait3A_40] : memref<10112x64xf32, #tpu.memory_space<hbm>> -> memref<632x64xf32, #tpu.memory_space<hbm>>
        %dma_wait3A_42 = arith.constant 0 : i32
        %dma_wait3A_43 = tpu.memref_slice %arg11[%mul3A_0, %dma_wait3A_42] : memref<10112x64xf32, #tpu.memory_space<vmem_shared>> -> memref<632x64xf32, #tpu.memory_space<vmem_shared>>
        tpu.wait_dma2 semaphore(%run_scoped3A_35 : memref<!tpu.dma_semaphore, #tpu.memory_space<semaphore_mem>>) src(%dma_wait3A_43 : memref<632x64xf32, #tpu.memory_space<vmem_shared>>) dst(%dma_wait3A_41 : memref<632x64xf32, #tpu.memory_space<hbm>>)
        tpu.yield
      }) : () -> ()
    } else {
    }
    return
  }
}

#map = affine_map<(d0, d1) -> (0, 0)>
#map1 = affine_map<(d0, d1) -> (0, 0, 0)>
module attributes {stable_mosaic.version = 14 : i64} {
  func.func @_scatter(%arg0: i32, %arg1: i32, %arg2: memref<10000x64xf32, #tpu.memory_space<hbm>>, %arg3: memref<16x40x256xi32, #tpu.memory_space<hbm>>, %arg4: memref<16x40x256xi32, #tpu.memory_space<hbm>>, %arg5: memref<10112x64xf32, #tpu.memory_space<hbm>>, %arg6: memref<10112x64xf32, #tpu.memory_space<hbm>>, %arg7: memref<40x256xi32, #tpu.memory_space<vmem>>, %arg8: memref<40x256xi32, #tpu.memory_space<vmem>>, %arg9: memref<256x64xf32, #tpu.memory_space<vmem>>, %arg10: memref<256x64xf32, #tpu.memory_space<vmem>>, %arg11: memref<10112x64xf32, #tpu.memory_space<vmem_shared>>, %arg12: memref<!tpu.dma_semaphore, #tpu.memory_space<semaphore_mem>>, %arg13: memref<!tpu.dma_semaphore, #tpu.memory_space<semaphore_mem>>) attributes {dimension_semantics = [#tpu.dimension_semantics<core_parallel>, #tpu.dimension_semantics<subcore_parallel>], iteration_bounds = array<i64: 2, 16>, scalar_prefetch = 0 : i64, scratch_operands = 7 : i64, tpu.core_type = #tpu.core_type<sc_vector_subcore>, window_params = [{transform_indices = #map}, {transform_indices = #map1}, {transform_indices = #map1}, {transform_indices = #map}, {transform_indices = #map}]} {
    %mul3A = arith.constant 632 : i32
    %mul3A_0 = arith.muli %arg1, %mul3A : i32
    %eq3A = arith.constant 0 : i32
    %eq3A_1 = arith.cmpi eq, %arg0, %eq3A : i32
    %convert_element_type3A = arith.extui %eq3A_1 : i1 to i32
    %cond3A = arith.constant 0 : i32
    %cond3A_2 = arith.cmpi ne, %convert_element_type3A, %cond3A : i32
    scf.if %cond3A_2 {
      "tpu.region"() ({
        %run_scoped3A_35 = tpu.sem_alloc : memref<!tpu.dma_semaphore, #tpu.memory_space<semaphore_mem>>
        %dma_start3A_36 = arith.constant 0 : i32
        %dma_start3A_37 = arith.constant 0 : i32
        %dma_start3A_38 = tpu.memref_slice %arg3[%arg1, %dma_start3A_36, %dma_start3A_37] : memref<16x40x256xi32, #tpu.memory_space<hbm>> -> memref<1x40x256xi32, #tpu.memory_space<hbm>>
        %dma_start3A_39 = tpu.memref_squeeze %dma_start3A_38 : memref<1x40x256xi32, #tpu.memory_space<hbm>> -> memref<40x256xi32, #tpu.memory_space<hbm>>
        %dma_start3A_40 = arith.constant 0 : i32
        %dma_start3A_41 = arith.constant 0 : i32
        %dma_start3A_42 = tpu.memref_slice %arg3[%arg1, %dma_start3A_40, %dma_start3A_41] : memref<16x40x256xi32, #tpu.memory_space<hbm>> -> memref<1x40x256xi32, #tpu.memory_space<hbm>>
        %dma_start3A_43 = tpu.memref_squeeze %dma_start3A_42 : memref<1x40x256xi32, #tpu.memory_space<hbm>> -> memref<40x256xi32, #tpu.memory_space<hbm>>
        tpu.enqueue_dma source(%dma_start3A_43 : memref<40x256xi32, #tpu.memory_space<hbm>>) target(%arg7 : memref<40x256xi32, #tpu.memory_space<vmem>>) target_semaphore(%run_scoped3A_35 : memref<!tpu.dma_semaphore, #tpu.memory_space<semaphore_mem>>)
        %dma_wait3A_44 = arith.constant 0 : i32
        %dma_wait3A_45 = arith.constant 0 : i32
        %dma_wait3A_46 = tpu.memref_slice %arg3[%arg1, %dma_wait3A_44, %dma_wait3A_45] : memref<16x40x256xi32, #tpu.memory_space<hbm>> -> memref<1x40x256xi32, #tpu.memory_space<hbm>>
        %dma_wait3A_47 = tpu.memref_squeeze %dma_wait3A_46 : memref<1x40x256xi32, #tpu.memory_space<hbm>> -> memref<40x256xi32, #tpu.memory_space<hbm>>
        %dma_wait3A_48 = arith.constant 0 : i32
        %dma_wait3A_49 = arith.constant 0 : i32
        %dma_wait3A_50 = tpu.memref_slice %arg3[%arg1, %dma_wait3A_48, %dma_wait3A_49] : memref<16x40x256xi32, #tpu.memory_space<hbm>> -> memref<1x40x256xi32, #tpu.memory_space<hbm>>
        %dma_wait3A_51 = tpu.memref_squeeze %dma_wait3A_50 : memref<1x40x256xi32, #tpu.memory_space<hbm>> -> memref<40x256xi32, #tpu.memory_space<hbm>>
        tpu.wait_dma2 semaphore(%run_scoped3A_35 : memref<!tpu.dma_semaphore, #tpu.memory_space<semaphore_mem>>) src(%dma_wait3A_51 : memref<40x256xi32, #tpu.memory_space<hbm>>) dst(%arg7 : memref<40x256xi32, #tpu.memory_space<vmem>>)
        tpu.yield
      }) : () -> ()
      "tpu.region"() ({
        %run_scoped3A_35 = tpu.sem_alloc : memref<!tpu.dma_semaphore, #tpu.memory_space<semaphore_mem>>
        %dma_start3A_36 = arith.constant 0 : i32
        %dma_start3A_37 = arith.constant 0 : i32
        %dma_start3A_38 = tpu.memref_slice %arg4[%arg1, %dma_start3A_36, %dma_start3A_37] : memref<16x40x256xi32, #tpu.memory_space<hbm>> -> memref<1x40x256xi32, #tpu.memory_space<hbm>>
        %dma_start3A_39 = tpu.memref_squeeze %dma_start3A_38 : memref<1x40x256xi32, #tpu.memory_space<hbm>> -> memref<40x256xi32, #tpu.memory_space<hbm>>
        %dma_start3A_40 = arith.constant 0 : i32
        %dma_start3A_41 = arith.constant 0 : i32
        %dma_start3A_42 = tpu.memref_slice %arg4[%arg1, %dma_start3A_40, %dma_start3A_41] : memref<16x40x256xi32, #tpu.memory_space<hbm>> -> memref<1x40x256xi32, #tpu.memory_space<hbm>>
        %dma_start3A_43 = tpu.memref_squeeze %dma_start3A_42 : memref<1x40x256xi32, #tpu.memory_space<hbm>> -> memref<40x256xi32, #tpu.memory_space<hbm>>
        tpu.enqueue_dma source(%dma_start3A_43 : memref<40x256xi32, #tpu.memory_space<hbm>>) target(%arg8 : memref<40x256xi32, #tpu.memory_space<vmem>>) target_semaphore(%run_scoped3A_35 : memref<!tpu.dma_semaphore, #tpu.memory_space<semaphore_mem>>)
        %dma_wait3A_44 = arith.constant 0 : i32
        %dma_wait3A_45 = arith.constant 0 : i32
        %dma_wait3A_46 = tpu.memref_slice %arg4[%arg1, %dma_wait3A_44, %dma_wait3A_45] : memref<16x40x256xi32, #tpu.memory_space<hbm>> -> memref<1x40x256xi32, #tpu.memory_space<hbm>>
        %dma_wait3A_47 = tpu.memref_squeeze %dma_wait3A_46 : memref<1x40x256xi32, #tpu.memory_space<hbm>> -> memref<40x256xi32, #tpu.memory_space<hbm>>
        %dma_wait3A_48 = arith.constant 0 : i32
        %dma_wait3A_49 = arith.constant 0 : i32
        %dma_wait3A_50 = tpu.memref_slice %arg4[%arg1, %dma_wait3A_48, %dma_wait3A_49] : memref<16x40x256xi32, #tpu.memory_space<hbm>> -> memref<1x40x256xi32, #tpu.memory_space<hbm>>
        %dma_wait3A_51 = tpu.memref_squeeze %dma_wait3A_50 : memref<1x40x256xi32, #tpu.memory_space<hbm>> -> memref<40x256xi32, #tpu.memory_space<hbm>>
        tpu.wait_dma2 semaphore(%run_scoped3A_35 : memref<!tpu.dma_semaphore, #tpu.memory_space<semaphore_mem>>) src(%dma_wait3A_51 : memref<40x256xi32, #tpu.memory_space<hbm>>) dst(%arg8 : memref<40x256xi32, #tpu.memory_space<vmem>>)
        tpu.yield
      }) : () -> ()
      "tpu.region"() ({
        %run_scoped3A_35 = tpu.sem_alloc : memref<!tpu.dma_semaphore, #tpu.memory_space<semaphore_mem>>
        %dma_start3A_36 = arith.constant 0 : i32
        %dma_start3A_37 = tpu.memref_slice %arg11[%mul3A_0, %dma_start3A_36] : memref<10112x64xf32, #tpu.memory_space<vmem_shared>> -> memref<632x64xf32, #tpu.memory_space<vmem_shared>>
        %dma_start3A_38 = arith.constant 0 : i32
        %dma_start3A_39 = tpu.memref_slice %arg5[%mul3A_0, %dma_start3A_38] : memref<10112x64xf32, #tpu.memory_space<hbm>> -> memref<632x64xf32, #tpu.memory_space<hbm>>
        tpu.enqueue_dma source(%dma_start3A_39 : memref<632x64xf32, #tpu.memory_space<hbm>>) target(%dma_start3A_37 : memref<632x64xf32, #tpu.memory_space<vmem_shared>>) target_semaphore(%run_scoped3A_35 : memref<!tpu.dma_semaphore, #tpu.memory_space<semaphore_mem>>)
        %dma_wait3A_40 = arith.constant 0 : i32
        %dma_wait3A_41 = tpu.memref_slice %arg11[%mul3A_0, %dma_wait3A_40] : memref<10112x64xf32, #tpu.memory_space<vmem_shared>> -> memref<632x64xf32, #tpu.memory_space<vmem_shared>>
        %dma_wait3A_42 = arith.constant 0 : i32
        %dma_wait3A_43 = tpu.memref_slice %arg5[%mul3A_0, %dma_wait3A_42] : memref<10112x64xf32, #tpu.memory_space<hbm>> -> memref<632x64xf32, #tpu.memory_space<hbm>>
        tpu.wait_dma2 semaphore(%run_scoped3A_35 : memref<!tpu.dma_semaphore, #tpu.memory_space<semaphore_mem>>) src(%dma_wait3A_43 : memref<632x64xf32, #tpu.memory_space<hbm>>) dst(%dma_wait3A_41 : memref<632x64xf32, #tpu.memory_space<vmem_shared>>)
        tpu.yield
      }) : () -> ()
      %barrier3A = arith.constant 0 : index
      tpu.barrier barrier_id(%barrier3A)
      %dma_start3A = arith.constant 0 : i32
      %dma_start3A_3 = arith.constant 0 : i32
      %dma_start3A_4 = tpu.memref_slice %arg7[%dma_start3A, %dma_start3A_3] : memref<40x256xi32, #tpu.memory_space<vmem>> -> memref<1x256xi32, #tpu.memory_space<vmem>>
      %dma_start3A_5 = tpu.memref_squeeze %dma_start3A_4 : memref<1x256xi32, #tpu.memory_space<vmem>> -> memref<256xi32, #tpu.memory_space<vmem>>
      %dma_start3A_6 = arith.constant 0 : i32
      %dma_start3A_7 = arith.constant 0 : i32
      %dma_start3A_8 = tpu.memref_slice %arg2[%dma_start3A_6, %dma_start3A_7] : memref<10000x64xf32, #tpu.memory_space<hbm>> -> memref<10000x64xf32, #tpu.memory_space<hbm>>
      tpu.enqueue_indirect_dma source(%dma_start3A_8 : memref<10000x64xf32, #tpu.memory_space<hbm>>) target(%arg9 : memref<256x64xf32, #tpu.memory_space<vmem>>) offsets(%dma_start3A_5 : memref<256xi32, #tpu.memory_space<vmem>>) semaphore(%arg12 : memref<!tpu.dma_semaphore, #tpu.memory_space<semaphore_mem>>)
      %scan3A = arith.constant 0 : i32
      %scan3A_9 = arith.constant 19 : i32
      %scan3A_10 = arith.addi %scan3A, %scan3A_9 : i32
      %scan3A_11 = arith.constant 1 : i32
      scf.for %scan3A_35 = %scan3A to %scan3A_10 step %scan3A_11  : i32 {
        %mul3A_36 = arith.constant 1 : i32
        %mul3A_37 = arith.muli %scan3A_35, %mul3A_36 : i32
        %add3A = arith.constant 0 : i32
        %add3A_38 = arith.addi %add3A, %mul3A_37 : i32
        %mul3A_39 = arith.constant 2 : i32
        %mul3A_40 = arith.muli %add3A_38, %mul3A_39 : i32
        %dma_wait3A_41 = arith.constant 0 : i32
        %dma_wait3A_42 = tpu.memref_slice %arg7[%mul3A_40, %dma_wait3A_41] : memref<40x256xi32, #tpu.memory_space<vmem>> -> memref<1x256xi32, #tpu.memory_space<vmem>>
        %dma_wait3A_43 = tpu.memref_squeeze %dma_wait3A_42 : memref<1x256xi32, #tpu.memory_space<vmem>> -> memref<256xi32, #tpu.memory_space<vmem>>
        %dma_wait3A_44 = arith.constant 0 : i32
        %dma_wait3A_45 = arith.constant 0 : i32
        %dma_wait3A_46 = tpu.memref_slice %arg2[%dma_wait3A_44, %dma_wait3A_45] : memref<10000x64xf32, #tpu.memory_space<hbm>> -> memref<10000x64xf32, #tpu.memory_space<hbm>>
        tpu.wait_indirect_dma semaphore(%arg12 : memref<!tpu.dma_semaphore, #tpu.memory_space<semaphore_mem>>) src(%dma_wait3A_46 : memref<10000x64xf32, #tpu.memory_space<hbm>>) dst(%arg9 : memref<256x64xf32, #tpu.memory_space<vmem>>)
        %add3A_47 = arith.constant 1 : i32
        %add3A_48 = arith.addi %mul3A_40, %add3A_47 : i32
        %dma_start3A_49 = arith.constant 0 : i32
        %dma_start3A_50 = tpu.memref_slice %arg7[%add3A_48, %dma_start3A_49] : memref<40x256xi32, #tpu.memory_space<vmem>> -> memref<1x256xi32, #tpu.memory_space<vmem>>
        %dma_start3A_51 = tpu.memref_squeeze %dma_start3A_50 : memref<1x256xi32, #tpu.memory_space<vmem>> -> memref<256xi32, #tpu.memory_space<vmem>>
        %dma_start3A_52 = arith.constant 0 : i32
        %dma_start3A_53 = arith.constant 0 : i32
        %dma_start3A_54 = tpu.memref_slice %arg2[%dma_start3A_52, %dma_start3A_53] : memref<10000x64xf32, #tpu.memory_space<hbm>> -> memref<10000x64xf32, #tpu.memory_space<hbm>>
        tpu.enqueue_indirect_dma source(%dma_start3A_54 : memref<10000x64xf32, #tpu.memory_space<hbm>>) target(%arg10 : memref<256x64xf32, #tpu.memory_space<vmem>>) offsets(%dma_start3A_51 : memref<256xi32, #tpu.memory_space<vmem>>) semaphore(%arg13 : memref<!tpu.dma_semaphore, #tpu.memory_space<semaphore_mem>>)
        "tpu.region"() ({
          %run_scoped3A_73 = tpu.sem_alloc : memref<!tpu.dma_semaphore, #tpu.memory_space<semaphore_mem>>
          %dma_start3A_74 = arith.constant 0 : i32
          %dma_start3A_75 = tpu.memref_slice %arg8[%mul3A_40, %dma_start3A_74] : memref<40x256xi32, #tpu.memory_space<vmem>> -> memref<1x256xi32, #tpu.memory_space<vmem>>
          %dma_start3A_76 = tpu.memref_squeeze %dma_start3A_75 : memref<1x256xi32, #tpu.memory_space<vmem>> -> memref<256xi32, #tpu.memory_space<vmem>>
          %dma_start3A_77 = arith.constant 0 : i32
          %dma_start3A_78 = arith.constant 0 : i32
          %dma_start3A_79 = tpu.memref_slice %arg11[%dma_start3A_77, %dma_start3A_78] : memref<10112x64xf32, #tpu.memory_space<vmem_shared>> -> memref<10112x64xf32, #tpu.memory_space<vmem_shared>>
          tpu.enqueue_indirect_dma source(%arg9 : memref<256x64xf32, #tpu.memory_space<vmem>>) target(%dma_start3A_79 : memref<10112x64xf32, #tpu.memory_space<vmem_shared>>) offsets(%dma_start3A_76 : memref<256xi32, #tpu.memory_space<vmem>>) semaphore(%run_scoped3A_73 : memref<!tpu.dma_semaphore, #tpu.memory_space<semaphore_mem>>) {add = true}
          %dma_wait3A_80 = arith.constant 0 : i32
          %dma_wait3A_81 = tpu.memref_slice %arg8[%mul3A_40, %dma_wait3A_80] : memref<40x256xi32, #tpu.memory_space<vmem>> -> memref<1x256xi32, #tpu.memory_space<vmem>>
          %dma_wait3A_82 = tpu.memref_squeeze %dma_wait3A_81 : memref<1x256xi32, #tpu.memory_space<vmem>> -> memref<256xi32, #tpu.memory_space<vmem>>
          %dma_wait3A_83 = arith.constant 0 : i32
          %dma_wait3A_84 = arith.constant 0 : i32
          %dma_wait3A_85 = tpu.memref_slice %arg11[%dma_wait3A_83, %dma_wait3A_84] : memref<10112x64xf32, #tpu.memory_space<vmem_shared>> -> memref<10112x64xf32, #tpu.memory_space<vmem_shared>>
          tpu.wait_indirect_dma semaphore(%run_scoped3A_73 : memref<!tpu.dma_semaphore, #tpu.memory_space<semaphore_mem>>) src(%arg9 : memref<256x64xf32, #tpu.memory_space<vmem>>) dst(%dma_wait3A_85 : memref<10112x64xf32, #tpu.memory_space<vmem_shared>>)
          tpu.yield
        }) : () -> ()
        %add3A_55 = arith.constant 1 : i32
        %add3A_56 = arith.addi %mul3A_40, %add3A_55 : i32
        %dma_wait3A_57 = arith.constant 0 : i32
        %dma_wait3A_58 = tpu.memref_slice %arg7[%add3A_56, %dma_wait3A_57] : memref<40x256xi32, #tpu.memory_space<vmem>> -> memref<1x256xi32, #tpu.memory_space<vmem>>
        %dma_wait3A_59 = tpu.memref_squeeze %dma_wait3A_58 : memref<1x256xi32, #tpu.memory_space<vmem>> -> memref<256xi32, #tpu.memory_space<vmem>>
        %dma_wait3A_60 = arith.constant 0 : i32
        %dma_wait3A_61 = arith.constant 0 : i32
        %dma_wait3A_62 = tpu.memref_slice %arg2[%dma_wait3A_60, %dma_wait3A_61] : memref<10000x64xf32, #tpu.memory_space<hbm>> -> memref<10000x64xf32, #tpu.memory_space<hbm>>
        tpu.wait_indirect_dma semaphore(%arg13 : memref<!tpu.dma_semaphore, #tpu.memory_space<semaphore_mem>>) src(%dma_wait3A_62 : memref<10000x64xf32, #tpu.memory_space<hbm>>) dst(%arg10 : memref<256x64xf32, #tpu.memory_space<vmem>>)
        %add3A_63 = arith.constant 2 : i32
        %add3A_64 = arith.addi %mul3A_40, %add3A_63 : i32
        %dma_start3A_65 = arith.constant 0 : i32
        %dma_start3A_66 = tpu.memref_slice %arg7[%add3A_64, %dma_start3A_65] : memref<40x256xi32, #tpu.memory_space<vmem>> -> memref<1x256xi32, #tpu.memory_space<vmem>>
        %dma_start3A_67 = tpu.memref_squeeze %dma_start3A_66 : memref<1x256xi32, #tpu.memory_space<vmem>> -> memref<256xi32, #tpu.memory_space<vmem>>
        %dma_start3A_68 = arith.constant 0 : i32
        %dma_start3A_69 = arith.constant 0 : i32
        %dma_start3A_70 = tpu.memref_slice %arg2[%dma_start3A_68, %dma_start3A_69] : memref<10000x64xf32, #tpu.memory_space<hbm>> -> memref<10000x64xf32, #tpu.memory_space<hbm>>
        tpu.enqueue_indirect_dma source(%dma_start3A_70 : memref<10000x64xf32, #tpu.memory_space<hbm>>) target(%arg9 : memref<256x64xf32, #tpu.memory_space<vmem>>) offsets(%dma_start3A_67 : memref<256xi32, #tpu.memory_space<vmem>>) semaphore(%arg12 : memref<!tpu.dma_semaphore, #tpu.memory_space<semaphore_mem>>)
        %add3A_71 = arith.constant 1 : i32
        %add3A_72 = arith.addi %mul3A_40, %add3A_71 : i32
        "tpu.region"() ({
          %run_scoped3A_73 = tpu.sem_alloc : memref<!tpu.dma_semaphore, #tpu.memory_space<semaphore_mem>>
          %dma_start3A_74 = arith.constant 0 : i32
          %dma_start3A_75 = tpu.memref_slice %arg8[%add3A_72, %dma_start3A_74] : memref<40x256xi32, #tpu.memory_space<vmem>> -> memref<1x256xi32, #tpu.memory_space<vmem>>
          %dma_start3A_76 = tpu.memref_squeeze %dma_start3A_75 : memref<1x256xi32, #tpu.memory_space<vmem>> -> memref<256xi32, #tpu.memory_space<vmem>>
          %dma_start3A_77 = arith.constant 0 : i32
          %dma_start3A_78 = arith.constant 0 : i32
          %dma_start3A_79 = tpu.memref_slice %arg11[%dma_start3A_77, %dma_start3A_78] : memref<10112x64xf32, #tpu.memory_space<vmem_shared>> -> memref<10112x64xf32, #tpu.memory_space<vmem_shared>>
          tpu.enqueue_indirect_dma source(%arg10 : memref<256x64xf32, #tpu.memory_space<vmem>>) target(%dma_start3A_79 : memref<10112x64xf32, #tpu.memory_space<vmem_shared>>) offsets(%dma_start3A_76 : memref<256xi32, #tpu.memory_space<vmem>>) semaphore(%run_scoped3A_73 : memref<!tpu.dma_semaphore, #tpu.memory_space<semaphore_mem>>) {add = true}
          %dma_wait3A_80 = arith.constant 0 : i32
          %dma_wait3A_81 = tpu.memref_slice %arg8[%add3A_72, %dma_wait3A_80] : memref<40x256xi32, #tpu.memory_space<vmem>> -> memref<1x256xi32, #tpu.memory_space<vmem>>
          %dma_wait3A_82 = tpu.memref_squeeze %dma_wait3A_81 : memref<1x256xi32, #tpu.memory_space<vmem>> -> memref<256xi32, #tpu.memory_space<vmem>>
          %dma_wait3A_83 = arith.constant 0 : i32
          %dma_wait3A_84 = arith.constant 0 : i32
          %dma_wait3A_85 = tpu.memref_slice %arg11[%dma_wait3A_83, %dma_wait3A_84] : memref<10112x64xf32, #tpu.memory_space<vmem_shared>> -> memref<10112x64xf32, #tpu.memory_space<vmem_shared>>
          tpu.wait_indirect_dma semaphore(%run_scoped3A_73 : memref<!tpu.dma_semaphore, #tpu.memory_space<semaphore_mem>>) src(%arg10 : memref<256x64xf32, #tpu.memory_space<vmem>>) dst(%dma_wait3A_85 : memref<10112x64xf32, #tpu.memory_space<vmem_shared>>)
          tpu.yield
        }) : () -> ()
      }
      %scan3A_12 = arith.constant 19 : i32
      %dma_wait3A = arith.constant 38 : i32
      %dma_wait3A_13 = arith.constant 0 : i32
      %dma_wait3A_14 = tpu.memref_slice %arg7[%dma_wait3A, %dma_wait3A_13] : memref<40x256xi32, #tpu.memory_space<vmem>> -> memref<1x256xi32, #tpu.memory_space<vmem>>
      %dma_wait3A_15 = tpu.memref_squeeze %dma_wait3A_14 : memref<1x256xi32, #tpu.memory_space<vmem>> -> memref<256xi32, #tpu.memory_space<vmem>>
      %dma_wait3A_16 = arith.constant 0 : i32
      %dma_wait3A_17 = arith.constant 0 : i32
      %dma_wait3A_18 = tpu.memref_slice %arg2[%dma_wait3A_16, %dma_wait3A_17] : memref<10000x64xf32, #tpu.memory_space<hbm>> -> memref<10000x64xf32, #tpu.memory_space<hbm>>
      tpu.wait_indirect_dma semaphore(%arg12 : memref<!tpu.dma_semaphore, #tpu.memory_space<semaphore_mem>>) src(%dma_wait3A_18 : memref<10000x64xf32, #tpu.memory_space<hbm>>) dst(%arg9 : memref<256x64xf32, #tpu.memory_space<vmem>>)
      %dma_start3A_19 = arith.constant 39 : i32
      %dma_start3A_20 = arith.constant 0 : i32
      %dma_start3A_21 = tpu.memref_slice %arg7[%dma_start3A_19, %dma_start3A_20] : memref<40x256xi32, #tpu.memory_space<vmem>> -> memref<1x256xi32, #tpu.memory_space<vmem>>
      %dma_start3A_22 = tpu.memref_squeeze %dma_start3A_21 : memref<1x256xi32, #tpu.memory_space<vmem>> -> memref<256xi32, #tpu.memory_space<vmem>>
      %dma_start3A_23 = arith.constant 0 : i32
      %dma_start3A_24 = arith.constant 0 : i32
      %dma_start3A_25 = tpu.memref_slice %arg2[%dma_start3A_23, %dma_start3A_24] : memref<10000x64xf32, #tpu.memory_space<hbm>> -> memref<10000x64xf32, #tpu.memory_space<hbm>>
      tpu.enqueue_indirect_dma source(%dma_start3A_25 : memref<10000x64xf32, #tpu.memory_space<hbm>>) target(%arg10 : memref<256x64xf32, #tpu.memory_space<vmem>>) offsets(%dma_start3A_22 : memref<256xi32, #tpu.memory_space<vmem>>) semaphore(%arg13 : memref<!tpu.dma_semaphore, #tpu.memory_space<semaphore_mem>>)
      %run_scoped3A = arith.constant 38 : i32
      "tpu.region"() ({
        %run_scoped3A_35 = tpu.sem_alloc : memref<!tpu.dma_semaphore, #tpu.memory_space<semaphore_mem>>
        %dma_start3A_36 = arith.constant 0 : i32
        %dma_start3A_37 = tpu.memref_slice %arg8[%run_scoped3A, %dma_start3A_36] : memref<40x256xi32, #tpu.memory_space<vmem>> -> memref<1x256xi32, #tpu.memory_space<vmem>>
        %dma_start3A_38 = tpu.memref_squeeze %dma_start3A_37 : memref<1x256xi32, #tpu.memory_space<vmem>> -> memref<256xi32, #tpu.memory_space<vmem>>
        %dma_start3A_39 = arith.constant 0 : i32
        %dma_start3A_40 = arith.constant 0 : i32
        %dma_start3A_41 = tpu.memref_slice %arg11[%dma_start3A_39, %dma_start3A_40] : memref<10112x64xf32, #tpu.memory_space<vmem_shared>> -> memref<10112x64xf32, #tpu.memory_space<vmem_shared>>
        tpu.enqueue_indirect_dma source(%arg9 : memref<256x64xf32, #tpu.memory_space<vmem>>) target(%dma_start3A_41 : memref<10112x64xf32, #tpu.memory_space<vmem_shared>>) offsets(%dma_start3A_38 : memref<256xi32, #tpu.memory_space<vmem>>) semaphore(%run_scoped3A_35 : memref<!tpu.dma_semaphore, #tpu.memory_space<semaphore_mem>>) {add = true}
        %dma_wait3A_42 = arith.constant 0 : i32
        %dma_wait3A_43 = tpu.memref_slice %arg8[%run_scoped3A, %dma_wait3A_42] : memref<40x256xi32, #tpu.memory_space<vmem>> -> memref<1x256xi32, #tpu.memory_space<vmem>>
        %dma_wait3A_44 = tpu.memref_squeeze %dma_wait3A_43 : memref<1x256xi32, #tpu.memory_space<vmem>> -> memref<256xi32, #tpu.memory_space<vmem>>
        %dma_wait3A_45 = arith.constant 0 : i32
        %dma_wait3A_46 = arith.constant 0 : i32
        %dma_wait3A_47 = tpu.memref_slice %arg11[%dma_wait3A_45, %dma_wait3A_46] : memref<10112x64xf32, #tpu.memory_space<vmem_shared>> -> memref<10112x64xf32, #tpu.memory_space<vmem_shared>>
        tpu.wait_indirect_dma semaphore(%run_scoped3A_35 : memref<!tpu.dma_semaphore, #tpu.memory_space<semaphore_mem>>) src(%arg9 : memref<256x64xf32, #tpu.memory_space<vmem>>) dst(%dma_wait3A_47 : memref<10112x64xf32, #tpu.memory_space<vmem_shared>>)
        tpu.yield
      }) : () -> ()
      %dma_wait3A_26 = arith.constant 39 : i32
      %dma_wait3A_27 = arith.constant 0 : i32
      %dma_wait3A_28 = tpu.memref_slice %arg7[%dma_wait3A_26, %dma_wait3A_27] : memref<40x256xi32, #tpu.memory_space<vmem>> -> memref<1x256xi32, #tpu.memory_space<vmem>>
      %dma_wait3A_29 = tpu.memref_squeeze %dma_wait3A_28 : memref<1x256xi32, #tpu.memory_space<vmem>> -> memref<256xi32, #tpu.memory_space<vmem>>
      %dma_wait3A_30 = arith.constant 0 : i32
      %dma_wait3A_31 = arith.constant 0 : i32
      %dma_wait3A_32 = tpu.memref_slice %arg2[%dma_wait3A_30, %dma_wait3A_31] : memref<10000x64xf32, #tpu.memory_space<hbm>> -> memref<10000x64xf32, #tpu.memory_space<hbm>>
      tpu.wait_indirect_dma semaphore(%arg13 : memref<!tpu.dma_semaphore, #tpu.memory_space<semaphore_mem>>) src(%dma_wait3A_32 : memref<10000x64xf32, #tpu.memory_space<hbm>>) dst(%arg10 : memref<256x64xf32, #tpu.memory_space<vmem>>)
      %run_scoped3A_33 = arith.constant 39 : i32
      "tpu.region"() ({
        %run_scoped3A_35 = tpu.sem_alloc : memref<!tpu.dma_semaphore, #tpu.memory_space<semaphore_mem>>
        %dma_start3A_36 = arith.constant 0 : i32
        %dma_start3A_37 = tpu.memref_slice %arg8[%run_scoped3A_33, %dma_start3A_36] : memref<40x256xi32, #tpu.memory_space<vmem>> -> memref<1x256xi32, #tpu.memory_space<vmem>>
        %dma_start3A_38 = tpu.memref_squeeze %dma_start3A_37 : memref<1x256xi32, #tpu.memory_space<vmem>> -> memref<256xi32, #tpu.memory_space<vmem>>
        %dma_start3A_39 = arith.constant 0 : i32
        %dma_start3A_40 = arith.constant 0 : i32
        %dma_start3A_41 = tpu.memref_slice %arg11[%dma_start3A_39, %dma_start3A_40] : memref<10112x64xf32, #tpu.memory_space<vmem_shared>> -> memref<10112x64xf32, #tpu.memory_space<vmem_shared>>
        tpu.enqueue_indirect_dma source(%arg10 : memref<256x64xf32, #tpu.memory_space<vmem>>) target(%dma_start3A_41 : memref<10112x64xf32, #tpu.memory_space<vmem_shared>>) offsets(%dma_start3A_38 : memref<256xi32, #tpu.memory_space<vmem>>) semaphore(%run_scoped3A_35 : memref<!tpu.dma_semaphore, #tpu.memory_space<semaphore_mem>>) {add = true}
        %dma_wait3A_42 = arith.constant 0 : i32
        %dma_wait3A_43 = tpu.memref_slice %arg8[%run_scoped3A_33, %dma_wait3A_42] : memref<40x256xi32, #tpu.memory_space<vmem>> -> memref<1x256xi32, #tpu.memory_space<vmem>>
        %dma_wait3A_44 = tpu.memref_squeeze %dma_wait3A_43 : memref<1x256xi32, #tpu.memory_space<vmem>> -> memref<256xi32, #tpu.memory_space<vmem>>
        %dma_wait3A_45 = arith.constant 0 : i32
        %dma_wait3A_46 = arith.constant 0 : i32
        %dma_wait3A_47 = tpu.memref_slice %arg11[%dma_wait3A_45, %dma_wait3A_46] : memref<10112x64xf32, #tpu.memory_space<vmem_shared>> -> memref<10112x64xf32, #tpu.memory_space<vmem_shared>>
        tpu.wait_indirect_dma semaphore(%run_scoped3A_35 : memref<!tpu.dma_semaphore, #tpu.memory_space<semaphore_mem>>) src(%arg10 : memref<256x64xf32, #tpu.memory_space<vmem>>) dst(%dma_wait3A_47 : memref<10112x64xf32, #tpu.memory_space<vmem_shared>>)
        tpu.yield
      }) : () -> ()
      %barrier3A_34 = arith.constant 0 : index
      tpu.barrier barrier_id(%barrier3A_34)
      "tpu.region"() ({
        %run_scoped3A_35 = tpu.sem_alloc : memref<!tpu.dma_semaphore, #tpu.memory_space<semaphore_mem>>
        %dma_start3A_36 = arith.constant 0 : i32
        %dma_start3A_37 = tpu.memref_slice %arg6[%mul3A_0, %dma_start3A_36] : memref<10112x64xf32, #tpu.memory_space<hbm>> -> memref<632x64xf32, #tpu.memory_space<hbm>>
        %dma_start3A_38 = arith.constant 0 : i32
        %dma_start3A_39 = tpu.memref_slice %arg11[%mul3A_0, %dma_start3A_38] : memref<10112x64xf32, #tpu.memory_space<vmem_shared>> -> memref<632x64xf32, #tpu.memory_space<vmem_shared>>
        tpu.enqueue_dma source(%dma_start3A_39 : memref<632x64xf32, #tpu.memory_space<vmem_shared>>) target(%dma_start3A_37 : memref<632x64xf32, #tpu.memory_space<hbm>>) target_semaphore(%run_scoped3A_35 : memref<!tpu.dma_semaphore, #tpu.memory_space<semaphore_mem>>)
        %dma_wait3A_40 = arith.constant 0 : i32
        %dma_wait3A_41 = tpu.memref_slice %arg6[%mul3A_0, %dma_wait3A_40] : memref<10112x64xf32, #tpu.memory_space<hbm>> -> memref<632x64xf32, #tpu.memory_space<hbm>>
        %dma_wait3A_42 = arith.constant 0 : i32
        %dma_wait3A_43 = tpu.memref_slice %arg11[%mul3A_0, %dma_wait3A_42] : memref<10112x64xf32, #tpu.memory_space<vmem_shared>> -> memref<632x64xf32, #tpu.memory_space<vmem_shared>>
        tpu.wait_dma2 semaphore(%run_scoped3A_35 : memref<!tpu.dma_semaphore, #tpu.memory_space<semaphore_mem>>) src(%dma_wait3A_43 : memref<632x64xf32, #tpu.memory_space<vmem_shared>>) dst(%dma_wait3A_41 : memref<632x64xf32, #tpu.memory_space<hbm>>)
        tpu.yield
      }) : () -> ()
    } else {
    }
    return
  }
}

#map = affine_map<(d0, d1) -> (0)>
#map1 = affine_map<(d0, d1) -> (0, 0, 0)>
module attributes {stable_mosaic.version = 14 : i64} {
  func.func @_ew(%arg0: i32, %arg1: i32, %arg2: memref<10112xf32, #tpu.memory_space<hbm>>, %arg3: memref<16x40x256xi32, #tpu.memory_space<hbm>>, %arg4: memref<16x40x256xf32, #tpu.memory_space<hbm>>, %arg5: memref<40x256xi32, #tpu.memory_space<vmem>>, %arg6: memref<40x256xf32, #tpu.memory_space<vmem>>) attributes {dimension_semantics = [#tpu.dimension_semantics<core_parallel>, #tpu.dimension_semantics<subcore_parallel>], iteration_bounds = array<i64: 2, 16>, scalar_prefetch = 0 : i64, scratch_operands = 2 : i64, tpu.core_type = #tpu.core_type<sc_vector_subcore>, window_params = [{transform_indices = #map}, {transform_indices = #map1}, {transform_indices = #map1}]} {
    %eq3A = arith.constant 0 : i32
    %eq3A_0 = arith.cmpi eq, %arg0, %eq3A : i32
    %convert_element_type3A = arith.extui %eq3A_0 : i1 to i32
    %cond3A = arith.constant 0 : i32
    %cond3A_1 = arith.cmpi ne, %convert_element_type3A, %cond3A : i32
    scf.if %cond3A_1 {
      "tpu.region"() ({
        %run_scoped3A = tpu.sem_alloc : memref<!tpu.dma_semaphore, #tpu.memory_space<semaphore_mem>>
        %dma_start3A = arith.constant 0 : i32
        %dma_start3A_6 = arith.constant 0 : i32
        %dma_start3A_7 = tpu.memref_slice %arg3[%arg1, %dma_start3A, %dma_start3A_6] : memref<16x40x256xi32, #tpu.memory_space<hbm>> -> memref<1x40x256xi32, #tpu.memory_space<hbm>>
        %dma_start3A_8 = tpu.memref_squeeze %dma_start3A_7 : memref<1x40x256xi32, #tpu.memory_space<hbm>> -> memref<40x256xi32, #tpu.memory_space<hbm>>
        %dma_start3A_9 = arith.constant 0 : i32
        %dma_start3A_10 = arith.constant 0 : i32
        %dma_start3A_11 = tpu.memref_slice %arg3[%arg1, %dma_start3A_9, %dma_start3A_10] : memref<16x40x256xi32, #tpu.memory_space<hbm>> -> memref<1x40x256xi32, #tpu.memory_space<hbm>>
        %dma_start3A_12 = tpu.memref_squeeze %dma_start3A_11 : memref<1x40x256xi32, #tpu.memory_space<hbm>> -> memref<40x256xi32, #tpu.memory_space<hbm>>
        tpu.enqueue_dma source(%dma_start3A_12 : memref<40x256xi32, #tpu.memory_space<hbm>>) target(%arg5 : memref<40x256xi32, #tpu.memory_space<vmem>>) target_semaphore(%run_scoped3A : memref<!tpu.dma_semaphore, #tpu.memory_space<semaphore_mem>>)
        %dma_wait3A = arith.constant 0 : i32
        %dma_wait3A_13 = arith.constant 0 : i32
        %dma_wait3A_14 = tpu.memref_slice %arg3[%arg1, %dma_wait3A, %dma_wait3A_13] : memref<16x40x256xi32, #tpu.memory_space<hbm>> -> memref<1x40x256xi32, #tpu.memory_space<hbm>>
        %dma_wait3A_15 = tpu.memref_squeeze %dma_wait3A_14 : memref<1x40x256xi32, #tpu.memory_space<hbm>> -> memref<40x256xi32, #tpu.memory_space<hbm>>
        %dma_wait3A_16 = arith.constant 0 : i32
        %dma_wait3A_17 = arith.constant 0 : i32
        %dma_wait3A_18 = tpu.memref_slice %arg3[%arg1, %dma_wait3A_16, %dma_wait3A_17] : memref<16x40x256xi32, #tpu.memory_space<hbm>> -> memref<1x40x256xi32, #tpu.memory_space<hbm>>
        %dma_wait3A_19 = tpu.memref_squeeze %dma_wait3A_18 : memref<1x40x256xi32, #tpu.memory_space<hbm>> -> memref<40x256xi32, #tpu.memory_space<hbm>>
        tpu.wait_dma2 semaphore(%run_scoped3A : memref<!tpu.dma_semaphore, #tpu.memory_space<semaphore_mem>>) src(%dma_wait3A_19 : memref<40x256xi32, #tpu.memory_space<hbm>>) dst(%arg5 : memref<40x256xi32, #tpu.memory_space<vmem>>)
        tpu.yield
      }) : () -> ()
      %scan3A = arith.constant 0 : i32
      %scan3A_2 = arith.constant 40 : i32
      %scan3A_3 = arith.addi %scan3A, %scan3A_2 : i32
      %scan3A_4 = arith.constant 1 : i32
      scf.for %scan3A_6 = %scan3A to %scan3A_3 step %scan3A_4  : i32 {
        %mul3A = arith.constant 1 : i32
        %mul3A_7 = arith.muli %scan3A_6, %mul3A : i32
        %add3A = arith.constant 0 : i32
        %add3A_8 = arith.addi %add3A, %mul3A_7 : i32
        "tpu.region"() ({
          %run_scoped3A = tpu.sem_alloc : memref<!tpu.dma_semaphore, #tpu.memory_space<semaphore_mem>>
          %dma_start3A = arith.constant 0 : i32
          %dma_start3A_9 = tpu.memref_slice %arg6[%add3A_8, %dma_start3A] : memref<40x256xf32, #tpu.memory_space<vmem>> -> memref<1x256xf32, #tpu.memory_space<vmem>>
          %dma_start3A_10 = tpu.memref_squeeze %dma_start3A_9 : memref<1x256xf32, #tpu.memory_space<vmem>> -> memref<256xf32, #tpu.memory_space<vmem>>
          %dma_start3A_11 = arith.constant 0 : i32
          %dma_start3A_12 = tpu.memref_slice %arg5[%add3A_8, %dma_start3A_11] : memref<40x256xi32, #tpu.memory_space<vmem>> -> memref<1x256xi32, #tpu.memory_space<vmem>>
          %dma_start3A_13 = tpu.memref_squeeze %dma_start3A_12 : memref<1x256xi32, #tpu.memory_space<vmem>> -> memref<256xi32, #tpu.memory_space<vmem>>
          %dma_start3A_14 = arith.constant 0 : i32
          %dma_start3A_15 = tpu.memref_slice %arg2[%dma_start3A_14] : memref<10112xf32, #tpu.memory_space<hbm>> -> memref<10112xf32, #tpu.memory_space<hbm>>
          tpu.enqueue_indirect_dma source(%dma_start3A_15 : memref<10112xf32, #tpu.memory_space<hbm>>) target(%dma_start3A_10 : memref<256xf32, #tpu.memory_space<vmem>>) offsets(%dma_start3A_13 : memref<256xi32, #tpu.memory_space<vmem>>) semaphore(%run_scoped3A : memref<!tpu.dma_semaphore, #tpu.memory_space<semaphore_mem>>)
          %dma_wait3A = arith.constant 0 : i32
          %dma_wait3A_16 = tpu.memref_slice %arg6[%add3A_8, %dma_wait3A] : memref<40x256xf32, #tpu.memory_space<vmem>> -> memref<1x256xf32, #tpu.memory_space<vmem>>
          %dma_wait3A_17 = tpu.memref_squeeze %dma_wait3A_16 : memref<1x256xf32, #tpu.memory_space<vmem>> -> memref<256xf32, #tpu.memory_space<vmem>>
          %dma_wait3A_18 = arith.constant 0 : i32
          %dma_wait3A_19 = tpu.memref_slice %arg5[%add3A_8, %dma_wait3A_18] : memref<40x256xi32, #tpu.memory_space<vmem>> -> memref<1x256xi32, #tpu.memory_space<vmem>>
          %dma_wait3A_20 = tpu.memref_squeeze %dma_wait3A_19 : memref<1x256xi32, #tpu.memory_space<vmem>> -> memref<256xi32, #tpu.memory_space<vmem>>
          %dma_wait3A_21 = arith.constant 0 : i32
          %dma_wait3A_22 = tpu.memref_slice %arg2[%dma_wait3A_21] : memref<10112xf32, #tpu.memory_space<hbm>> -> memref<10112xf32, #tpu.memory_space<hbm>>
          tpu.wait_indirect_dma semaphore(%run_scoped3A : memref<!tpu.dma_semaphore, #tpu.memory_space<semaphore_mem>>) src(%dma_wait3A_22 : memref<10112xf32, #tpu.memory_space<hbm>>) dst(%dma_wait3A_17 : memref<256xf32, #tpu.memory_space<vmem>>)
          tpu.yield
        }) : () -> ()
      }
      %scan3A_5 = arith.constant 40 : i32
      "tpu.region"() ({
        %run_scoped3A = tpu.sem_alloc : memref<!tpu.dma_semaphore, #tpu.memory_space<semaphore_mem>>
        %dma_start3A = arith.constant 0 : i32
        %dma_start3A_6 = arith.constant 0 : i32
        %dma_start3A_7 = tpu.memref_slice %arg4[%arg1, %dma_start3A, %dma_start3A_6] : memref<16x40x256xf32, #tpu.memory_space<hbm>> -> memref<1x40x256xf32, #tpu.memory_space<hbm>>
        %dma_start3A_8 = tpu.memref_squeeze %dma_start3A_7 : memref<1x40x256xf32, #tpu.memory_space<hbm>> -> memref<40x256xf32, #tpu.memory_space<hbm>>
        %dma_start3A_9 = arith.constant 0 : i32
        %dma_start3A_10 = arith.constant 0 : i32
        %dma_start3A_11 = tpu.memref_slice %arg4[%arg1, %dma_start3A_9, %dma_start3A_10] : memref<16x40x256xf32, #tpu.memory_space<hbm>> -> memref<1x40x256xf32, #tpu.memory_space<hbm>>
        %dma_start3A_12 = tpu.memref_squeeze %dma_start3A_11 : memref<1x40x256xf32, #tpu.memory_space<hbm>> -> memref<40x256xf32, #tpu.memory_space<hbm>>
        tpu.enqueue_dma source(%arg6 : memref<40x256xf32, #tpu.memory_space<vmem>>) target(%dma_start3A_12 : memref<40x256xf32, #tpu.memory_space<hbm>>) target_semaphore(%run_scoped3A : memref<!tpu.dma_semaphore, #tpu.memory_space<semaphore_mem>>)
        %dma_wait3A = arith.constant 0 : i32
        %dma_wait3A_13 = arith.constant 0 : i32
        %dma_wait3A_14 = tpu.memref_slice %arg4[%arg1, %dma_wait3A, %dma_wait3A_13] : memref<16x40x256xf32, #tpu.memory_space<hbm>> -> memref<1x40x256xf32, #tpu.memory_space<hbm>>
        %dma_wait3A_15 = tpu.memref_squeeze %dma_wait3A_14 : memref<1x40x256xf32, #tpu.memory_space<hbm>> -> memref<40x256xf32, #tpu.memory_space<hbm>>
        %dma_wait3A_16 = arith.constant 0 : i32
        %dma_wait3A_17 = arith.constant 0 : i32
        %dma_wait3A_18 = tpu.memref_slice %arg4[%arg1, %dma_wait3A_16, %dma_wait3A_17] : memref<16x40x256xf32, #tpu.memory_space<hbm>> -> memref<1x40x256xf32, #tpu.memory_space<hbm>>
        %dma_wait3A_19 = tpu.memref_squeeze %dma_wait3A_18 : memref<1x40x256xf32, #tpu.memory_space<hbm>> -> memref<40x256xf32, #tpu.memory_space<hbm>>
        tpu.wait_dma2 semaphore(%run_scoped3A : memref<!tpu.dma_semaphore, #tpu.memory_space<semaphore_mem>>) src(%arg6 : memref<40x256xf32, #tpu.memory_space<vmem>>) dst(%dma_wait3A_19 : memref<40x256xf32, #tpu.memory_space<hbm>>)
        tpu.yield
      }) : () -> ()
    } else {
    }
    return
  }
}

#map = affine_map<(d0, d1) -> (0, 0)>
#map1 = affine_map<(d0, d1) -> (0, 0, 0)>
module attributes {stable_mosaic.version = 14 : i64} {
  func.func @_scatter(%arg0: i32, %arg1: i32, %arg2: memref<10000x64xf32, #tpu.memory_space<hbm>>, %arg3: memref<16x40x256xi32, #tpu.memory_space<hbm>>, %arg4: memref<16x40x256xi32, #tpu.memory_space<hbm>>, %arg5: memref<10112x64xf32, #tpu.memory_space<hbm>>, %arg6: memref<10112x64xf32, #tpu.memory_space<hbm>>, %arg7: memref<40x256xi32, #tpu.memory_space<vmem>>, %arg8: memref<40x256xi32, #tpu.memory_space<vmem>>, %arg9: memref<256x64xf32, #tpu.memory_space<vmem>>, %arg10: memref<256x64xf32, #tpu.memory_space<vmem>>, %arg11: memref<10112x64xf32, #tpu.memory_space<vmem_shared>>, %arg12: memref<!tpu.dma_semaphore, #tpu.memory_space<semaphore_mem>>, %arg13: memref<!tpu.dma_semaphore, #tpu.memory_space<semaphore_mem>>) attributes {dimension_semantics = [#tpu.dimension_semantics<core_parallel>, #tpu.dimension_semantics<subcore_parallel>], iteration_bounds = array<i64: 2, 16>, scalar_prefetch = 0 : i64, scratch_operands = 7 : i64, tpu.core_type = #tpu.core_type<sc_vector_subcore>, window_params = [{transform_indices = #map}, {transform_indices = #map1}, {transform_indices = #map1}, {transform_indices = #map}, {transform_indices = #map}]} {
    %mul3A = arith.constant 632 : i32
    %mul3A_0 = arith.muli %arg1, %mul3A : i32
    %eq3A = arith.constant 0 : i32
    %eq3A_1 = arith.cmpi eq, %arg0, %eq3A : i32
    %convert_element_type3A = arith.extui %eq3A_1 : i1 to i32
    %cond3A = arith.constant 0 : i32
    %cond3A_2 = arith.cmpi ne, %convert_element_type3A, %cond3A : i32
    scf.if %cond3A_2 {
      "tpu.region"() ({
        %run_scoped3A_35 = tpu.sem_alloc : memref<!tpu.dma_semaphore, #tpu.memory_space<semaphore_mem>>
        %dma_start3A_36 = arith.constant 0 : i32
        %dma_start3A_37 = arith.constant 0 : i32
        %dma_start3A_38 = tpu.memref_slice %arg3[%arg1, %dma_start3A_36, %dma_start3A_37] : memref<16x40x256xi32, #tpu.memory_space<hbm>> -> memref<1x40x256xi32, #tpu.memory_space<hbm>>
        %dma_start3A_39 = tpu.memref_squeeze %dma_start3A_38 : memref<1x40x256xi32, #tpu.memory_space<hbm>> -> memref<40x256xi32, #tpu.memory_space<hbm>>
        %dma_start3A_40 = arith.constant 0 : i32
        %dma_start3A_41 = arith.constant 0 : i32
        %dma_start3A_42 = tpu.memref_slice %arg3[%arg1, %dma_start3A_40, %dma_start3A_41] : memref<16x40x256xi32, #tpu.memory_space<hbm>> -> memref<1x40x256xi32, #tpu.memory_space<hbm>>
        %dma_start3A_43 = tpu.memref_squeeze %dma_start3A_42 : memref<1x40x256xi32, #tpu.memory_space<hbm>> -> memref<40x256xi32, #tpu.memory_space<hbm>>
        tpu.enqueue_dma source(%dma_start3A_43 : memref<40x256xi32, #tpu.memory_space<hbm>>) target(%arg7 : memref<40x256xi32, #tpu.memory_space<vmem>>) target_semaphore(%run_scoped3A_35 : memref<!tpu.dma_semaphore, #tpu.memory_space<semaphore_mem>>)
        %dma_wait3A_44 = arith.constant 0 : i32
        %dma_wait3A_45 = arith.constant 0 : i32
        %dma_wait3A_46 = tpu.memref_slice %arg3[%arg1, %dma_wait3A_44, %dma_wait3A_45] : memref<16x40x256xi32, #tpu.memory_space<hbm>> -> memref<1x40x256xi32, #tpu.memory_space<hbm>>
        %dma_wait3A_47 = tpu.memref_squeeze %dma_wait3A_46 : memref<1x40x256xi32, #tpu.memory_space<hbm>> -> memref<40x256xi32, #tpu.memory_space<hbm>>
        %dma_wait3A_48 = arith.constant 0 : i32
        %dma_wait3A_49 = arith.constant 0 : i32
        %dma_wait3A_50 = tpu.memref_slice %arg3[%arg1, %dma_wait3A_48, %dma_wait3A_49] : memref<16x40x256xi32, #tpu.memory_space<hbm>> -> memref<1x40x256xi32, #tpu.memory_space<hbm>>
        %dma_wait3A_51 = tpu.memref_squeeze %dma_wait3A_50 : memref<1x40x256xi32, #tpu.memory_space<hbm>> -> memref<40x256xi32, #tpu.memory_space<hbm>>
        tpu.wait_dma2 semaphore(%run_scoped3A_35 : memref<!tpu.dma_semaphore, #tpu.memory_space<semaphore_mem>>) src(%dma_wait3A_51 : memref<40x256xi32, #tpu.memory_space<hbm>>) dst(%arg7 : memref<40x256xi32, #tpu.memory_space<vmem>>)
        tpu.yield
      }) : () -> ()
      "tpu.region"() ({
        %run_scoped3A_35 = tpu.sem_alloc : memref<!tpu.dma_semaphore, #tpu.memory_space<semaphore_mem>>
        %dma_start3A_36 = arith.constant 0 : i32
        %dma_start3A_37 = arith.constant 0 : i32
        %dma_start3A_38 = tpu.memref_slice %arg4[%arg1, %dma_start3A_36, %dma_start3A_37] : memref<16x40x256xi32, #tpu.memory_space<hbm>> -> memref<1x40x256xi32, #tpu.memory_space<hbm>>
        %dma_start3A_39 = tpu.memref_squeeze %dma_start3A_38 : memref<1x40x256xi32, #tpu.memory_space<hbm>> -> memref<40x256xi32, #tpu.memory_space<hbm>>
        %dma_start3A_40 = arith.constant 0 : i32
        %dma_start3A_41 = arith.constant 0 : i32
        %dma_start3A_42 = tpu.memref_slice %arg4[%arg1, %dma_start3A_40, %dma_start3A_41] : memref<16x40x256xi32, #tpu.memory_space<hbm>> -> memref<1x40x256xi32, #tpu.memory_space<hbm>>
        %dma_start3A_43 = tpu.memref_squeeze %dma_start3A_42 : memref<1x40x256xi32, #tpu.memory_space<hbm>> -> memref<40x256xi32, #tpu.memory_space<hbm>>
        tpu.enqueue_dma source(%dma_start3A_43 : memref<40x256xi32, #tpu.memory_space<hbm>>) target(%arg8 : memref<40x256xi32, #tpu.memory_space<vmem>>) target_semaphore(%run_scoped3A_35 : memref<!tpu.dma_semaphore, #tpu.memory_space<semaphore_mem>>)
        %dma_wait3A_44 = arith.constant 0 : i32
        %dma_wait3A_45 = arith.constant 0 : i32
        %dma_wait3A_46 = tpu.memref_slice %arg4[%arg1, %dma_wait3A_44, %dma_wait3A_45] : memref<16x40x256xi32, #tpu.memory_space<hbm>> -> memref<1x40x256xi32, #tpu.memory_space<hbm>>
        %dma_wait3A_47 = tpu.memref_squeeze %dma_wait3A_46 : memref<1x40x256xi32, #tpu.memory_space<hbm>> -> memref<40x256xi32, #tpu.memory_space<hbm>>
        %dma_wait3A_48 = arith.constant 0 : i32
        %dma_wait3A_49 = arith.constant 0 : i32
        %dma_wait3A_50 = tpu.memref_slice %arg4[%arg1, %dma_wait3A_48, %dma_wait3A_49] : memref<16x40x256xi32, #tpu.memory_space<hbm>> -> memref<1x40x256xi32, #tpu.memory_space<hbm>>
        %dma_wait3A_51 = tpu.memref_squeeze %dma_wait3A_50 : memref<1x40x256xi32, #tpu.memory_space<hbm>> -> memref<40x256xi32, #tpu.memory_space<hbm>>
        tpu.wait_dma2 semaphore(%run_scoped3A_35 : memref<!tpu.dma_semaphore, #tpu.memory_space<semaphore_mem>>) src(%dma_wait3A_51 : memref<40x256xi32, #tpu.memory_space<hbm>>) dst(%arg8 : memref<40x256xi32, #tpu.memory_space<vmem>>)
        tpu.yield
      }) : () -> ()
      "tpu.region"() ({
        %run_scoped3A_35 = tpu.sem_alloc : memref<!tpu.dma_semaphore, #tpu.memory_space<semaphore_mem>>
        %dma_start3A_36 = arith.constant 0 : i32
        %dma_start3A_37 = tpu.memref_slice %arg11[%mul3A_0, %dma_start3A_36] : memref<10112x64xf32, #tpu.memory_space<vmem_shared>> -> memref<632x64xf32, #tpu.memory_space<vmem_shared>>
        %dma_start3A_38 = arith.constant 0 : i32
        %dma_start3A_39 = tpu.memref_slice %arg5[%mul3A_0, %dma_start3A_38] : memref<10112x64xf32, #tpu.memory_space<hbm>> -> memref<632x64xf32, #tpu.memory_space<hbm>>
        tpu.enqueue_dma source(%dma_start3A_39 : memref<632x64xf32, #tpu.memory_space<hbm>>) target(%dma_start3A_37 : memref<632x64xf32, #tpu.memory_space<vmem_shared>>) target_semaphore(%run_scoped3A_35 : memref<!tpu.dma_semaphore, #tpu.memory_space<semaphore_mem>>)
        %dma_wait3A_40 = arith.constant 0 : i32
        %dma_wait3A_41 = tpu.memref_slice %arg11[%mul3A_0, %dma_wait3A_40] : memref<10112x64xf32, #tpu.memory_space<vmem_shared>> -> memref<632x64xf32, #tpu.memory_space<vmem_shared>>
        %dma_wait3A_42 = arith.constant 0 : i32
        %dma_wait3A_43 = tpu.memref_slice %arg5[%mul3A_0, %dma_wait3A_42] : memref<10112x64xf32, #tpu.memory_space<hbm>> -> memref<632x64xf32, #tpu.memory_space<hbm>>
        tpu.wait_dma2 semaphore(%run_scoped3A_35 : memref<!tpu.dma_semaphore, #tpu.memory_space<semaphore_mem>>) src(%dma_wait3A_43 : memref<632x64xf32, #tpu.memory_space<hbm>>) dst(%dma_wait3A_41 : memref<632x64xf32, #tpu.memory_space<vmem_shared>>)
        tpu.yield
      }) : () -> ()
      %barrier3A = arith.constant 0 : index
      tpu.barrier barrier_id(%barrier3A)
      %dma_start3A = arith.constant 0 : i32
      %dma_start3A_3 = arith.constant 0 : i32
      %dma_start3A_4 = tpu.memref_slice %arg7[%dma_start3A, %dma_start3A_3] : memref<40x256xi32, #tpu.memory_space<vmem>> -> memref<1x256xi32, #tpu.memory_space<vmem>>
      %dma_start3A_5 = tpu.memref_squeeze %dma_start3A_4 : memref<1x256xi32, #tpu.memory_space<vmem>> -> memref<256xi32, #tpu.memory_space<vmem>>
      %dma_start3A_6 = arith.constant 0 : i32
      %dma_start3A_7 = arith.constant 0 : i32
      %dma_start3A_8 = tpu.memref_slice %arg2[%dma_start3A_6, %dma_start3A_7] : memref<10000x64xf32, #tpu.memory_space<hbm>> -> memref<10000x64xf32, #tpu.memory_space<hbm>>
      tpu.enqueue_indirect_dma source(%dma_start3A_8 : memref<10000x64xf32, #tpu.memory_space<hbm>>) target(%arg9 : memref<256x64xf32, #tpu.memory_space<vmem>>) offsets(%dma_start3A_5 : memref<256xi32, #tpu.memory_space<vmem>>) semaphore(%arg12 : memref<!tpu.dma_semaphore, #tpu.memory_space<semaphore_mem>>)
      %scan3A = arith.constant 0 : i32
      %scan3A_9 = arith.constant 19 : i32
      %scan3A_10 = arith.addi %scan3A, %scan3A_9 : i32
      %scan3A_11 = arith.constant 1 : i32
      scf.for %scan3A_35 = %scan3A to %scan3A_10 step %scan3A_11  : i32 {
        %mul3A_36 = arith.constant 1 : i32
        %mul3A_37 = arith.muli %scan3A_35, %mul3A_36 : i32
        %add3A = arith.constant 0 : i32
        %add3A_38 = arith.addi %add3A, %mul3A_37 : i32
        %mul3A_39 = arith.constant 2 : i32
        %mul3A_40 = arith.muli %add3A_38, %mul3A_39 : i32
        %dma_wait3A_41 = arith.constant 0 : i32
        %dma_wait3A_42 = tpu.memref_slice %arg7[%mul3A_40, %dma_wait3A_41] : memref<40x256xi32, #tpu.memory_space<vmem>> -> memref<1x256xi32, #tpu.memory_space<vmem>>
        %dma_wait3A_43 = tpu.memref_squeeze %dma_wait3A_42 : memref<1x256xi32, #tpu.memory_space<vmem>> -> memref<256xi32, #tpu.memory_space<vmem>>
        %dma_wait3A_44 = arith.constant 0 : i32
        %dma_wait3A_45 = arith.constant 0 : i32
        %dma_wait3A_46 = tpu.memref_slice %arg2[%dma_wait3A_44, %dma_wait3A_45] : memref<10000x64xf32, #tpu.memory_space<hbm>> -> memref<10000x64xf32, #tpu.memory_space<hbm>>
        tpu.wait_indirect_dma semaphore(%arg12 : memref<!tpu.dma_semaphore, #tpu.memory_space<semaphore_mem>>) src(%dma_wait3A_46 : memref<10000x64xf32, #tpu.memory_space<hbm>>) dst(%arg9 : memref<256x64xf32, #tpu.memory_space<vmem>>)
        %add3A_47 = arith.constant 1 : i32
        %add3A_48 = arith.addi %mul3A_40, %add3A_47 : i32
        %dma_start3A_49 = arith.constant 0 : i32
        %dma_start3A_50 = tpu.memref_slice %arg7[%add3A_48, %dma_start3A_49] : memref<40x256xi32, #tpu.memory_space<vmem>> -> memref<1x256xi32, #tpu.memory_space<vmem>>
        %dma_start3A_51 = tpu.memref_squeeze %dma_start3A_50 : memref<1x256xi32, #tpu.memory_space<vmem>> -> memref<256xi32, #tpu.memory_space<vmem>>
        %dma_start3A_52 = arith.constant 0 : i32
        %dma_start3A_53 = arith.constant 0 : i32
        %dma_start3A_54 = tpu.memref_slice %arg2[%dma_start3A_52, %dma_start3A_53] : memref<10000x64xf32, #tpu.memory_space<hbm>> -> memref<10000x64xf32, #tpu.memory_space<hbm>>
        tpu.enqueue_indirect_dma source(%dma_start3A_54 : memref<10000x64xf32, #tpu.memory_space<hbm>>) target(%arg10 : memref<256x64xf32, #tpu.memory_space<vmem>>) offsets(%dma_start3A_51 : memref<256xi32, #tpu.memory_space<vmem>>) semaphore(%arg13 : memref<!tpu.dma_semaphore, #tpu.memory_space<semaphore_mem>>)
        "tpu.region"() ({
          %run_scoped3A_73 = tpu.sem_alloc : memref<!tpu.dma_semaphore, #tpu.memory_space<semaphore_mem>>
          %dma_start3A_74 = arith.constant 0 : i32
          %dma_start3A_75 = tpu.memref_slice %arg8[%mul3A_40, %dma_start3A_74] : memref<40x256xi32, #tpu.memory_space<vmem>> -> memref<1x256xi32, #tpu.memory_space<vmem>>
          %dma_start3A_76 = tpu.memref_squeeze %dma_start3A_75 : memref<1x256xi32, #tpu.memory_space<vmem>> -> memref<256xi32, #tpu.memory_space<vmem>>
          %dma_start3A_77 = arith.constant 0 : i32
          %dma_start3A_78 = arith.constant 0 : i32
          %dma_start3A_79 = tpu.memref_slice %arg11[%dma_start3A_77, %dma_start3A_78] : memref<10112x64xf32, #tpu.memory_space<vmem_shared>> -> memref<10112x64xf32, #tpu.memory_space<vmem_shared>>
          tpu.enqueue_indirect_dma source(%arg9 : memref<256x64xf32, #tpu.memory_space<vmem>>) target(%dma_start3A_79 : memref<10112x64xf32, #tpu.memory_space<vmem_shared>>) offsets(%dma_start3A_76 : memref<256xi32, #tpu.memory_space<vmem>>) semaphore(%run_scoped3A_73 : memref<!tpu.dma_semaphore, #tpu.memory_space<semaphore_mem>>) {add = true}
          %dma_wait3A_80 = arith.constant 0 : i32
          %dma_wait3A_81 = tpu.memref_slice %arg8[%mul3A_40, %dma_wait3A_80] : memref<40x256xi32, #tpu.memory_space<vmem>> -> memref<1x256xi32, #tpu.memory_space<vmem>>
          %dma_wait3A_82 = tpu.memref_squeeze %dma_wait3A_81 : memref<1x256xi32, #tpu.memory_space<vmem>> -> memref<256xi32, #tpu.memory_space<vmem>>
          %dma_wait3A_83 = arith.constant 0 : i32
          %dma_wait3A_84 = arith.constant 0 : i32
          %dma_wait3A_85 = tpu.memref_slice %arg11[%dma_wait3A_83, %dma_wait3A_84] : memref<10112x64xf32, #tpu.memory_space<vmem_shared>> -> memref<10112x64xf32, #tpu.memory_space<vmem_shared>>
          tpu.wait_indirect_dma semaphore(%run_scoped3A_73 : memref<!tpu.dma_semaphore, #tpu.memory_space<semaphore_mem>>) src(%arg9 : memref<256x64xf32, #tpu.memory_space<vmem>>) dst(%dma_wait3A_85 : memref<10112x64xf32, #tpu.memory_space<vmem_shared>>)
          tpu.yield
        }) : () -> ()
        %add3A_55 = arith.constant 1 : i32
        %add3A_56 = arith.addi %mul3A_40, %add3A_55 : i32
        %dma_wait3A_57 = arith.constant 0 : i32
        %dma_wait3A_58 = tpu.memref_slice %arg7[%add3A_56, %dma_wait3A_57] : memref<40x256xi32, #tpu.memory_space<vmem>> -> memref<1x256xi32, #tpu.memory_space<vmem>>
        %dma_wait3A_59 = tpu.memref_squeeze %dma_wait3A_58 : memref<1x256xi32, #tpu.memory_space<vmem>> -> memref<256xi32, #tpu.memory_space<vmem>>
        %dma_wait3A_60 = arith.constant 0 : i32
        %dma_wait3A_61 = arith.constant 0 : i32
        %dma_wait3A_62 = tpu.memref_slice %arg2[%dma_wait3A_60, %dma_wait3A_61] : memref<10000x64xf32, #tpu.memory_space<hbm>> -> memref<10000x64xf32, #tpu.memory_space<hbm>>
        tpu.wait_indirect_dma semaphore(%arg13 : memref<!tpu.dma_semaphore, #tpu.memory_space<semaphore_mem>>) src(%dma_wait3A_62 : memref<10000x64xf32, #tpu.memory_space<hbm>>) dst(%arg10 : memref<256x64xf32, #tpu.memory_space<vmem>>)
        %add3A_63 = arith.constant 2 : i32
        %add3A_64 = arith.addi %mul3A_40, %add3A_63 : i32
        %dma_start3A_65 = arith.constant 0 : i32
        %dma_start3A_66 = tpu.memref_slice %arg7[%add3A_64, %dma_start3A_65] : memref<40x256xi32, #tpu.memory_space<vmem>> -> memref<1x256xi32, #tpu.memory_space<vmem>>
        %dma_start3A_67 = tpu.memref_squeeze %dma_start3A_66 : memref<1x256xi32, #tpu.memory_space<vmem>> -> memref<256xi32, #tpu.memory_space<vmem>>
        %dma_start3A_68 = arith.constant 0 : i32
        %dma_start3A_69 = arith.constant 0 : i32
        %dma_start3A_70 = tpu.memref_slice %arg2[%dma_start3A_68, %dma_start3A_69] : memref<10000x64xf32, #tpu.memory_space<hbm>> -> memref<10000x64xf32, #tpu.memory_space<hbm>>
        tpu.enqueue_indirect_dma source(%dma_start3A_70 : memref<10000x64xf32, #tpu.memory_space<hbm>>) target(%arg9 : memref<256x64xf32, #tpu.memory_space<vmem>>) offsets(%dma_start3A_67 : memref<256xi32, #tpu.memory_space<vmem>>) semaphore(%arg12 : memref<!tpu.dma_semaphore, #tpu.memory_space<semaphore_mem>>)
        %add3A_71 = arith.constant 1 : i32
        %add3A_72 = arith.addi %mul3A_40, %add3A_71 : i32
        "tpu.region"() ({
          %run_scoped3A_73 = tpu.sem_alloc : memref<!tpu.dma_semaphore, #tpu.memory_space<semaphore_mem>>
          %dma_start3A_74 = arith.constant 0 : i32
          %dma_start3A_75 = tpu.memref_slice %arg8[%add3A_72, %dma_start3A_74] : memref<40x256xi32, #tpu.memory_space<vmem>> -> memref<1x256xi32, #tpu.memory_space<vmem>>
          %dma_start3A_76 = tpu.memref_squeeze %dma_start3A_75 : memref<1x256xi32, #tpu.memory_space<vmem>> -> memref<256xi32, #tpu.memory_space<vmem>>
          %dma_start3A_77 = arith.constant 0 : i32
          %dma_start3A_78 = arith.constant 0 : i32
          %dma_start3A_79 = tpu.memref_slice %arg11[%dma_start3A_77, %dma_start3A_78] : memref<10112x64xf32, #tpu.memory_space<vmem_shared>> -> memref<10112x64xf32, #tpu.memory_space<vmem_shared>>
          tpu.enqueue_indirect_dma source(%arg10 : memref<256x64xf32, #tpu.memory_space<vmem>>) target(%dma_start3A_79 : memref<10112x64xf32, #tpu.memory_space<vmem_shared>>) offsets(%dma_start3A_76 : memref<256xi32, #tpu.memory_space<vmem>>) semaphore(%run_scoped3A_73 : memref<!tpu.dma_semaphore, #tpu.memory_space<semaphore_mem>>) {add = true}
          %dma_wait3A_80 = arith.constant 0 : i32
          %dma_wait3A_81 = tpu.memref_slice %arg8[%add3A_72, %dma_wait3A_80] : memref<40x256xi32, #tpu.memory_space<vmem>> -> memref<1x256xi32, #tpu.memory_space<vmem>>
          %dma_wait3A_82 = tpu.memref_squeeze %dma_wait3A_81 : memref<1x256xi32, #tpu.memory_space<vmem>> -> memref<256xi32, #tpu.memory_space<vmem>>
          %dma_wait3A_83 = arith.constant 0 : i32
          %dma_wait3A_84 = arith.constant 0 : i32
          %dma_wait3A_85 = tpu.memref_slice %arg11[%dma_wait3A_83, %dma_wait3A_84] : memref<10112x64xf32, #tpu.memory_space<vmem_shared>> -> memref<10112x64xf32, #tpu.memory_space<vmem_shared>>
          tpu.wait_indirect_dma semaphore(%run_scoped3A_73 : memref<!tpu.dma_semaphore, #tpu.memory_space<semaphore_mem>>) src(%arg10 : memref<256x64xf32, #tpu.memory_space<vmem>>) dst(%dma_wait3A_85 : memref<10112x64xf32, #tpu.memory_space<vmem_shared>>)
          tpu.yield
        }) : () -> ()
      }
      %scan3A_12 = arith.constant 19 : i32
      %dma_wait3A = arith.constant 38 : i32
      %dma_wait3A_13 = arith.constant 0 : i32
      %dma_wait3A_14 = tpu.memref_slice %arg7[%dma_wait3A, %dma_wait3A_13] : memref<40x256xi32, #tpu.memory_space<vmem>> -> memref<1x256xi32, #tpu.memory_space<vmem>>
      %dma_wait3A_15 = tpu.memref_squeeze %dma_wait3A_14 : memref<1x256xi32, #tpu.memory_space<vmem>> -> memref<256xi32, #tpu.memory_space<vmem>>
      %dma_wait3A_16 = arith.constant 0 : i32
      %dma_wait3A_17 = arith.constant 0 : i32
      %dma_wait3A_18 = tpu.memref_slice %arg2[%dma_wait3A_16, %dma_wait3A_17] : memref<10000x64xf32, #tpu.memory_space<hbm>> -> memref<10000x64xf32, #tpu.memory_space<hbm>>
      tpu.wait_indirect_dma semaphore(%arg12 : memref<!tpu.dma_semaphore, #tpu.memory_space<semaphore_mem>>) src(%dma_wait3A_18 : memref<10000x64xf32, #tpu.memory_space<hbm>>) dst(%arg9 : memref<256x64xf32, #tpu.memory_space<vmem>>)
      %dma_start3A_19 = arith.constant 39 : i32
      %dma_start3A_20 = arith.constant 0 : i32
      %dma_start3A_21 = tpu.memref_slice %arg7[%dma_start3A_19, %dma_start3A_20] : memref<40x256xi32, #tpu.memory_space<vmem>> -> memref<1x256xi32, #tpu.memory_space<vmem>>
      %dma_start3A_22 = tpu.memref_squeeze %dma_start3A_21 : memref<1x256xi32, #tpu.memory_space<vmem>> -> memref<256xi32, #tpu.memory_space<vmem>>
      %dma_start3A_23 = arith.constant 0 : i32
      %dma_start3A_24 = arith.constant 0 : i32
      %dma_start3A_25 = tpu.memref_slice %arg2[%dma_start3A_23, %dma_start3A_24] : memref<10000x64xf32, #tpu.memory_space<hbm>> -> memref<10000x64xf32, #tpu.memory_space<hbm>>
      tpu.enqueue_indirect_dma source(%dma_start3A_25 : memref<10000x64xf32, #tpu.memory_space<hbm>>) target(%arg10 : memref<256x64xf32, #tpu.memory_space<vmem>>) offsets(%dma_start3A_22 : memref<256xi32, #tpu.memory_space<vmem>>) semaphore(%arg13 : memref<!tpu.dma_semaphore, #tpu.memory_space<semaphore_mem>>)
      %run_scoped3A = arith.constant 38 : i32
      "tpu.region"() ({
        %run_scoped3A_35 = tpu.sem_alloc : memref<!tpu.dma_semaphore, #tpu.memory_space<semaphore_mem>>
        %dma_start3A_36 = arith.constant 0 : i32
        %dma_start3A_37 = tpu.memref_slice %arg8[%run_scoped3A, %dma_start3A_36] : memref<40x256xi32, #tpu.memory_space<vmem>> -> memref<1x256xi32, #tpu.memory_space<vmem>>
        %dma_start3A_38 = tpu.memref_squeeze %dma_start3A_37 : memref<1x256xi32, #tpu.memory_space<vmem>> -> memref<256xi32, #tpu.memory_space<vmem>>
        %dma_start3A_39 = arith.constant 0 : i32
        %dma_start3A_40 = arith.constant 0 : i32
        %dma_start3A_41 = tpu.memref_slice %arg11[%dma_start3A_39, %dma_start3A_40] : memref<10112x64xf32, #tpu.memory_space<vmem_shared>> -> memref<10112x64xf32, #tpu.memory_space<vmem_shared>>
        tpu.enqueue_indirect_dma source(%arg9 : memref<256x64xf32, #tpu.memory_space<vmem>>) target(%dma_start3A_41 : memref<10112x64xf32, #tpu.memory_space<vmem_shared>>) offsets(%dma_start3A_38 : memref<256xi32, #tpu.memory_space<vmem>>) semaphore(%run_scoped3A_35 : memref<!tpu.dma_semaphore, #tpu.memory_space<semaphore_mem>>) {add = true}
        %dma_wait3A_42 = arith.constant 0 : i32
        %dma_wait3A_43 = tpu.memref_slice %arg8[%run_scoped3A, %dma_wait3A_42] : memref<40x256xi32, #tpu.memory_space<vmem>> -> memref<1x256xi32, #tpu.memory_space<vmem>>
        %dma_wait3A_44 = tpu.memref_squeeze %dma_wait3A_43 : memref<1x256xi32, #tpu.memory_space<vmem>> -> memref<256xi32, #tpu.memory_space<vmem>>
        %dma_wait3A_45 = arith.constant 0 : i32
        %dma_wait3A_46 = arith.constant 0 : i32
        %dma_wait3A_47 = tpu.memref_slice %arg11[%dma_wait3A_45, %dma_wait3A_46] : memref<10112x64xf32, #tpu.memory_space<vmem_shared>> -> memref<10112x64xf32, #tpu.memory_space<vmem_shared>>
        tpu.wait_indirect_dma semaphore(%run_scoped3A_35 : memref<!tpu.dma_semaphore, #tpu.memory_space<semaphore_mem>>) src(%arg9 : memref<256x64xf32, #tpu.memory_space<vmem>>) dst(%dma_wait3A_47 : memref<10112x64xf32, #tpu.memory_space<vmem_shared>>)
        tpu.yield
      }) : () -> ()
      %dma_wait3A_26 = arith.constant 39 : i32
      %dma_wait3A_27 = arith.constant 0 : i32
      %dma_wait3A_28 = tpu.memref_slice %arg7[%dma_wait3A_26, %dma_wait3A_27] : memref<40x256xi32, #tpu.memory_space<vmem>> -> memref<1x256xi32, #tpu.memory_space<vmem>>
      %dma_wait3A_29 = tpu.memref_squeeze %dma_wait3A_28 : memref<1x256xi32, #tpu.memory_space<vmem>> -> memref<256xi32, #tpu.memory_space<vmem>>
      %dma_wait3A_30 = arith.constant 0 : i32
      %dma_wait3A_31 = arith.constant 0 : i32
      %dma_wait3A_32 = tpu.memref_slice %arg2[%dma_wait3A_30, %dma_wait3A_31] : memref<10000x64xf32, #tpu.memory_space<hbm>> -> memref<10000x64xf32, #tpu.memory_space<hbm>>
      tpu.wait_indirect_dma semaphore(%arg13 : memref<!tpu.dma_semaphore, #tpu.memory_space<semaphore_mem>>) src(%dma_wait3A_32 : memref<10000x64xf32, #tpu.memory_space<hbm>>) dst(%arg10 : memref<256x64xf32, #tpu.memory_space<vmem>>)
      %run_scoped3A_33 = arith.constant 39 : i32
      "tpu.region"() ({
        %run_scoped3A_35 = tpu.sem_alloc : memref<!tpu.dma_semaphore, #tpu.memory_space<semaphore_mem>>
        %dma_start3A_36 = arith.constant 0 : i32
        %dma_start3A_37 = tpu.memref_slice %arg8[%run_scoped3A_33, %dma_start3A_36] : memref<40x256xi32, #tpu.memory_space<vmem>> -> memref<1x256xi32, #tpu.memory_space<vmem>>
        %dma_start3A_38 = tpu.memref_squeeze %dma_start3A_37 : memref<1x256xi32, #tpu.memory_space<vmem>> -> memref<256xi32, #tpu.memory_space<vmem>>
        %dma_start3A_39 = arith.constant 0 : i32
        %dma_start3A_40 = arith.constant 0 : i32
        %dma_start3A_41 = tpu.memref_slice %arg11[%dma_start3A_39, %dma_start3A_40] : memref<10112x64xf32, #tpu.memory_space<vmem_shared>> -> memref<10112x64xf32, #tpu.memory_space<vmem_shared>>
        tpu.enqueue_indirect_dma source(%arg10 : memref<256x64xf32, #tpu.memory_space<vmem>>) target(%dma_start3A_41 : memref<10112x64xf32, #tpu.memory_space<vmem_shared>>) offsets(%dma_start3A_38 : memref<256xi32, #tpu.memory_space<vmem>>) semaphore(%run_scoped3A_35 : memref<!tpu.dma_semaphore, #tpu.memory_space<semaphore_mem>>) {add = true}
        %dma_wait3A_42 = arith.constant 0 : i32
        %dma_wait3A_43 = tpu.memref_slice %arg8[%run_scoped3A_33, %dma_wait3A_42] : memref<40x256xi32, #tpu.memory_space<vmem>> -> memref<1x256xi32, #tpu.memory_space<vmem>>
        %dma_wait3A_44 = tpu.memref_squeeze %dma_wait3A_43 : memref<1x256xi32, #tpu.memory_space<vmem>> -> memref<256xi32, #tpu.memory_space<vmem>>
        %dma_wait3A_45 = arith.constant 0 : i32
        %dma_wait3A_46 = arith.constant 0 : i32
        %dma_wait3A_47 = tpu.memref_slice %arg11[%dma_wait3A_45, %dma_wait3A_46] : memref<10112x64xf32, #tpu.memory_space<vmem_shared>> -> memref<10112x64xf32, #tpu.memory_space<vmem_shared>>
        tpu.wait_indirect_dma semaphore(%run_scoped3A_35 : memref<!tpu.dma_semaphore, #tpu.memory_space<semaphore_mem>>) src(%arg10 : memref<256x64xf32, #tpu.memory_space<vmem>>) dst(%dma_wait3A_47 : memref<10112x64xf32, #tpu.memory_space<vmem_shared>>)
        tpu.yield
      }) : () -> ()
      %barrier3A_34 = arith.constant 0 : index
      tpu.barrier barrier_id(%barrier3A_34)
      "tpu.region"() ({
        %run_scoped3A_35 = tpu.sem_alloc : memref<!tpu.dma_semaphore, #tpu.memory_space<semaphore_mem>>
        %dma_start3A_36 = arith.constant 0 : i32
        %dma_start3A_37 = tpu.memref_slice %arg6[%mul3A_0, %dma_start3A_36] : memref<10112x64xf32, #tpu.memory_space<hbm>> -> memref<632x64xf32, #tpu.memory_space<hbm>>
        %dma_start3A_38 = arith.constant 0 : i32
        %dma_start3A_39 = tpu.memref_slice %arg11[%mul3A_0, %dma_start3A_38] : memref<10112x64xf32, #tpu.memory_space<vmem_shared>> -> memref<632x64xf32, #tpu.memory_space<vmem_shared>>
        tpu.enqueue_dma source(%dma_start3A_39 : memref<632x64xf32, #tpu.memory_space<vmem_shared>>) target(%dma_start3A_37 : memref<632x64xf32, #tpu.memory_space<hbm>>) target_semaphore(%run_scoped3A_35 : memref<!tpu.dma_semaphore, #tpu.memory_space<semaphore_mem>>)
        %dma_wait3A_40 = arith.constant 0 : i32
        %dma_wait3A_41 = tpu.memref_slice %arg6[%mul3A_0, %dma_wait3A_40] : memref<10112x64xf32, #tpu.memory_space<hbm>> -> memref<632x64xf32, #tpu.memory_space<hbm>>
        %dma_wait3A_42 = arith.constant 0 : i32
        %dma_wait3A_43 = tpu.memref_slice %arg11[%mul3A_0, %dma_wait3A_42] : memref<10112x64xf32, #tpu.memory_space<vmem_shared>> -> memref<632x64xf32, #tpu.memory_space<vmem_shared>>
        tpu.wait_dma2 semaphore(%run_scoped3A_35 : memref<!tpu.dma_semaphore, #tpu.memory_space<semaphore_mem>>) src(%dma_wait3A_43 : memref<632x64xf32, #tpu.memory_space<vmem_shared>>) dst(%dma_wait3A_41 : memref<632x64xf32, #tpu.memory_space<hbm>>)
        tpu.yield
      }) : () -> ()
    } else {
    }
    return
  }
}

module attributes {stable_mosaic.version = 14 : i64} {
  func.func @_dense_body(%arg0: i32, %arg1: memref<1000x256xf32, #tpu.memory_space<vmem>>, %arg2: memref<256x512xf32, #tpu.memory_space<vmem>>, %arg3: memref<512x64xf32, #tpu.memory_space<vmem>>, %arg4: memref<1000x64xf32, #tpu.memory_space<vmem>>, %arg5: memref<1000x64xf32, #tpu.memory_space<vmem>>, %arg6: memref<1000x512xf32, #tpu.memory_space<vmem>>) attributes {dimension_semantics = [#tpu.dimension_semantics<arbitrary>], iteration_bounds = array<i64: 10>, scalar_prefetch = 0 : i64, scratch_operands = 0 : i64, tpu.core_type = #tpu.core_type<tc>, window_params = [{transform_indices = @transform_0, window_bounds = array<i64: 1000, 256>}, {pipeline_mode = #tpu.pipeline_mode<synchronous>, transform_indices = @transform_1, window_bounds = array<i64: 256, 512>}, {pipeline_mode = #tpu.pipeline_mode<synchronous>, transform_indices = @transform_2, window_bounds = array<i64: 512, 64>}, {transform_indices = @transform_3, window_bounds = array<i64: 1000, 64>}, {transform_indices = @transform_4, window_bounds = array<i64: 1000, 64>}, {transform_indices = @transform_5, window_bounds = array<i64: 1000, 512>}]} {
    %get3A = arith.constant 0 : index
    %get3A_0 = arith.constant 0 : index
    %get3A_1 = vector.load %arg1[%get3A, %get3A_0] : memref<1000x256xf32, #tpu.memory_space<vmem>>, vector<1000x256xf32>
    %get3A_2 = arith.constant 0 : index
    %get3A_3 = arith.constant 0 : index
    %get3A_4 = vector.load %arg2[%get3A_2, %get3A_3] : memref<256x512xf32, #tpu.memory_space<vmem>>, vector<256x512xf32>
    %dot_general3A = arith.constant dense<0.000000e+00> : vector<1000x512xf32>
    %dot_general3A_5 = tpu.matmul %get3A_1, %get3A_4, %dot_general3A {dimension_numbers = #tpu.dot_dimension_numbers<[1], [0], [0], [1], [0, 0, 1, 1], [], []>, transpose_lhs_hint = false} : vector<1000x256xf32>, vector<256x512xf32>, vector<1000x512xf32> -> vector<1000x512xf32>
    %get3A_6 = arith.constant 0 : index
    %get3A_7 = arith.constant 0 : index
    %get3A_8 = vector.load %arg3[%get3A_6, %get3A_7] : memref<512x64xf32, #tpu.memory_space<vmem>>, vector<512x64xf32>
    %dot_general3A_9 = arith.constant dense<0.000000e+00> : vector<1000x64xf32>
    %dot_general3A_10 = tpu.matmul %dot_general3A_5, %get3A_8, %dot_general3A_9 {dimension_numbers = #tpu.dot_dimension_numbers<[1], [0], [0], [1], [0, 0, 1, 1], [], []>, transpose_lhs_hint = false} : vector<1000x512xf32>, vector<512x64xf32>, vector<1000x64xf32> -> vector<1000x64xf32>
    %swap3A = arith.constant 0 : index
    %swap3A_11 = arith.constant 0 : index
    %swap3A_12 = vector.load %arg4[%swap3A, %swap3A_11] : memref<1000x64xf32, #tpu.memory_space<vmem>>, vector<1000x64xf32>
    tpu.vector_store %arg4[%swap3A, %swap3A_11], %dot_general3A_10 {strides = array<i32>} : memref<1000x64xf32, #tpu.memory_space<vmem>>, vector<1000x64xf32>,
    %reduce_max3A = arith.constant dense<0xFF800000> : vector<1000xf32>
    %reduce_max3A_13 = vector.multi_reduction <maximumf>, %dot_general3A_10, %reduce_max3A [1] : vector<1000x64xf32> to vector<1000xf32>
    %broadcast_in_dim3A = vector.shape_cast %reduce_max3A_13 : vector<1000xf32> to vector<1000x1xf32>
    %sub3A = vector.broadcast %broadcast_in_dim3A : vector<1000x1xf32> to vector<1000x64xf32>
    %sub3A_14 = arith.subf %dot_general3A_10, %sub3A : vector<1000x64xf32>
    %exp3A = math.exp %sub3A_14 : vector<1000x64xf32>
    %reduce_sum3A = arith.constant dense<0.000000e+00> : vector<1000xf32>
    %reduce_sum3A_15 = vector.multi_reduction <add>, %exp3A, %reduce_sum3A [1] : vector<1000x64xf32> to vector<1000xf32>
    %broadcast_in_dim3A_16 = vector.shape_cast %reduce_sum3A_15 : vector<1000xf32> to vector<1000x1xf32>
    %div3A = vector.broadcast %broadcast_in_dim3A_16 : vector<1000x1xf32> to vector<1000x64xf32>
    %div3A_17 = arith.divf %exp3A, %div3A : vector<1000x64xf32>
    %swap3A_18 = arith.constant 0 : index
    %swap3A_19 = arith.constant 0 : index
    %swap3A_20 = vector.load %arg5[%swap3A_18, %swap3A_19] : memref<1000x64xf32, #tpu.memory_space<vmem>>, vector<1000x64xf32>
    tpu.vector_store %arg5[%swap3A_18, %swap3A_19], %div3A_17 {strides = array<i32>} : memref<1000x64xf32, #tpu.memory_space<vmem>>, vector<1000x64xf32>,
    %mul3A = arith.mulf %dot_general3A_5, %dot_general3A_5 : vector<1000x512xf32>
    %reduce_sum3A_21 = arith.constant dense<0.000000e+00> : vector<1000xf32>
    %reduce_sum3A_22 = vector.multi_reduction <add>, %mul3A, %reduce_sum3A_21 [1] : vector<1000x512xf32> to vector<1000xf32>
    %broadcast_in_dim3A_23 = vector.shape_cast %reduce_sum3A_22 : vector<1000xf32> to vector<1000x1xf32>
    %sqrt3A = math.sqrt %broadcast_in_dim3A_23 : vector<1000x1xf32>
    %max3A = arith.constant 9.99999996E-13 : f32
    %max3A_24 = vector.broadcast %max3A : f32 to vector<1000x1xf32>
    %max3A_25 = arith.maximumf %sqrt3A, %max3A_24 : vector<1000x1xf32>
    %div3A_26 = vector.broadcast %max3A_25 : vector<1000x1xf32> to vector<1000x512xf32>
    %div3A_27 = arith.divf %dot_general3A_5, %div3A_26 : vector<1000x512xf32>
    %swap3A_28 = arith.constant 0 : index
    %swap3A_29 = arith.constant 0 : index
    %swap3A_30 = vector.load %arg6[%swap3A_28, %swap3A_29] : memref<1000x512xf32, #tpu.memory_space<vmem>>, vector<1000x512xf32>
    tpu.vector_store %arg6[%swap3A_28, %swap3A_29], %div3A_27 {strides = array<i32>} : memref<1000x512xf32, #tpu.memory_space<vmem>>, vector<1000x512xf32>,
    return
  }
  func.func @transform_0(%arg0: i32) -> (i32, i32) {
    %c0_i32 = arith.constant 0 : i32
    %c0_i32_0 = arith.constant 0 : i32
    return %arg0, %c0_i32 : i32, i32
  }
  func.func @transform_1(%arg0: i32) -> (i32, i32) {
    %c0_i32 = arith.constant 0 : i32
    %c0_i32_0 = arith.constant 0 : i32
    %c0_i32_1 = arith.constant 0 : i32
    return %c0_i32, %c0_i32_0 : i32, i32
  }
  func.func @transform_2(%arg0: i32) -> (i32, i32) {
    %c0_i32 = arith.constant 0 : i32
    %c0_i32_0 = arith.constant 0 : i32
    %c0_i32_1 = arith.constant 0 : i32
    return %c0_i32, %c0_i32_0 : i32, i32
  }
  func.func @transform_3(%arg0: i32) -> (i32, i32) {
    %c0_i32 = arith.constant 0 : i32
    %c0_i32_0 = arith.constant 0 : i32
    return %arg0, %c0_i32 : i32, i32
  }
  func.func @transform_4(%arg0: i32) -> (i32, i32) {
    %c0_i32 = arith.constant 0 : i32
    %c0_i32_0 = arith.constant 0 : i32
    return %arg0, %c0_i32 : i32, i32
  }
  func.func @transform_5(%arg0: i32) -> (i32, i32) {
    %c0_i32 = arith.constant 0 : i32
    %c0_i32_0 = arith.constant 0 : i32
    return %arg0, %c0_i32 : i32, i32
  }
}

module attributes {stable_mosaic.version = 14 : i64} {
  func.func @_deginv_body(%arg0: memref<10112xf32, #tpu.memory_space<vmem>>, %arg1: memref<10112xf32, #tpu.memory_space<vmem>>) attributes {dimension_semantics = [], scalar_prefetch = 0 : i64, scratch_operands = 0 : i64, tpu.core_type = #tpu.core_type<tc>} {
    %get3A = arith.constant 0 : index
    %get3A_0 = vector.load %arg0[%get3A] : memref<10112xf32, #tpu.memory_space<vmem>>, vector<10112xf32>
    %gt3A = arith.constant 0.000000e+00 : f32
    %gt3A_1 = vector.broadcast %gt3A : f32 to vector<10112xf32>
    %gt3A_2 = arith.cmpf ogt, %get3A_0, %gt3A_1 : vector<10112xf32>
    %div3A = arith.constant 1.000000e+00 : f32
    %div3A_3 = vector.broadcast %div3A : f32 to vector<10112xf32>
    %div3A_4 = arith.divf %div3A_3, %get3A_0 : vector<10112xf32>
    %jit3A = arith.constant 0.000000e+00 : f32
    %broadcast_in_dim3A = vector.broadcast %jit3A : f32 to vector<10112xf32>
    %select_n3A = arith.select %gt3A_2, %div3A_4, %broadcast_in_dim3A : vector<10112xi1>, vector<10112xf32>
    %swap3A = arith.constant 0 : index
    %swap3A_5 = vector.load %arg1[%swap3A] : memref<10112xf32, #tpu.memory_space<vmem>>, vector<10112xf32>
    tpu.vector_store %arg1[%swap3A], %select_n3A {strides = array<i32>} : memref<10112xf32, #tpu.memory_space<vmem>>, vector<10112xf32>,
    return
  }
}

module attributes {stable_mosaic.version = 14 : i64} {
  func.func @_update_body(%arg0: i32, %arg1: memref<1000x64xf32, #tpu.memory_space<vmem>>, %arg2: memref<1000x64xf32, #tpu.memory_space<vmem>>, %arg3: memref<1000x1xf32, #tpu.memory_space<vmem>>, %arg4: memref<1000x64xf32, #tpu.memory_space<vmem>>) attributes {dimension_semantics = [#tpu.dimension_semantics<arbitrary>], iteration_bounds = array<i64: 10>, scalar_prefetch = 0 : i64, scratch_operands = 0 : i64, tpu.core_type = #tpu.core_type<tc>, window_params = [{transform_indices = @transform_0, window_bounds = array<i64: 1000, 64>}, {transform_indices = @transform_1, window_bounds = array<i64: 1000, 64>}, {transform_indices = @transform_2, window_bounds = array<i64: 1000, 1>}, {transform_indices = @transform_3, window_bounds = array<i64: 1000, 64>}]} {
    %get3A = arith.constant 0 : index
    %get3A_0 = arith.constant 0 : index
    %get3A_1 = vector.load %arg1[%get3A, %get3A_0] : memref<1000x64xf32, #tpu.memory_space<vmem>>, vector<1000x64xf32>
    %get3A_2 = arith.constant 0 : index
    %get3A_3 = arith.constant 0 : index
    %get3A_4 = vector.load %arg3[%get3A_2, %get3A_3] : memref<1000x1xf32, #tpu.memory_space<vmem>>, vector<1000x1xf32>
    %mul3A = arith.constant 5.000000e-01 : f32
    %mul3A_5 = vector.broadcast %mul3A : f32 to vector<1000x1xf32>
    %mul3A_6 = arith.mulf %mul3A_5, %get3A_4 : vector<1000x1xf32>
    %get3A_7 = arith.constant 0 : index
    %get3A_8 = arith.constant 0 : index
    %get3A_9 = vector.load %arg2[%get3A_7, %get3A_8] : memref<1000x64xf32, #tpu.memory_space<vmem>>, vector<1000x64xf32>
    %mul3A_10 = vector.broadcast %mul3A_6 : vector<1000x1xf32> to vector<1000x64xf32>
    %mul3A_11 = arith.mulf %mul3A_10, %get3A_9 : vector<1000x64xf32>
    %add3A = arith.addf %get3A_1, %mul3A_11 : vector<1000x64xf32>
    %reduce_max3A = arith.constant dense<0xFF800000> : vector<1000xf32>
    %reduce_max3A_12 = vector.multi_reduction <maximumf>, %add3A, %reduce_max3A [1] : vector<1000x64xf32> to vector<1000xf32>
    %broadcast_in_dim3A = vector.shape_cast %reduce_max3A_12 : vector<1000xf32> to vector<1000x1xf32>
    %sub3A = vector.broadcast %broadcast_in_dim3A : vector<1000x1xf32> to vector<1000x64xf32>
    %sub3A_13 = arith.subf %add3A, %sub3A : vector<1000x64xf32>
    %exp3A = math.exp %sub3A_13 : vector<1000x64xf32>
    %reduce_sum3A = arith.constant dense<0.000000e+00> : vector<1000xf32>
    %reduce_sum3A_14 = vector.multi_reduction <add>, %exp3A, %reduce_sum3A [1] : vector<1000x64xf32> to vector<1000xf32>
    %broadcast_in_dim3A_15 = vector.shape_cast %reduce_sum3A_14 : vector<1000xf32> to vector<1000x1xf32>
    %div3A = vector.broadcast %broadcast_in_dim3A_15 : vector<1000x1xf32> to vector<1000x64xf32>
    %div3A_16 = arith.divf %exp3A, %div3A : vector<1000x64xf32>
    %swap3A = arith.constant 0 : index
    %swap3A_17 = arith.constant 0 : index
    %swap3A_18 = vector.load %arg4[%swap3A, %swap3A_17] : memref<1000x64xf32, #tpu.memory_space<vmem>>, vector<1000x64xf32>
    tpu.vector_store %arg4[%swap3A, %swap3A_17], %div3A_16 {strides = array<i32>} : memref<1000x64xf32, #tpu.memory_space<vmem>>, vector<1000x64xf32>,
    return
  }
  func.func @transform_0(%arg0: i32) -> (i32, i32) {
    %c0_i32 = arith.constant 0 : i32
    %c0_i32_0 = arith.constant 0 : i32
    return %arg0, %c0_i32 : i32, i32
  }
  func.func @transform_1(%arg0: i32) -> (i32, i32) {
    %c0_i32 = arith.constant 0 : i32
    %c0_i32_0 = arith.constant 0 : i32
    return %arg0, %c0_i32 : i32, i32
  }
  func.func @transform_2(%arg0: i32) -> (i32, i32) {
    %c0_i32 = arith.constant 0 : i32
    %c0_i32_0 = arith.constant 0 : i32
    return %arg0, %c0_i32 : i32, i32
  }
  func.func @transform_3(%arg0: i32) -> (i32, i32) {
    %c0_i32 = arith.constant 0 : i32
    %c0_i32_0 = arith.constant 0 : i32
    return %arg0, %c0_i32 : i32, i32
  }
}

</mosaic_0001>

<sc_bundles>
// kernel: kernel.16.cloned.1.call-start
scs
__scs_entry_jumppad:
0x0: {  	(pc) =	sbr.rel $0x88, $3  }
0x1: {  	(tag) =	ssettag $0x0;
	lr =	simm.s32 $0x1  }
0x2: {  	[smem:$0x3F9D] =	sst lr;
	_ =	strace $0xD0000000  }
0x3: {  	_ = 	snop  }
0x4: {  	_ = 	snop  }
0x5: {  	_ = 	snop  }
0x6: {  	_ = 	snop  }
0x7: {  	_ = 	snop  }
__scs_overlays_trampoline_lowered:
0x8: {  	[smem:$0x3FAC] =	sst s0  }
0x9: {  	[smem:$0x3FAD] =	sst s1  }
0xa: {  	[smem:$0x3FAE] =	sst s2  }
0xb: {  	[smem:$0x3FAF] =	sst s3  }
0xc: {  	[smem:$0x3FB0] =	sst s4  }
0xd: {  	[smem:$0x3FB1] =	sst s5  }
0xe: {  	[smem:$0x3FB2] =	sst s6  }
0xf: {  	[smem:$0x3FB3] =	sst s7  }
0x10: {  	[smem:$0x3FB4] =	sst s8  }
0x11: {  	[smem:$0x3FB5] =	sst s9;
	s0 =	simm.s32 @!p0 $0x0  }
0x12: {  	s1 =	sld [smem:$0x3F9B];
	s0 =	simm.s32 @p0 $0x1  }
0x13: {  	[smem:$0x3FB6] =	sst s0;
	s0 =	simm.s32 @!p1 $0x0  }
0x14: {  	s2 =	sld [smem:$0x3F9A];
	s0 =	simm.s32 @p1 $0x1  }
0x15: {  	[smem:$0x3FB7] =	sst s0;
	s0 =	simm.s32 @!p2 $0x0  }
0x16: {  	s3 =	sld [smem:$0x3FDB];
	s0 =	simm.s32 @p2 $0x1  }
0x17: {  	s4 =	simm.s32 $0x1BF5;
	[smem:$0x3FB9] =	sst s0  }
0x18: {  	s0 =	sld [smem:$0x3F9C];
	_ =	swait.ge [sflag:s4], $0x0  }
0x19: {  	s7 =	sld [smem:$0x3F9D]  }
0x1a: {  	s8 =	sadd.s32 $0xFFFFE003, lr  }
0x1b: {  	s9 =	sadd.s32 $0xFFFFFEF7, lr;
	s5 =	simm.s32 $0xFFFFFFFF;
	p2 =	slt.u32 s8, $0xFFFFF086  }
0x1c: {  	p1 =	slt.u32 s9, $0xF7A;
	s5 =	simm.s32 @!p2 $0x0  }
0x1d: {  	s5 =	simm.s32 @p1 $0x1;
	p0 =	seq.s32 s7, s2  }
0x1e: {  	s7 =	smul.u32 @!p0 $0xF7A, s2;
	p2 =	seq.s32 @!p0 s5, $0x0  }
0x1f: {  	s9 =	smul.u32 $0xF7A, s1;
	s8 =	simm.s32 @!p0 $0x1BF5;
	p2 =	por !p2, p0  }
0x20: {  	[sflag:s8] =	ssyncset.s32 @!p0 $0xFFFFF086;
	s6 =	sadd.s32 @!p0 s3, s7;
	s7 =	simm.s32 @!p0 $0x108  }
0x21: {  	s3 =	sadd.s32 s3, s9;
	s6 =	sadd.s32 @!p0 $0x88, s6;
	s7 =	simm.s32 @p2 $0x1082  }
0x22: {  	[simem:s7], [sflag:s8] =	dma.local @!p0 [hbm:s6], $0xF7A  }
0x23: {  	s9 =	sor.u32 $0xD0000000, s2;
	s6 =	simm.s32 $0x108;
	_ =	swait.ge @!p0 [sflag:s8], $0x0  }
0x24: {  	s3 =	sadd.s32 $0x88, s3;
	s6 =	simm.s32 @!p1 $0x1082;
	[sflag:s4] =	ssyncset.s32 $0xFFFFF086  }
0x25: {  	[simem:s6], [sflag:s4] =	dma.local [hbm:s3], $0xF7A  }
0x26: {  	[smem:$0x3F9D] =	sst s1;
	(tag) =	ssettag s2;
	_ =	strace s9  }
0x27: {  	s1 =	sld [smem:$0x3FAD]  }
0x28: {  	s2 =	sld [smem:$0x3FAE]  }
0x29: {  	s4 =	sld [smem:$0x3FB0]  }
0x2a: {  	p0 =	seq.s32 s5, $0x0;
	s5 =	sld [smem:$0x3FB1]  }
0x2b: {  	s6 =	sld [smem:$0x3FB2]  }
0x2c: {  	s7 =	sld [smem:$0x3FB3]  }
0x2d: {  	s3 =	simm.s32 $0x108;
	s8 =	sld [smem:$0x3FB4]  }
0x2e: {  	s3 =	simm.s32 @!p0 $0x1082;
	s9 =	sld [smem:$0x3FB5]  }
0x2f: {  	lr =	sadd.s32 s0, s3;
	s0 =	sld [smem:$0x3FAC]  }
0x30: {  	s3 =	sld [smem:$0x3FAF]  }
0x31: {  	[smem:$0x3FB8] =	sst s10  }
0x32: {  	s10 =	sld [smem:$0x3FB6];
	_ =	sdelay $0x3  }
0x33: {  	p0 =	seq.s32 s10, $0x1;
	s10 =	sld [smem:$0x3FB8];
	_ =	sdelay $0x3  }
0x34: {  	[smem:$0x3FB8] =	sst s10  }
0x35: {  	s10 =	sld [smem:$0x3FB7];
	_ =	sdelay $0x3  }
0x36: {  	p1 =	seq.s32 s10, $0x1;
	s10 =	sld [smem:$0x3FB8];
	_ =	sdelay $0x3  }
0x37: {  	[smem:$0x3FB8] =	sst s10  }
0x38: {  	s10 =	sld [smem:$0x3FB9]  }
0x39: {  	_ = 	snop;
	(pc) =	sbr.ind lr, $3  }
0x3a: {  	_ = 	snop  }
0x3b: {  	_ = 	snop  }
0x3c: {  	p2 =	seq.s32 s10, $0x1;
	s10 =	sld [smem:$0x3FB8]  }
0x3d: {  	_ =	shalt  }
0x3e: {  	_ =	shalt  }
0x3f: {  	_ =	shalt  }
0x40: {  	_ =	shalt  }
0x41: {  	_ =	shalt  }
0x42: {  	_ =	shalt  }
0x43: {  	_ =	shalt  }
0x44: {  	_ =	shalt  }
0x45: {  	_ =	shalt  }
0x46: {  	_ =	shalt  }
0x47: {  	_ =	shalt  }
0x48: {  	_ =	shalt  }
0x49: {  	_ =	shalt  }
0x4a: {  	_ =	shalt  }
0x4b: {  	_ =	shalt  }
0x4c: {  	_ =	shalt  }
0x4d: {  	_ =	shalt  }
0x4e: {  	_ =	shalt  }
0x4f: {  	_ =	shalt  }
0x50: {  	_ =	shalt  }
0x51: {  	_ =	shalt  }
0x52: {  	_ =	shalt  }
0x53: {  	_ =	shalt  }
0x54: {  	_ =	shalt  }
0x55: {  	_ =	shalt  }
0x56: {  	_ =	shalt  }
0x57: {  	_ =	shalt  }
0x58: {  	_ =	shalt  }
0x59: {  	_ =	shalt  }
0x5a: {  	_ =	shalt  }
0x5b: {  	_ =	shalt  }
0x5c: {  	_ =	shalt  }
0x5d: {  	_ =	shalt  }
0x5e: {  	_ =	shalt  }
0x5f: {  	_ =	shalt  }
0x60: {  	_ =	shalt  }
0x61: {  	_ =	shalt  }
0x62: {  	_ =	shalt  }
0x63: {  	_ =	shalt  }
0x64: {  	_ =	shalt  }
0x65: {  	_ =	shalt  }
0x66: {  	_ =	shalt  }
0x67: {  	_ =	shalt  }
0x68: {  	_ =	shalt  }
0x69: {  	_ =	shalt  }
0x6a: {  	_ =	shalt  }
0x6b: {  	_ =	shalt  }
0x6c: {  	_ =	shalt  }
0x6d: {  	_ =	shalt  }
0x6e: {  	_ =	shalt  }
0x6f: {  	_ =	shalt  }
0x70: {  	_ =	shalt  }
0x71: {  	_ =	shalt  }
0x72: {  	_ =	shalt  }
0x73: {  	_ =	shalt  }
0x74: {  	_ =	shalt  }
0x75: {  	_ =	shalt  }
0x76: {  	_ =	shalt  }
0x77: {  	_ =	shalt  }
0x78: {  	_ =	shalt  }
0x79: {  	_ =	shalt  }
0x7a: {  	_ =	shalt  }
0x7b: {  	_ =	shalt  }
0x7c: {  	_ =	shalt  }
0x7d: {  	_ =	shalt  }
0x7e: {  	_ =	shalt  }
0x7f: {  	_ =	shalt  }
0x80: {  	_ =	shalt  }
0x81: {  	_ =	shalt  }
0x82: {  	_ =	shalt  }
0x83: {  	_ =	shalt  }
0x84: {  	_ =	shalt  }
0x85: {  	_ =	shalt  }
0x86: {  	_ =	shalt  }
0x87: {  	_ =	shalt  }
.Lfunc_end0:
.L_simem_size_0:
called_computation_lowered:
.L_overlay_start_0:
0x88: {  	s2 =	sld [smem:$0x3FD9]  }
0x89: {  	s3 =	sld [smem:$0x3FFE];
	_ =	sdelay $0x1  }
0x8a: {  	s1 =	srdreg.scid  }
0x8b: {  	s0 =	sand.u32 $0x1, s1  }
0x8c: {  	s15 =	sshll.u32 s0, $0xA;
	s2 =	sadd.s32 s3, s2  }
0x8d: {  	s2 =	sadd.s32 s2, s15  }
0x8e: {  	[smem:$0x3FC4] =	sst s2  }
0x8f: {  	_ = 	snop  }
0x90: {  	s2 =	sld [smem:$0x3FD0];
	_ =	sdelay $0x2  }
0x91: {  	s16 =	simm.s32 $0xB;
	s4 =	simm.s32 $0x10  }
0x92: {  	[smem:s4], [sflag:s16] =	dma.local [hbm:s2], $0x1  }
0x93: {  	_ =	swait.eq [sflag:s16], $0x1  }
0x94: {  	[sflag:s16] =	ssyncset.done $0x0  }
0x95: {  	[sflag:s16] =	ssyncadd.s32 $0xFFFFFFFF  }
0x96: {  	s17 =	sld [smem:$0x12];
	(tm) =	ssettm $0x1  }
0x97: {  	s18 =	sld [smem:$0x3FFB];
	_ =	sdelay $0x3  }
0x98: {  	_ =	strace s18  }
0x99: {  	s2 =	sld [smem:$0x3FFC];
	_ =	sdelay $0x3  }
0x9a: {  	_ =	strace s2  }
0x9b: {  	s2 =	sld [smem:$0x3FFD];
	_ =	sdelay $0x3  }
0x9c: {  	_ =	strace s2  }
0x9d: {  	_ =	strace $0x8FFFFFFF  }
0x9e: {  	s19 =	sld [smem:$0x3FDB];
	_ =	sdelay $0x1  }
0x9f: {  	s20 =	simm.s32 $_scs_section_size  }
0xa0: {  	s5 =	simm.s32 $_size__tile_overlayer_lowered;
	s6 =	simm.s32 $_tile_overlayer_lowered  }
0xa1: {  	s7 =	simm.s32 $0x1BFF;
	s21 =	sshll.u32 s6, $0x1;
	s4 =	sadd.s32 s20, s19  }
0xa2: {  	s22 =	simm.s32 $0x0;
	s5 =	sshll.u32 s5, $0x1;
	s6 =	sadd.s32 s21, s4  }
0xa3: {  	[timem:s22], [sflag:s7] =	dma.local [hbm:s6], s5  }
0xa4: {  	_ =	swait.ge [sflag:s7], s5  }
0xa5: {  	s5 =	ssub.s32 $0x0, s5;
	[sflag:s7] =	ssyncset.done $0x0  }
0xa6: {  	[sflag:s7] =	ssyncadd.s32 s5;
	_ =	sdelay $0x1  }
0xa7: {  	s23 =	simm.s32 $0x1B8B  }
0xa8: {  	_ =	swait.ge [sflag:s23], $0x1  }
0xa9: {  	[sflag:s23] =	ssyncset.done $0x0  }
0xaa: {  	[sflag:s23] =	ssyncadd.s32 $0xFFFFFFFF  }
0xab: {  	s5 =	sld [smem:$0x0]  }
0xac: {  	s6 =	sand.u32 $0xFFFFFFFE, s1  }
0xad: {  	p0 =	sne.s32 s1, s6  }
0xae: {  	s6 =	sshll.u32 @p0 s6, $0xE  }
0xaf: {  	s6 =	sadd.s32 @p0 $0x11B8D, s6;
	s7 =	sshll.u32 @p0 s5, $0x11  }
0xb0: {  	s6 =	sor.u32 @p0 s7, s6  }
0xb1: {  	[sflag:s6] =	ssyncadd.remote.s32 @p0 $0x1;
	_ =	sdelay $0x1  }
0xb2: {  	s6 =	simm.s32 @p0 $0x1B8D  }
0xb3: {  	_ =	swait.eq @p0 [sflag:s6], $0x1  }
0xb4: {  	[sflag:s6] =	ssyncadd.s32 @p0 $0xFFFFFFFF  }
0xb5: {  	s7 =	sshll.u32 @!p0 s1, $0xE  }
0xb6: {  	s7 =	sor.u32 @!p0 $0x4000, s7;
	s6 =	simm.s32 @!p0 $0x1B8D  }
0xb7: {  	s5 =	sshll.u32 @!p0 s5, $0x11;
	s7 =	sadd.s32 @!p0 $0x11B8D, s7;
	_ =	swait.eq @!p0 [sflag:s6], $0x1  }
0xb8: {  	s5 =	sor.u32 @!p0 s5, s7;
	[sflag:s6] =	ssyncadd.s32 @!p0 $0xFFFFFFFF  }
0xb9: {  	s25 =	simm.s32 $0x1B8E;
	s24 =	sld [smem:$0x3FFE];
	[sflag:s5] =	ssyncadd.remote.s32 @!p0 $0x1  }
0xba: {  	s26 =	simm.s32 $execute0_lowered;
	[smem:$0x3FD2] =	sst s25  }
0xbb: {  	s6 =	sshll.u32 s26, $0x1;
	_ =	strace $0x80000049;
	[dreg:$0x1] =	wrdreg $0xFFFFFFFF  }
0xbc: {  	s28 =	simm.s32 $_size_execute0_lowered;
	s4 =	sadd.s32 s4, s6;
	[dreg:$0x0] =	wrdreg $0x0  }
0xbd: {  	s6 =	sshll.u32 s28, $0x1;
	[dreg:$0x2] =	wrdreg s4  }
0xbe: {  	[dreg:$0x3] =	wrdreg s6  }
0xbf: {  	[dreg:$0x4] =	wrdreg $0xC0  }
0xc0: {  	_ =	task [dreg:s22], $0x5FFFF  }
0xc1: {  	[dreg:$0x1] =	wrdreg $0xFFFFFFFF  }
0xc2: {  	[dreg:$0x0] =	wrdreg $0x60  }
0xc3: {  	[dreg:$0x2] =	wrdreg s24  }
0xc4: {  	[dreg:$0x3] =	wrdreg s17  }
0xc5: {  	[dreg:$0x4] =	wrdreg $0x29000  }
0xc6: {  	[dreg:$0x5] =	wrdreg $0x9  }
0xc7: {  	_ =	task.clear_ibuf [dreg:s22], $0x6FFFF;
	_ =	strace $0x90000049  }
0xc8: {  	s29 =	simm.s32 $0x9;
	_ =	strace $0x8000004B  }
0xc9: {  	_ =	swait.ge [sflag:s29], $0x1  }
0xca: {  	[sflag:s29] =	ssyncadd.s32 $0xFFFFFFFF  }
0xcb: {  	_ =	strace $0x9000004B  }
0xcc: {  	_ =	sfence  }
0xcd: {  	s30 =	sld [smem:$0x0];
	_ =	sdelay $0x2  }
0xce: {  	s31 =	sshll.u32 s1, $0xD;
	s1 =	sshrl.u32 s1, $0x2  }
0xcf: {  	s4 =	sand.u32 $0x4000, s31;
	s1 =	sadd.s32 s1, s30  }
0xd0: {  	s0 =	sor.u32 s4, s0;
	s1 =	sshll.u32 s1, $0x11  }
0xd1: {  	s0 =	sor.u32 s1, s0  }
0xd2: {  	s0 =	sadd.s32 $0x8F2B, s0  }
0xd3: {  	[sflag:s0] =	ssyncadd.remote.s32 $0x1  }
0xd4: {  	_ =	sfence.sel $0xFFFF  }
0xd5: {  	[dreg:$0x0] =	wrdreg $0xFFFFFFFF;
	(pc) =	sbr.abs _section_cstart, $3  }
0xd6: {  	[dreg:$0x1] =	wrdreg $0xFFFFFFFF  }
0xd7: {  	_ =	task.clear_ibuf [dreg:s22], $0x2FFFF;
	_ =	strace $0x9FFFFFFF  }
0xd8: {  	(tm) =	ssettm $0x7FFFFFFF  }
0xd9: {  	_ =	shalt  }
tec
execute0_lowered:
.L_overlay_start_1:
0x0: {  	(tag) =	ssettag $0x1  }
0x1: {  	s5 =	srdreg.scid  }
0x2: {  	s6 =	sand.u32 $0x1, s5  }
0x3: {  	p1 =	seq.s32 s6, $0x1  }
.Ltmp0:
0x4: {  	s3 =	rddreg [dreg:$0x0];
	(pc) =	sbr.rel @p1 .LBB2_4-.Ltmp0, $4  }
0x5: {  	s4 =	rddreg [dreg:$0x1]  }
0x6: {  	s1 =	rddreg [dreg:$0x2];
	s2 =	simm.s32 $0x0  }
0x7: {  	[smem:$0x7FF] =	sst s2;
	s5 =	stileid.u32  }
0x8: {  	s0 =	rddreg [dreg:$0x3];
	_ =	strace $0x8000004A;
	p0 =	sne.s32 s5, $0x0  }
0x9: {  	s5 =	smul.u32 $0x500, s5  }
0xa: {  	s6 =	sadd.s32 $0x15600, s3  }
0xb: {  	s5 =	sadd.s32 s6, s5  }
0xc: {  	[tilespmem:s2], [sflag:$0x1] =	stream.linear.gather [hbm4b:s5+s2], $0x2800, $0x38;
	[tilespmem:$0x2B78] =	vst v63  }
0xd: {  	s2 =	simm.s32 $0x1  }
0xe: {  	_ =	swait.ge [sflag:s2], $0x2800  }
0xf: {  	[sflag:s2] =	ssyncset.done $0x0  }
0x10: {  	v0 =	vimm.f32 $1.000000000e+00;
	[sflag:s2] =	ssyncadd.s32 $0xFFFFD800  }
0x11: {  	[tilespmem:$0x2800] =	vst v0  }
0x12: {  	[tilespmem:$0x2810] =	vst v0  }
0x13: {  	[tilespmem:$0x2820] =	vst v0  }
0x14: {  	[tilespmem:$0x2830] =	vst v0  }
0x15: {  	[tilespmem:$0x2840] =	vst v0  }
0x16: {  	[tilespmem:$0x2850] =	vst v0  }
0x17: {  	[tilespmem:$0x2860] =	vst v0  }
0x18: {  	[tilespmem:$0x2870] =	vst v0  }
0x19: {  	[tilespmem:$0x2880] =	vst v0  }
0x1a: {  	[tilespmem:$0x2890] =	vst v0  }
0x1b: {  	[tilespmem:$0x28A0] =	vst v0  }
0x1c: {  	[tilespmem:$0x28B0] =	vst v0  }
0x1d: {  	[tilespmem:$0x28C0] =	vst v0  }
0x1e: {  	[tilespmem:$0x28D0] =	vst v0  }
0x1f: {  	[tilespmem:$0x28E0] =	vst v0  }
0x20: {  	s6 =	simm.s32 @!p0 $0x1C01;
	s5 =	sshrl.u32 @!p0 s1, $0x3;
	[tilespmem:$0x28F0] =	vst v0  }
0x21: {  	[spmem:s5], [sflag:s6] =	dma.local @!p0 [hbm:s4], $0x4F0  }
0x22: {  	s4 =	simm.s32 @!p0 $0x1  }
0x23: {  	_ =	swait.ge @!p0 [sflag:s4], $0x4F0  }
0x24: {  	[sflag:s4] =	ssyncset.done @!p0 $0x0  }
0x25: {  	s7 =	simm.s32 $0x0;
	[sflag:s4] =	ssyncadd.s32 @!p0 $0xFFFFFB10  }
0x26: {  	s6 =	simm.s32 $0x2800;
	s4 =	simm.s32 $0x100;
	[bflag:$0x0] =	sbarrier.arrive $0xFFFF  }
0x27: {  	[spmem:s1] =	stream.indirect.scatter.add.f32 [tilespmem:s6], [sflag:$0x1], $0x1, s7, s4, $0xb8;
	[tilespmem:$0x2B78] =	vst v63  }
0x28: {  	_ =	swait.ge [sflag:s2], $0x100  }
0x29: {  	s3 =	sadd.s32 $0x33200, s3;
	s7 =	simm.s32 $0x400;
	[sflag:s2] =	ssyncset.done $0x0  }
.LBB2_2:
0x2a: {  	s8 =	sshra.s32 s7, $0x2;
	[sflag:s2] =	ssyncadd.s32 $0xFFFFFF00;
	p1 =	sne.s32 s7, $0x9C00  }
0x2b: {  	[spmem:s1] =	stream.indirect.scatter.add.f32 [tilespmem:s6], [sflag:$0x1], $0x1, s8, s4, $0xb8;
	[tilespmem:$0x2B78] =	vst v63  }
.Ltmp1:
0x2c: {  	_ = 	snop;
	(pc) =	sbr.rel @p1 .LBB2_2-.Ltmp1, $4  }
0x2d: {  	_ = 	snop  }
0x2e: {  	s7 =	sadd.s32 $0x400, s7  }
0x2f: {  	_ =	swait.ge [sflag:s2], $0x100  }
0x30: {  	[sflag:s2] =	ssyncset.done $0x0  }
0x31: {  	[sflag:s2] =	ssyncadd.s32 $0xFFFFFF00  }
0x32: {  	s1 =	simm.s32 @!p0 $0x1C01;
	[bflag:$0x0] =	sbarrier.arrive $0xFFFF  }
0x33: {  	[hbm:s3], [sflag:s1] =	dma.local @!p0 [spmem:s5], $0x4F0  }
0x34: {  	s1 =	simm.s32 @!p0 $0x1  }
0x35: {  	_ =	swait.ge @!p0 [sflag:s1], $0x4F0  }
0x36: {  	[sflag:s1] =	ssyncset.done @!p0 $0x0  }
0x37: {  	[sflag:s1] =	ssyncadd.s32 @!p0 $0xFFFFFB10  }
.LBB2_4:
0x38: {  	_ =	sfence.sel $0x180000  }
0x39: {  	[bflag:$0x0] =	sbarrier.arrive $0xFFFF  }
0x3a: {  	_ =	strace $0x9000004A  }
0x3b: {  	s0 =	sadd.s32 @!p0 $0x100000, s0;
	[bflag:$0x2] =	sbarrier.arrive $0xFFFF  }
0x3c: {  	[sflag:s0] =	ssyncadd.tile.s32 @!p0 $0x1;
	_ =	shalt  }
.Lfunc_end2:
_tile_overlayer_lowered:
.L_overlay_start_2:
0x3d: {  	(tag) =	ssettag $0x2  }
0x3e: {  	s0 =	rddreg [dreg:$0x0];
	s2 =	stileid.u32  }
0x3f: {  	s1 =	rddreg [dreg:$0x1];
	p0 =	sne.s32 s2, $0x0  }
0x40: {  	s3 =	rddreg [dreg:$0x2];
	[bflag:$0x3] =	sbarrier.arrive $0xFFFF;
	s2 =	simm.s32 @!p0 $0x1C01  }
0x41: {  	[timem:s3], [sflag:s2] =	dma.local @!p0 [hbm:s0], s1  }
0x42: {  	s0 =	simm.s32 @!p0 $0x1  }
0x43: {  	_ =	swait.ge @!p0 [sflag:s0], s1  }
0x44: {  	s1 =	ssub.s32 @!p0 $0x0, s1;
	[sflag:s0] =	ssyncset.done @!p0 $0x0  }
0x45: {  	[sflag:s0] =	ssyncadd.s32 @!p0 s1  }
0x46: {  	[bflag:$0x3] =	sbarrier.arrive $0xFFFF  }
0x47: {  	_ =	shalt  }

// kernel: kernel.19.cloned.1.call-start
scs
__scs_entry_jumppad:
0x0: {  	(pc) =	sbr.rel $0x88, $3  }
0x1: {  	(tag) =	ssettag $0x0;
	lr =	simm.s32 $0x1  }
0x2: {  	[smem:$0x3F9D] =	sst lr;
	_ =	strace $0xD0000000  }
0x3: {  	_ = 	snop  }
0x4: {  	_ = 	snop  }
0x5: {  	_ = 	snop  }
0x6: {  	_ = 	snop  }
0x7: {  	_ = 	snop  }
__scs_overlays_trampoline_lowered:
0x8: {  	[smem:$0x3FAC] =	sst s0  }
0x9: {  	[smem:$0x3FAD] =	sst s1  }
0xa: {  	[smem:$0x3FAE] =	sst s2  }
0xb: {  	[smem:$0x3FAF] =	sst s3  }
0xc: {  	[smem:$0x3FB0] =	sst s4  }
0xd: {  	[smem:$0x3FB1] =	sst s5  }
0xe: {  	[smem:$0x3FB2] =	sst s6  }
0xf: {  	[smem:$0x3FB3] =	sst s7  }
0x10: {  	[smem:$0x3FB4] =	sst s8  }
0x11: {  	[smem:$0x3FB5] =	sst s9;
	s0 =	simm.s32 @!p0 $0x0  }
0x12: {  	s1 =	sld [smem:$0x3F9B];
	s0 =	simm.s32 @p0 $0x1  }
0x13: {  	[smem:$0x3FB6] =	sst s0;
	s0 =	simm.s32 @!p1 $0x0  }
0x14: {  	s2 =	sld [smem:$0x3F9A];
	s0 =	simm.s32 @p1 $0x1  }
0x15: {  	[smem:$0x3FB7] =	sst s0;
	s0 =	simm.s32 @!p2 $0x0  }
0x16: {  	s3 =	sld [smem:$0x3FDB];
	s0 =	simm.s32 @p2 $0x1  }
0x17: {  	s4 =	simm.s32 $0x1BF5;
	[smem:$0x3FB9] =	sst s0  }
0x18: {  	s0 =	sld [smem:$0x3F9C];
	_ =	swait.ge [sflag:s4], $0x0  }
0x19: {  	s7 =	sld [smem:$0x3F9D]  }
0x1a: {  	s8 =	sadd.s32 $0xFFFFE003, lr  }
0x1b: {  	s9 =	sadd.s32 $0xFFFFFEF7, lr;
	s5 =	simm.s32 $0xFFFFFFFF;
	p2 =	slt.u32 s8, $0xFFFFF086  }
0x1c: {  	p1 =	slt.u32 s9, $0xF7A;
	s5 =	simm.s32 @!p2 $0x0  }
0x1d: {  	s5 =	simm.s32 @p1 $0x1;
	p0 =	seq.s32 s7, s2  }
0x1e: {  	s7 =	smul.u32 @!p0 $0xF7A, s2;
	p2 =	seq.s32 @!p0 s5, $0x0  }
0x1f: {  	s9 =	smul.u32 $0xF7A, s1;
	s8 =	simm.s32 @!p0 $0x1BF5;
	p2 =	por !p2, p0  }
0x20: {  	[sflag:s8] =	ssyncset.s32 @!p0 $0xFFFFF086;
	s6 =	sadd.s32 @!p0 s3, s7;
	s7 =	simm.s32 @!p0 $0x108  }
0x21: {  	s3 =	sadd.s32 s3, s9;
	s6 =	sadd.s32 @!p0 $0x88, s6;
	s7 =	simm.s32 @p2 $0x1082  }
0x22: {  	[simem:s7], [sflag:s8] =	dma.local @!p0 [hbm:s6], $0xF7A  }
0x23: {  	s9 =	sor.u32 $0xD0000000, s2;
	s6 =	simm.s32 $0x108;
	_ =	swait.ge @!p0 [sflag:s8], $0x0  }
0x24: {  	s3 =	sadd.s32 $0x88, s3;
	s6 =	simm.s32 @!p1 $0x1082;
	[sflag:s4] =	ssyncset.s32 $0xFFFFF086  }
0x25: {  	[simem:s6], [sflag:s4] =	dma.local [hbm:s3], $0xF7A  }
0x26: {  	[smem:$0x3F9D] =	sst s1;
	(tag) =	ssettag s2;
	_ =	strace s9  }
0x27: {  	s1 =	sld [smem:$0x3FAD]  }
0x28: {  	s2 =	sld [smem:$0x3FAE]  }
0x29: {  	s4 =	sld [smem:$0x3FB0]  }
0x2a: {  	p0 =	seq.s32 s5, $0x0;
	s5 =	sld [smem:$0x3FB1]  }
0x2b: {  	s6 =	sld [smem:$0x3FB2]  }
0x2c: {  	s7 =	sld [smem:$0x3FB3]  }
0x2d: {  	s3 =	simm.s32 $0x108;
	s8 =	sld [smem:$0x3FB4]  }
0x2e: {  	s3 =	simm.s32 @!p0 $0x1082;
	s9 =	sld [smem:$0x3FB5]  }
0x2f: {  	lr =	sadd.s32 s0, s3;
	s0 =	sld [smem:$0x3FAC]  }
0x30: {  	s3 =	sld [smem:$0x3FAF]  }
0x31: {  	[smem:$0x3FB8] =	sst s10  }
0x32: {  	s10 =	sld [smem:$0x3FB6];
	_ =	sdelay $0x3  }
0x33: {  	p0 =	seq.s32 s10, $0x1;
	s10 =	sld [smem:$0x3FB8];
	_ =	sdelay $0x3  }
0x34: {  	[smem:$0x3FB8] =	sst s10  }
0x35: {  	s10 =	sld [smem:$0x3FB7];
	_ =	sdelay $0x3  }
0x36: {  	p1 =	seq.s32 s10, $0x1;
	s10 =	sld [smem:$0x3FB8];
	_ =	sdelay $0x3  }
0x37: {  	[smem:$0x3FB8] =	sst s10  }
0x38: {  	s10 =	sld [smem:$0x3FB9]  }
0x39: {  	_ = 	snop;
	(pc) =	sbr.ind lr, $3  }
0x3a: {  	_ = 	snop  }
0x3b: {  	_ = 	snop  }
0x3c: {  	p2 =	seq.s32 s10, $0x1;
	s10 =	sld [smem:$0x3FB8]  }
0x3d: {  	_ =	shalt  }
0x3e: {  	_ =	shalt  }
0x3f: {  	_ =	shalt  }
0x40: {  	_ =	shalt  }
0x41: {  	_ =	shalt  }
0x42: {  	_ =	shalt  }
0x43: {  	_ =	shalt  }
0x44: {  	_ =	shalt  }
0x45: {  	_ =	shalt  }
0x46: {  	_ =	shalt  }
0x47: {  	_ =	shalt  }
0x48: {  	_ =	shalt  }
0x49: {  	_ =	shalt  }
0x4a: {  	_ =	shalt  }
0x4b: {  	_ =	shalt  }
0x4c: {  	_ =	shalt  }
0x4d: {  	_ =	shalt  }
0x4e: {  	_ =	shalt  }
0x4f: {  	_ =	shalt  }
0x50: {  	_ =	shalt  }
0x51: {  	_ =	shalt  }
0x52: {  	_ =	shalt  }
0x53: {  	_ =	shalt  }
0x54: {  	_ =	shalt  }
0x55: {  	_ =	shalt  }
0x56: {  	_ =	shalt  }
0x57: {  	_ =	shalt  }
0x58: {  	_ =	shalt  }
0x59: {  	_ =	shalt  }
0x5a: {  	_ =	shalt  }
0x5b: {  	_ =	shalt  }
0x5c: {  	_ =	shalt  }
0x5d: {  	_ =	shalt  }
0x5e: {  	_ =	shalt  }
0x5f: {  	_ =	shalt  }
0x60: {  	_ =	shalt  }
0x61: {  	_ =	shalt  }
0x62: {  	_ =	shalt  }
0x63: {  	_ =	shalt  }
0x64: {  	_ =	shalt  }
0x65: {  	_ =	shalt  }
0x66: {  	_ =	shalt  }
0x67: {  	_ =	shalt  }
0x68: {  	_ =	shalt  }
0x69: {  	_ =	shalt  }
0x6a: {  	_ =	shalt  }
0x6b: {  	_ =	shalt  }
0x6c: {  	_ =	shalt  }
0x6d: {  	_ =	shalt  }
0x6e: {  	_ =	shalt  }
0x6f: {  	_ =	shalt  }
0x70: {  	_ =	shalt  }
0x71: {  	_ =	shalt  }
0x72: {  	_ =	shalt  }
0x73: {  	_ =	shalt  }
0x74: {  	_ =	shalt  }
0x75: {  	_ =	shalt  }
0x76: {  	_ =	shalt  }
0x77: {  	_ =	shalt  }
0x78: {  	_ =	shalt  }
0x79: {  	_ =	shalt  }
0x7a: {  	_ =	shalt  }
0x7b: {  	_ =	shalt  }
0x7c: {  	_ =	shalt  }
0x7d: {  	_ =	shalt  }
0x7e: {  	_ =	shalt  }
0x7f: {  	_ =	shalt  }
0x80: {  	_ =	shalt  }
0x81: {  	_ =	shalt  }
0x82: {  	_ =	shalt  }
0x83: {  	_ =	shalt  }
0x84: {  	_ =	shalt  }
0x85: {  	_ =	shalt  }
0x86: {  	_ =	shalt  }
0x87: {  	_ =	shalt  }
.Lfunc_end0:
.L_simem_size_0:
called_computation.1_lowered:
.L_overlay_start_0:
0x88: {  	s2 =	sld [smem:$0x3FD9]  }
0x89: {  	s3 =	sld [smem:$0x3FFE];
	_ =	sdelay $0x1  }
0x8a: {  	s1 =	srdreg.scid  }
0x8b: {  	s0 =	sand.u32 $0x1, s1  }
0x8c: {  	s15 =	sshll.u32 s0, $0xA;
	s2 =	sadd.s32 s3, s2  }
0x8d: {  	s2 =	sadd.s32 s2, s15  }
0x8e: {  	[smem:$0x3FC4] =	sst s2  }
0x8f: {  	_ = 	snop  }
0x90: {  	s2 =	sld [smem:$0x3FD0];
	_ =	sdelay $0x2  }
0x91: {  	s16 =	simm.s32 $0xB;
	s4 =	simm.s32 $0x10  }
0x92: {  	[smem:s4], [sflag:s16] =	dma.local [hbm:s2], $0x1  }
0x93: {  	_ =	swait.eq [sflag:s16], $0x1  }
0x94: {  	[sflag:s16] =	ssyncset.done $0x0  }
0x95: {  	[sflag:s16] =	ssyncadd.s32 $0xFFFFFFFF  }
0x96: {  	s17 =	sld [smem:$0x12];
	(tm) =	ssettm $0x1  }
0x97: {  	s18 =	sld [smem:$0x3FFB];
	_ =	sdelay $0x3  }
0x98: {  	_ =	strace s18  }
0x99: {  	s2 =	sld [smem:$0x3FFC];
	_ =	sdelay $0x3  }
0x9a: {  	_ =	strace s2  }
0x9b: {  	s2 =	sld [smem:$0x3FFD];
	_ =	sdelay $0x3  }
0x9c: {  	_ =	strace s2  }
0x9d: {  	_ =	strace $0x8FFFFFFF  }
0x9e: {  	s19 =	sld [smem:$0x3FDB];
	_ =	sdelay $0x1  }
0x9f: {  	s20 =	simm.s32 $_scs_section_size  }
0xa0: {  	s5 =	simm.s32 $_size__tile_overlayer_lowered;
	s6 =	simm.s32 $_tile_overlayer_lowered  }
0xa1: {  	s7 =	simm.s32 $0x1BFF;
	s21 =	sshll.u32 s6, $0x1;
	s4 =	sadd.s32 s20, s19  }
0xa2: {  	s22 =	simm.s32 $0x0;
	s5 =	sshll.u32 s5, $0x1;
	s6 =	sadd.s32 s21, s4  }
0xa3: {  	[timem:s22], [sflag:s7] =	dma.local [hbm:s6], s5  }
0xa4: {  	_ =	swait.ge [sflag:s7], s5  }
0xa5: {  	s5 =	ssub.s32 $0x0, s5;
	[sflag:s7] =	ssyncset.done $0x0  }
0xa6: {  	[sflag:s7] =	ssyncadd.s32 s5;
	_ =	sdelay $0x1  }
0xa7: {  	s23 =	simm.s32 $0x1B8B  }
0xa8: {  	_ =	swait.ge [sflag:s23], $0x1  }
0xa9: {  	[sflag:s23] =	ssyncset.done $0x0  }
0xaa: {  	[sflag:s23] =	ssyncadd.s32 $0xFFFFFFFF  }
0xab: {  	s5 =	sld [smem:$0x0]  }
0xac: {  	s6 =	sand.u32 $0xFFFFFFFE, s1  }
0xad: {  	p0 =	sne.s32 s1, s6  }
0xae: {  	s6 =	sshll.u32 @p0 s6, $0xE  }
0xaf: {  	s6 =	sadd.s32 @p0 $0x11B8D, s6;
	s7 =	sshll.u32 @p0 s5, $0x11  }
0xb0: {  	s6 =	sor.u32 @p0 s7, s6  }
0xb1: {  	[sflag:s6] =	ssyncadd.remote.s32 @p0 $0x1;
	_ =	sdelay $0x1  }
0xb2: {  	s6 =	simm.s32 @p0 $0x1B8D  }
0xb3: {  	_ =	swait.eq @p0 [sflag:s6], $0x1  }
0xb4: {  	[sflag:s6] =	ssyncadd.s32 @p0 $0xFFFFFFFF  }
0xb5: {  	s7 =	sshll.u32 @!p0 s1, $0xE  }
0xb6: {  	s7 =	sor.u32 @!p0 $0x4000, s7;
	s6 =	simm.s32 @!p0 $0x1B8D  }
0xb7: {  	s5 =	sshll.u32 @!p0 s5, $0x11;
	s7 =	sadd.s32 @!p0 $0x11B8D, s7;
	_ =	swait.eq @!p0 [sflag:s6], $0x1  }
0xb8: {  	s5 =	sor.u32 @!p0 s5, s7;
	[sflag:s6] =	ssyncadd.s32 @!p0 $0xFFFFFFFF  }
0xb9: {  	s25 =	simm.s32 $0x1B8E;
	s24 =	sld [smem:$0x3FFE];
	[sflag:s5] =	ssyncadd.remote.s32 @!p0 $0x1  }
0xba: {  	s26 =	simm.s32 $execute0_lowered;
	[smem:$0x3FD2] =	sst s25  }
0xbb: {  	s6 =	sshll.u32 s26, $0x1;
	_ =	strace $0x80000055;
	[dreg:$0x1] =	wrdreg $0xFFFFFFFF  }
0xbc: {  	s28 =	simm.s32 $_size_execute0_lowered;
	s4 =	sadd.s32 s4, s6;
	[dreg:$0x0] =	wrdreg $0x0  }
0xbd: {  	s6 =	sshll.u32 s28, $0x1;
	[dreg:$0x2] =	wrdreg s4  }
0xbe: {  	[dreg:$0x3] =	wrdreg s6  }
0xbf: {  	[dreg:$0x4] =	wrdreg $0xC0  }
0xc0: {  	_ =	task [dreg:s22], $0x5FFFF  }
0xc1: {  	[dreg:$0x1] =	wrdreg $0xFFFFFFFF  }
0xc2: {  	[dreg:$0x0] =	wrdreg $0x60  }
0xc3: {  	[dreg:$0x2] =	wrdreg s17  }
0xc4: {  	[dreg:$0x3] =	wrdreg s24  }
0xc5: {  	[dreg:$0x4] =	wrdreg $0x9  }
0xc6: {  	_ =	task.clear_ibuf [dreg:s22], $0x5FFFF;
	_ =	strace $0x90000055  }
0xc7: {  	s29 =	simm.s32 $0x9;
	_ =	strace $0x80000057  }
0xc8: {  	_ =	swait.ge [sflag:s29], $0x1  }
0xc9: {  	[sflag:s29] =	ssyncadd.s32 $0xFFFFFFFF  }
0xca: {  	_ =	strace $0x90000057  }
0xcb: {  	_ =	sfence  }
0xcc: {  	s30 =	sld [smem:$0x0];
	_ =	sdelay $0x2  }
0xcd: {  	s31 =	sshll.u32 s1, $0xD;
	s1 =	sshrl.u32 s1, $0x2  }
0xce: {  	s4 =	sand.u32 $0x4000, s31;
	s1 =	sadd.s32 s1, s30  }
0xcf: {  	s0 =	sor.u32 s4, s0;
	s1 =	sshll.u32 s1, $0x11  }
0xd0: {  	s0 =	sor.u32 s1, s0  }
0xd1: {  	s0 =	sadd.s32 $0x8F2B, s0  }
0xd2: {  	[sflag:s0] =	ssyncadd.remote.s32 $0x1  }
0xd3: {  	_ =	sfence.sel $0xFFFF  }
0xd4: {  	[dreg:$0x0] =	wrdreg $0xFFFFFFFF;
	(pc) =	sbr.abs _section_cstart, $3  }
0xd5: {  	[dreg:$0x1] =	wrdreg $0xFFFFFFFF  }
0xd6: {  	_ =	task.clear_ibuf [dreg:s22], $0x2FFFF;
	_ =	strace $0x9FFFFFFF  }
0xd7: {  	(tm) =	ssettm $0x7FFFFFFF  }
tec
execute0_lowered:
.L_overlay_start_1:
0x0: {  	(tag) =	ssettag $0x1  }
0x1: {  	s1 =	srdreg.scid  }
0x2: {  	s1 =	sand.u32 $0x1, s1  }
0x3: {  	p0 =	seq.s32 s1, $0x1  }
.Ltmp0:
0x4: {  	_ = 	snop;
	(pc) =	sbr.rel @p0 .LBB2_4-.Ltmp0, $4  }
0x5: {  	s2 =	rddreg [dreg:$0x0]  }
0x6: {  	s4 =	rddreg [dreg:$0x1];
	s3 =	simm.s32 $0x0  }
0x7: {  	[smem:$0x7FF] =	sst s3  }
0x8: {  	s0 =	rddreg [dreg:$0x2];
	_ =	strace $0x80000056;
	s1 =	stileid.u32  }
0x9: {  	s6 =	smul.u32 $0x500, s1  }
0xa: {  	s5 =	sadd.s32 $0x15600, s4  }
0xb: {  	s5 =	sadd.s32 s5, s6  }
0xc: {  	[tilespmem:s3], [sflag:$0x1] =	stream.linear.gather [hbm4b:s5+s3], $0x2800, $0x38;
	[tilespmem:$0x5000] =	vst v63  }
0xd: {  	s3 =	simm.s32 $0x1  }
0xe: {  	_ =	swait.ge [sflag:s3], $0x2800  }
0xf: {  	s7 =	simm.s32 $0x0;
	s8 =	simm.s32 $0x2800;
	[sflag:s3] =	ssyncset.done $0x0  }
0x10: {  	s31 =	sadd.s32 s6, s4;
	s5 =	simm.s32 $0x100;
	[sflag:s3] =	ssyncadd.s32 $0xFFFFD800  }
0x11: {  	[tilespmem:s8], [sflag:$0x1] =	stream.indirect.gather [hbm4b:s2+s5], $0x1, s7, s5, $0xb8;
	[tilespmem:$0x5000] =	vst v63  }
0x12: {  	s6 =	simm.s32 $0x400;
	s4 =	sadd.s32 $0x33200, s31;
	_ =	swait.ge [sflag:s3], $0x100  }
.LBB2_2:
0x13: {  	s7 =	sshra.s32 s6, $0x2;
	[sflag:s3] =	ssyncset.done $0x0;
	p0 =	sne.s32 s6, $0x9C00  }
.Ltmp1:
0x14: {  	s8 =	sadd.s32 $0x2800, s7;
	[sflag:s3] =	ssyncadd.s32 $0xFFFFFF00;
	(pc) =	sbr.rel @p0 .LBB2_2-.Ltmp1, $3  }
0x15: {  	[tilespmem:s8], [sflag:$0x1] =	stream.indirect.gather [hbm4b:s2+s5], $0x1, s7, s5, $0xb8;
	[tilespmem:$0x5000] =	vst v63  }
0x16: {  	s6 =	sadd.s32 $0x400, s6;
	_ =	sdelay $0x1  }
0x17: {  	_ =	swait.ge [sflag:s3], $0x100  }
0x18: {  	[sflag:s3] =	ssyncset.done $0x0;
	s2 =	simm.s32 $0x0  }
0x19: {  	s30 =	simm.s32 $0x2800;
	s31 =	simm.s32 $0x1;
	[sflag:s3] =	ssyncadd.s32 $0xFFFFFF00  }
0x1a: {  	[hbm4b:s4+s2] =	stream.linear.scatter [tilespmem:s30], [sflag:$0x1], $0x2800, $0x38;
	[tilespmem:$0x5000] =	vst v63  }
0x1b: {  	_ =	swait.ge [sflag:s31], $0x2800  }
0x1c: {  	[sflag:s31] =	ssyncset.done $0x0  }
0x1d: {  	[sflag:s31] =	ssyncadd.s32 $0xFFFFD800  }
.LBB2_4:
0x1e: {  	_ =	sfence.sel $0x180000  }
0x1f: {  	[bflag:$0x0] =	sbarrier.arrive $0xFFFF  }
0x20: {  	p0 =	sne.s32 s1, $0x0;
	_ =	strace $0x90000056  }
0x21: {  	s0 =	sadd.s32 @!p0 $0x100000, s0;
	[bflag:$0x2] =	sbarrier.arrive $0xFFFF  }
0x22: {  	[sflag:s0] =	ssyncadd.tile.s32 @!p0 $0x1;
	_ =	shalt  }
.Lfunc_end2:
_tile_overlayer_lowered:
.L_overlay_start_2:
0x23: {  	(tag) =	ssettag $0x2  }
0x24: {  	s0 =	rddreg [dreg:$0x0];
	s2 =	stileid.u32  }
0x25: {  	s1 =	rddreg [dreg:$0x1];
	p0 =	sne.s32 s2, $0x0  }
0x26: {  	s3 =	rddreg [dreg:$0x2];
	[bflag:$0x3] =	sbarrier.arrive $0xFFFF;
	s2 =	simm.s32 @!p0 $0x1C01  }
0x27: {  	[timem:s3], [sflag:s2] =	dma.local @!p0 [hbm:s0], s1  }
0x28: {  	s0 =	simm.s32 @!p0 $0x1  }
0x29: {  	_ =	swait.ge @!p0 [sflag:s0], s1  }
0x2a: {  	s1 =	ssub.s32 @!p0 $0x0, s1;
	[sflag:s0] =	ssyncset.done @!p0 $0x0  }
0x2b: {  	[sflag:s0] =	ssyncadd.s32 @!p0 s1  }
0x2c: {  	[bflag:$0x3] =	sbarrier.arrive $0xFFFF  }
0x2d: {  	_ =	shalt  }

// kernel: kernel.22.cloned.1.call-start
scs
__scs_entry_jumppad:
0x0: {  	(pc) =	sbr.rel $0x88, $3  }
0x1: {  	(tag) =	ssettag $0x0;
	lr =	simm.s32 $0x1  }
0x2: {  	[smem:$0x3F9D] =	sst lr;
	_ =	strace $0xD0000000  }
0x3: {  	_ = 	snop  }
0x4: {  	_ = 	snop  }
0x5: {  	_ = 	snop  }
0x6: {  	_ = 	snop  }
0x7: {  	_ = 	snop  }
__scs_overlays_trampoline_lowered:
0x8: {  	[smem:$0x3FAC] =	sst s0  }
0x9: {  	[smem:$0x3FAD] =	sst s1  }
0xa: {  	[smem:$0x3FAE] =	sst s2  }
0xb: {  	[smem:$0x3FAF] =	sst s3  }
0xc: {  	[smem:$0x3FB0] =	sst s4  }
0xd: {  	[smem:$0x3FB1] =	sst s5  }
0xe: {  	[smem:$0x3FB2] =	sst s6  }
0xf: {  	[smem:$0x3FB3] =	sst s7  }
0x10: {  	[smem:$0x3FB4] =	sst s8  }
0x11: {  	[smem:$0x3FB5] =	sst s9;
	s0 =	simm.s32 @!p0 $0x0  }
0x12: {  	s1 =	sld [smem:$0x3F9B];
	s0 =	simm.s32 @p0 $0x1  }
0x13: {  	[smem:$0x3FB6] =	sst s0;
	s0 =	simm.s32 @!p1 $0x0  }
0x14: {  	s2 =	sld [smem:$0x3F9A];
	s0 =	simm.s32 @p1 $0x1  }
0x15: {  	[smem:$0x3FB7] =	sst s0;
	s0 =	simm.s32 @!p2 $0x0  }
0x16: {  	s3 =	sld [smem:$0x3FDB];
	s0 =	simm.s32 @p2 $0x1  }
0x17: {  	s4 =	simm.s32 $0x1BF5;
	[smem:$0x3FB9] =	sst s0  }
0x18: {  	s0 =	sld [smem:$0x3F9C];
	_ =	swait.ge [sflag:s4], $0x0  }
0x19: {  	s7 =	sld [smem:$0x3F9D]  }
0x1a: {  	s8 =	sadd.s32 $0xFFFFE003, lr  }
0x1b: {  	s9 =	sadd.s32 $0xFFFFFEF7, lr;
	s5 =	simm.s32 $0xFFFFFFFF;
	p2 =	slt.u32 s8, $0xFFFFF086  }
0x1c: {  	p1 =	slt.u32 s9, $0xF7A;
	s5 =	simm.s32 @!p2 $0x0  }
0x1d: {  	s5 =	simm.s32 @p1 $0x1;
	p0 =	seq.s32 s7, s2  }
0x1e: {  	s7 =	smul.u32 @!p0 $0xF7A, s2;
	p2 =	seq.s32 @!p0 s5, $0x0  }
0x1f: {  	s9 =	smul.u32 $0xF7A, s1;
	s8 =	simm.s32 @!p0 $0x1BF5;
	p2 =	por !p2, p0  }
0x20: {  	[sflag:s8] =	ssyncset.s32 @!p0 $0xFFFFF086;
	s6 =	sadd.s32 @!p0 s3, s7;
	s7 =	simm.s32 @!p0 $0x108  }
0x21: {  	s3 =	sadd.s32 s3, s9;
	s6 =	sadd.s32 @!p0 $0x88, s6;
	s7 =	simm.s32 @p2 $0x1082  }
0x22: {  	[simem:s7], [sflag:s8] =	dma.local @!p0 [hbm:s6], $0xF7A  }
0x23: {  	s9 =	sor.u32 $0xD0000000, s2;
	s6 =	simm.s32 $0x108;
	_ =	swait.ge @!p0 [sflag:s8], $0x0  }
0x24: {  	s3 =	sadd.s32 $0x88, s3;
	s6 =	simm.s32 @!p1 $0x1082;
	[sflag:s4] =	ssyncset.s32 $0xFFFFF086  }
0x25: {  	[simem:s6], [sflag:s4] =	dma.local [hbm:s3], $0xF7A  }
0x26: {  	[smem:$0x3F9D] =	sst s1;
	(tag) =	ssettag s2;
	_ =	strace s9  }
0x27: {  	s1 =	sld [smem:$0x3FAD]  }
0x28: {  	s2 =	sld [smem:$0x3FAE]  }
0x29: {  	s4 =	sld [smem:$0x3FB0]  }
0x2a: {  	p0 =	seq.s32 s5, $0x0;
	s5 =	sld [smem:$0x3FB1]  }
0x2b: {  	s6 =	sld [smem:$0x3FB2]  }
0x2c: {  	s7 =	sld [smem:$0x3FB3]  }
0x2d: {  	s3 =	simm.s32 $0x108;
	s8 =	sld [smem:$0x3FB4]  }
0x2e: {  	s3 =	simm.s32 @!p0 $0x1082;
	s9 =	sld [smem:$0x3FB5]  }
0x2f: {  	lr =	sadd.s32 s0, s3;
	s0 =	sld [smem:$0x3FAC]  }
0x30: {  	s3 =	sld [smem:$0x3FAF]  }
0x31: {  	[smem:$0x3FB8] =	sst s10  }
0x32: {  	s10 =	sld [smem:$0x3FB6];
	_ =	sdelay $0x3  }
0x33: {  	p0 =	seq.s32 s10, $0x1;
	s10 =	sld [smem:$0x3FB8];
	_ =	sdelay $0x3  }
0x34: {  	[smem:$0x3FB8] =	sst s10  }
0x35: {  	s10 =	sld [smem:$0x3FB7];
	_ =	sdelay $0x3  }
0x36: {  	p1 =	seq.s32 s10, $0x1;
	s10 =	sld [smem:$0x3FB8];
	_ =	sdelay $0x3  }
0x37: {  	[smem:$0x3FB8] =	sst s10  }
0x38: {  	s10 =	sld [smem:$0x3FB9]  }
0x39: {  	_ = 	snop;
	(pc) =	sbr.ind lr, $3  }
0x3a: {  	_ = 	snop  }
0x3b: {  	_ = 	snop  }
0x3c: {  	p2 =	seq.s32 s10, $0x1;
	s10 =	sld [smem:$0x3FB8]  }
0x3d: {  	_ =	shalt  }
0x3e: {  	_ =	shalt  }
0x3f: {  	_ =	shalt  }
0x40: {  	_ =	shalt  }
0x41: {  	_ =	shalt  }
0x42: {  	_ =	shalt  }
0x43: {  	_ =	shalt  }
0x44: {  	_ =	shalt  }
0x45: {  	_ =	shalt  }
0x46: {  	_ =	shalt  }
0x47: {  	_ =	shalt  }
0x48: {  	_ =	shalt  }
0x49: {  	_ =	shalt  }
0x4a: {  	_ =	shalt  }
0x4b: {  	_ =	shalt  }
0x4c: {  	_ =	shalt  }
0x4d: {  	_ =	shalt  }
0x4e: {  	_ =	shalt  }
0x4f: {  	_ =	shalt  }
0x50: {  	_ =	shalt  }
0x51: {  	_ =	shalt  }
0x52: {  	_ =	shalt  }
0x53: {  	_ =	shalt  }
0x54: {  	_ =	shalt  }
0x55: {  	_ =	shalt  }
0x56: {  	_ =	shalt  }
0x57: {  	_ =	shalt  }
0x58: {  	_ =	shalt  }
0x59: {  	_ =	shalt  }
0x5a: {  	_ =	shalt  }
0x5b: {  	_ =	shalt  }
0x5c: {  	_ =	shalt  }
0x5d: {  	_ =	shalt  }
0x5e: {  	_ =	shalt  }
0x5f: {  	_ =	shalt  }
0x60: {  	_ =	shalt  }
0x61: {  	_ =	shalt  }
0x62: {  	_ =	shalt  }
0x63: {  	_ =	shalt  }
0x64: {  	_ =	shalt  }
0x65: {  	_ =	shalt  }
0x66: {  	_ =	shalt  }
0x67: {  	_ =	shalt  }
0x68: {  	_ =	shalt  }
0x69: {  	_ =	shalt  }
0x6a: {  	_ =	shalt  }
0x6b: {  	_ =	shalt  }
0x6c: {  	_ =	shalt  }
0x6d: {  	_ =	shalt  }
0x6e: {  	_ =	shalt  }
0x6f: {  	_ =	shalt  }
0x70: {  	_ =	shalt  }
0x71: {  	_ =	shalt  }
0x72: {  	_ =	shalt  }
0x73: {  	_ =	shalt  }
0x74: {  	_ =	shalt  }
0x75: {  	_ =	shalt  }
0x76: {  	_ =	shalt  }
0x77: {  	_ =	shalt  }
0x78: {  	_ =	shalt  }
0x79: {  	_ =	shalt  }
0x7a: {  	_ =	shalt  }
0x7b: {  	_ =	shalt  }
0x7c: {  	_ =	shalt  }
0x7d: {  	_ =	shalt  }
0x7e: {  	_ =	shalt  }
0x7f: {  	_ =	shalt  }
0x80: {  	_ =	shalt  }
0x81: {  	_ =	shalt  }
0x82: {  	_ =	shalt  }
0x83: {  	_ =	shalt  }
0x84: {  	_ =	shalt  }
0x85: {  	_ =	shalt  }
0x86: {  	_ =	shalt  }
0x87: {  	_ =	shalt  }
.Lfunc_end0:
.L_simem_size_0:
called_computation.2_lowered:
.L_overlay_start_0:
0x88: {  	s2 =	sld [smem:$0x3FD9]  }
0x89: {  	s3 =	sld [smem:$0x3FFE];
	_ =	sdelay $0x1  }
0x8a: {  	s1 =	srdreg.scid  }
0x8b: {  	s0 =	sand.u32 $0x1, s1  }
0x8c: {  	s14 =	sshll.u32 s0, $0xA;
	s2 =	sadd.s32 s3, s2  }
0x8d: {  	s2 =	sadd.s32 s2, s14  }
0x8e: {  	[smem:$0x3FC4] =	sst s2  }
0x8f: {  	_ = 	snop  }
0x90: {  	s2 =	sld [smem:$0x3FD0];
	_ =	sdelay $0x2  }
0x91: {  	s15 =	simm.s32 $0xB;
	s4 =	simm.s32 $0x10  }
0x92: {  	[smem:s4], [sflag:s15] =	dma.local [hbm:s2], $0x1  }
0x93: {  	_ =	swait.eq [sflag:s15], $0x1  }
0x94: {  	[sflag:s15] =	ssyncset.done $0x0  }
0x95: {  	[sflag:s15] =	ssyncadd.s32 $0xFFFFFFFF  }
0x96: {  	s16 =	sld [smem:$0x10];
	(tm) =	ssettm $0x1  }
0x97: {  	s17 =	sld [smem:$0x3FFB];
	_ =	sdelay $0x3  }
0x98: {  	_ =	strace s17  }
0x99: {  	s3 =	sld [smem:$0x3FFC];
	_ =	sdelay $0x3  }
0x9a: {  	_ =	strace s3  }
0x9b: {  	s3 =	sld [smem:$0x3FFD];
	_ =	sdelay $0x3  }
0x9c: {  	_ =	strace s3  }
0x9d: {  	_ =	strace $0x8FFFFFFF  }
0x9e: {  	s18 =	sld [smem:$0x3FDB];
	_ =	sdelay $0x1  }
0x9f: {  	s19 =	simm.s32 $_scs_section_size  }
0xa0: {  	s5 =	simm.s32 $_size__tile_overlayer_lowered;
	s6 =	simm.s32 $_tile_overlayer_lowered  }
0xa1: {  	s22 =	simm.s32 $0x1BFF;
	s21 =	sshll.u32 s6, $0x1;
	s3 =	sadd.s32 s19, s18  }
0xa2: {  	s7 =	simm.s32 $0x0;
	s20 =	sshll.u32 s5, $0x1;
	s5 =	sadd.s32 s21, s3  }
0xa3: {  	[timem:s7], [sflag:s22] =	dma.local [hbm:s5], s20  }
0xa4: {  	_ =	swait.ge [sflag:s22], s20  }
0xa5: {  	s4 =	ssub.s32 $0x0, s20;
	[sflag:s22] =	ssyncset.done $0x0  }
0xa6: {  	[sflag:s22] =	ssyncadd.s32 s4;
	_ =	sdelay $0x1  }
0xa7: {  	s23 =	simm.s32 $0x1B8B  }
0xa8: {  	_ =	swait.ge [sflag:s23], $0x1  }
0xa9: {  	[sflag:s23] =	ssyncset.done $0x0  }
0xaa: {  	s25 =	simm.s32 $0x1B8E;
	s24 =	sld [smem:$0x3FFE];
	[sflag:s23] =	ssyncadd.s32 $0xFFFFFFFF  }
0xab: {  	s26 =	simm.s32 $execute0_lowered;
	[smem:$0x3FD2] =	sst s25  }
0xac: {  	s5 =	sshll.u32 s26, $0x1;
	_ =	strace $0x80000046;
	[dreg:$0x1] =	wrdreg $0xFFFFFFFF  }
0xad: {  	s28 =	simm.s32 $_size_execute0_lowered;
	s3 =	sadd.s32 s3, s5;
	[dreg:$0x0] =	wrdreg $0x0  }
0xae: {  	s5 =	sshll.u32 s28, $0x1;
	[dreg:$0x2] =	wrdreg s3  }
0xaf: {  	[dreg:$0x3] =	wrdreg s5  }
0xb0: {  	[dreg:$0x4] =	wrdreg $0xC0  }
0xb1: {  	_ =	task [dreg:s7], $0x5FFFF  }
0xb2: {  	[dreg:$0x1] =	wrdreg $0xFFFFFFFF  }
0xb3: {  	[dreg:$0x0] =	wrdreg $0x60  }
0xb4: {  	[dreg:$0x2] =	wrdreg s24  }
0xb5: {  	[dreg:$0x3] =	wrdreg s16  }
0xb6: {  	[dreg:$0x4] =	wrdreg $0xD0000  }
0xb7: {  	[dreg:$0x5] =	wrdreg $0xA  }
0xb8: {  	_ =	task.clear_ibuf [dreg:s7], $0x6FFFF;
	_ =	strace $0x90000046  }
0xb9: {  	s29 =	simm.s32 $0xA;
	_ =	strace $0x80000048  }
0xba: {  	_ =	swait.ge [sflag:s29], $0x1  }
0xbb: {  	[sflag:s29] =	ssyncadd.s32 $0xFFFFFFFF  }
0xbc: {  	_ =	strace $0x90000048  }
0xbd: {  	_ =	sfence  }
0xbe: {  	s30 =	sld [smem:$0x0];
	_ =	sdelay $0x2  }
0xbf: {  	s31 =	sshll.u32 s1, $0xD;
	s1 =	sshrl.u32 s1, $0x2  }
0xc0: {  	s3 =	sand.u32 $0x4000, s31;
	s1 =	sadd.s32 s1, s30  }
0xc1: {  	s0 =	sor.u32 s3, s0;
	s1 =	sshll.u32 s1, $0x11  }
0xc2: {  	s0 =	sor.u32 s1, s0  }
0xc3: {  	s0 =	sadd.s32 $0x8F2B, s0  }
0xc4: {  	[sflag:s0] =	ssyncadd.remote.s32 $0x1  }
0xc5: {  	_ =	sfence.sel $0xFFFF  }
0xc6: {  	[dreg:$0x0] =	wrdreg $0xFFFFFFFF;
	(pc) =	sbr.abs _section_cstart, $3  }
0xc7: {  	[dreg:$0x1] =	wrdreg $0xFFFFFFFF  }
0xc8: {  	_ =	task.clear_ibuf [dreg:s7], $0x2FFFF;
	_ =	strace $0x9FFFFFFF  }
0xc9: {  	(tm) =	ssettm $0x7FFFFFFF  }
tec
execute0_lowered:
.L_overlay_start_1:
0x0: {  	(tag) =	ssettag $0x1  }
0x1: {  	s1 =	srdreg.scid  }
0x2: {  	s1 =	sand.u32 $0x1, s1  }
0x3: {  	p0 =	seq.s32 s1, $0x1  }
.Ltmp0:
0x4: {  	s7 =	rddreg [dreg:$0x0];
	(pc) =	sbr.rel @p0 .LBB2_4-.Ltmp0, $4  }
0x5: {  	s3 =	rddreg [dreg:$0x1]  }
0x6: {  	s2 =	rddreg [dreg:$0x2];
	s10 =	simm.s32 $0x0  }
0x7: {  	[smem:$0x7FF] =	sst s10  }
0x8: {  	s0 =	rddreg [dreg:$0x3];
	_ =	strace $0x80000047;
	s1 =	stileid.u32  }
0x9: {  	s4 =	smul.u32 $0x500, s1  }
0xa: {  	s5 =	sadd.s32 $0x1A600, s7  }
0xb: {  	s5 =	sadd.s32 s5, s4  }
0xc: {  	[tilespmem:s10], [sflag:$0x3] =	stream.linear.gather [hbm4b:s5+s10], $0x2800, $0x38;
	[tilespmem:$0x16E00] =	vst v63  }
0xd: {  	s5 =	simm.s32 $0x3  }
0xe: {  	_ =	swait.ge [sflag:s5], $0x2800  }
0xf: {  	s6 =	sadd.s32 $0x15600, s7;
	s8 =	smul.u32 $0x9E00, s1;
	[sflag:s5] =	ssyncset.done $0x0  }
0x10: {  	s24 =	simm.s32 $0x2800;
	s4 =	sadd.s32 s6, s4;
	[sflag:s5] =	ssyncadd.s32 $0xFFFFD800  }
0x11: {  	[tilespmem:s24], [sflag:$0x3] =	stream.linear.gather [hbm4b:s4+s10], $0x2800, $0x38;
	[tilespmem:$0x16E00] =	vst v63  }
0x12: {  	s28 =	sshll.u32 s1, $0x6;
	s13 =	sshrl.u32 s8, $0x3;
	_ =	swait.ge [sflag:s5], $0x2800  }
0x13: {  	s25 =	sadd.s32 s8, s2;
	s26 =	sadd.s32 s3, s13;
	[sflag:s5] =	ssyncset.done $0x0  }
0x14: {  	s3 =	sor.u32 $0x1C03, s28;
	s4 =	sshrl.u32 s25, $0x3;
	[sflag:s5] =	ssyncadd.s32 $0xFFFFD800  }
0x15: {  	[spmem:s4], [sflag:s3] =	dma.local [hbm:s26], $0x13C0  }
0x16: {  	_ =	swait.ge [sflag:s5], $0x13C0  }
0x17: {  	[sflag:s5] =	ssyncset.done $0x0  }
0x18: {  	s9 =	simm.s32 $0x5000;
	[sflag:s5] =	ssyncadd.s32 $0xFFFFEC40  }
0x19: {  	s6 =	sadd.s32 $0x1C00, s7;
	s8 =	simm.s32 $0x100;
	[bflag:$0x0] =	sbarrier.arrive $0xFFFF  }
0x1a: {  	[tilespmem:s9], [sflag:$0x1] =	stream.indirect.gather [hbm4b:s6+s8], $0x40, s10, s8, $0xb8;
	[tilespmem:$0x16E00] =	vst v63  }
0x1b: {  	s10 =	simm.s32 $0x1  }
0x1c: {  	_ =	swait.ge [sflag:s10], $0x4000  }
0x1d: {  	[sflag:s10] =	ssyncset.done $0x0  }
0x1e: {  	s11 =	simm.s32 $0x9000;
	s12 =	simm.s32 $0x100;
	[sflag:s10] =	ssyncadd.s32 $0xFFFFC000  }
0x1f: {  	[tilespmem:s11], [sflag:$0x2] =	stream.indirect.gather [hbm4b:s6+s8], $0x40, s12, s8, $0xb8;
	[tilespmem:$0x16E00] =	vst v63  }
0x20: {  	s29 =	simm.s32 $0x2800  }
0x21: {  	[spmem:s2] =	stream.indirect.scatter.add.f32 [tilespmem:s9], [sflag:$0x3], $0x40, s29, s8, $0xb8;
	[tilespmem:$0x16E00] =	vst v63  }
0x22: {  	_ =	swait.ge [sflag:s5], $0x4000  }
0x23: {  	[sflag:s5] =	ssyncset.done $0x0  }
0x24: {  	s12 =	simm.s32 $0x2;
	[sflag:s5] =	ssyncadd.s32 $0xFFFFC000  }
0x25: {  	_ =	swait.ge [sflag:s12], $0x4000  }
0x26: {  	[sflag:s12] =	ssyncset.done $0x0  }
0x27: {  	s14 =	simm.s32 $0x200;
	[sflag:s12] =	ssyncadd.s32 $0xFFFFC000  }
0x28: {  	[tilespmem:s9], [sflag:$0x1] =	stream.indirect.gather [hbm4b:s6+s8], $0x40, s14, s8, $0xb8;
	[tilespmem:$0x16E00] =	vst v63  }
0x29: {  	s30 =	simm.s32 $0x2900  }
0x2a: {  	[spmem:s2] =	stream.indirect.scatter.add.f32 [tilespmem:s11], [sflag:$0x3], $0x40, s30, s8, $0xb8;
	[tilespmem:$0x16E00] =	vst v63  }
0x2b: {  	s31 =	sadd.s32 s13, s7;
	_ =	swait.ge [sflag:s5], $0x4000  }
0x2c: {  	s13 =	simm.s32 $0x800;
	s7 =	sadd.s32 $0x1F600, s31;
	[sflag:s5] =	ssyncset.done $0x0  }
.LBB2_2:
0x2d: {  	p0 =	sne.s32 s13, $0x9000  }
0x2e: {  	[sflag:s5] =	ssyncadd.s32 $0xFFFFC000;
	s14 =	smov.u32 s13;
	s13 =	sadd.s32 $0x800, s13  }
0x2f: {  	_ = 	snop  }
0x30: {  	_ =	swait.ge [sflag:s10], $0x4000  }
0x31: {  	s14 =	sshra.s32 s14, $0x2;
	[sflag:s10] =	ssyncset.done $0x0  }
0x32: {  	s15 =	sadd.s32 $0x100, s14;
	[sflag:s10] =	ssyncadd.s32 $0xFFFFC000  }
0x33: {  	[tilespmem:s11], [sflag:$0x2] =	stream.indirect.gather [hbm4b:s6+s8], $0x40, s15, s8, $0xb8;
	[tilespmem:$0x16E00] =	vst v63  }
0x34: {  	s15 =	sadd.s32 $0x2800, s14  }
0x35: {  	[spmem:s2] =	stream.indirect.scatter.add.f32 [tilespmem:s9], [sflag:$0x3], $0x40, s15, s8, $0xb8;
	[tilespmem:$0x16E00] =	vst v63  }
0x36: {  	_ =	swait.ge [sflag:s5], $0x4000  }
0x37: {  	[sflag:s5] =	ssyncset.done $0x0  }
0x38: {  	[sflag:s5] =	ssyncadd.s32 $0xFFFFC000  }
0x39: {  	_ =	swait.ge [sflag:s12], $0x4000  }
0x3a: {  	[sflag:s12] =	ssyncset.done $0x0  }
0x3b: {  	s15 =	sadd.s32 $0x200, s14;
	[sflag:s12] =	ssyncadd.s32 $0xFFFFC000  }
0x3c: {  	[tilespmem:s9], [sflag:$0x1] =	stream.indirect.gather [hbm4b:s6+s8], $0x40, s15, s8, $0xb8;
	[tilespmem:$0x16E00] =	vst v63  }
.Ltmp1:
0x3d: {  	_ = 	snop;
	(pc) =	sbr.rel @p0 .LBB2_2-.Ltmp1, $4  }
0x3e: {  	s14 =	sadd.s32 $0x2900, s14  }
0x3f: {  	[spmem:s2] =	stream.indirect.scatter.add.f32 [tilespmem:s11], [sflag:$0x3], $0x40, s14, s8, $0xb8;
	[tilespmem:$0x16E00] =	vst v63  }
0x40: {  	_ =	swait.ge [sflag:s5], $0x4000  }
0x41: {  	[sflag:s5] =	ssyncset.done $0x0  }
0x42: {  	[sflag:s5] =	ssyncadd.s32 $0xFFFFC000;
	s24 =	simm.s32 $0x1  }
0x43: {  	_ =	swait.ge [sflag:s24], $0x4000  }
0x44: {  	s25 =	simm.s32 $0x100;
	[sflag:s24] =	ssyncset.done $0x0  }
0x45: {  	s8 =	simm.s32 $0x2700;
	s9 =	simm.s32 $0x9000;
	[sflag:s24] =	ssyncadd.s32 $0xFFFFC000  }
0x46: {  	[tilespmem:s9], [sflag:$0x2] =	stream.indirect.gather [hbm4b:s6+s25], $0x40, s8, s25, $0xb8;
	[tilespmem:$0x16E00] =	vst v63  }
0x47: {  	s26 =	simm.s32 $0x4E00;
	s28 =	simm.s32 $0x5000;
	s29 =	simm.s32 $0x3  }
0x48: {  	[spmem:s2] =	stream.indirect.scatter.add.f32 [tilespmem:s28], [sflag:$0x3], $0x40, s26, s25, $0xb8;
	[tilespmem:$0x16E00] =	vst v63  }
0x49: {  	_ =	swait.ge [sflag:s29], $0x4000  }
0x4a: {  	[sflag:s29] =	ssyncset.done $0x0  }
0x4b: {  	s30 =	simm.s32 $0x2;
	[sflag:s29] =	ssyncadd.s32 $0xFFFFC000  }
0x4c: {  	_ =	swait.ge [sflag:s30], $0x4000  }
0x4d: {  	[sflag:s30] =	ssyncset.done $0x0  }
0x4e: {  	s31 =	simm.s32 $0x4F00;
	[sflag:s30] =	ssyncadd.s32 $0xFFFFC000  }
0x4f: {  	[spmem:s2] =	stream.indirect.scatter.add.f32 [tilespmem:s9], [sflag:$0x3], $0x40, s31, s25, $0xb8;
	[tilespmem:$0x16E00] =	vst v63  }
0x50: {  	_ =	swait.ge [sflag:s29], $0x4000  }
0x51: {  	[sflag:s29] =	ssyncset.done $0x0  }
0x52: {  	[sflag:s29] =	ssyncadd.s32 $0xFFFFC000  }
0x53: {  	[bflag:$0x0] =	sbarrier.arrive $0xFFFF  }
0x54: {  	[hbm:s7], [sflag:s3] =	dma.local [spmem:s4], $0x13C0  }
0x55: {  	_ =	swait.ge [sflag:s29], $0x13C0  }
0x56: {  	[sflag:s29] =	ssyncset.done $0x0  }
0x57: {  	[sflag:s29] =	ssyncadd.s32 $0xFFFFEC40  }
.LBB2_4:
0x58: {  	_ =	sfence.sel $0x180000  }
0x59: {  	[bflag:$0x0] =	sbarrier.arrive $0xFFFF  }
0x5a: {  	p0 =	sne.s32 s1, $0x0;
	_ =	strace $0x90000047  }
0x5b: {  	s0 =	sadd.s32 @!p0 $0x100000, s0;
	[bflag:$0x2] =	sbarrier.arrive $0xFFFF  }
0x5c: {  	[sflag:s0] =	ssyncadd.tile.s32 @!p0 $0x1;
	_ =	shalt  }
.Lfunc_end2:
_tile_overlayer_lowered:
.L_overlay_start_2:
0x5d: {  	(tag) =	ssettag $0x2  }
0x5e: {  	s0 =	rddreg [dreg:$0x0];
	s2 =	stileid.u32  }
0x5f: {  	s1 =	rddreg [dreg:$0x1];
	p0 =	sne.s32 s2, $0x0  }
0x60: {  	s3 =	rddreg [dreg:$0x2];
	[bflag:$0x3] =	sbarrier.arrive $0xFFFF;
	s2 =	simm.s32 @!p0 $0x1C03  }
0x61: {  	[timem:s3], [sflag:s2] =	dma.local @!p0 [hbm:s0], s1  }
0x62: {  	s0 =	simm.s32 @!p0 $0x3  }
0x63: {  	_ =	swait.ge @!p0 [sflag:s0], s1  }
0x64: {  	s1 =	ssub.s32 @!p0 $0x0, s1;
	[sflag:s0] =	ssyncset.done @!p0 $0x0  }
0x65: {  	[sflag:s0] =	ssyncadd.s32 @!p0 s1  }
0x66: {  	[bflag:$0x3] =	sbarrier.arrive $0xFFFF  }
0x67: {  	_ =	shalt  }

// kernel: kernel.25.cloned.1.call-start
scs
__scs_entry_jumppad:
0x0: {  	(pc) =	sbr.rel $0x88, $3  }
0x1: {  	(tag) =	ssettag $0x0;
	lr =	simm.s32 $0x1  }
0x2: {  	[smem:$0x3F9D] =	sst lr;
	_ =	strace $0xD0000000  }
0x3: {  	_ = 	snop  }
0x4: {  	_ = 	snop  }
0x5: {  	_ = 	snop  }
0x6: {  	_ = 	snop  }
0x7: {  	_ = 	snop  }
__scs_overlays_trampoline_lowered:
0x8: {  	[smem:$0x3FAC] =	sst s0  }
0x9: {  	[smem:$0x3FAD] =	sst s1  }
0xa: {  	[smem:$0x3FAE] =	sst s2  }
0xb: {  	[smem:$0x3FAF] =	sst s3  }
0xc: {  	[smem:$0x3FB0] =	sst s4  }
0xd: {  	[smem:$0x3FB1] =	sst s5  }
0xe: {  	[smem:$0x3FB2] =	sst s6  }
0xf: {  	[smem:$0x3FB3] =	sst s7  }
0x10: {  	[smem:$0x3FB4] =	sst s8  }
0x11: {  	[smem:$0x3FB5] =	sst s9;
	s0 =	simm.s32 @!p0 $0x0  }
0x12: {  	s1 =	sld [smem:$0x3F9B];
	s0 =	simm.s32 @p0 $0x1  }
0x13: {  	[smem:$0x3FB6] =	sst s0;
	s0 =	simm.s32 @!p1 $0x0  }
0x14: {  	s2 =	sld [smem:$0x3F9A];
	s0 =	simm.s32 @p1 $0x1  }
0x15: {  	[smem:$0x3FB7] =	sst s0;
	s0 =	simm.s32 @!p2 $0x0  }
0x16: {  	s3 =	sld [smem:$0x3FDB];
	s0 =	simm.s32 @p2 $0x1  }
0x17: {  	s4 =	simm.s32 $0x1BF5;
	[smem:$0x3FB9] =	sst s0  }
0x18: {  	s0 =	sld [smem:$0x3F9C];
	_ =	swait.ge [sflag:s4], $0x0  }
0x19: {  	s7 =	sld [smem:$0x3F9D]  }
0x1a: {  	s8 =	sadd.s32 $0xFFFFE003, lr  }
0x1b: {  	s9 =	sadd.s32 $0xFFFFFEF7, lr;
	s5 =	simm.s32 $0xFFFFFFFF;
	p2 =	slt.u32 s8, $0xFFFFF086  }
0x1c: {  	p1 =	slt.u32 s9, $0xF7A;
	s5 =	simm.s32 @!p2 $0x0  }
0x1d: {  	s5 =	simm.s32 @p1 $0x1;
	p0 =	seq.s32 s7, s2  }
0x1e: {  	s7 =	smul.u32 @!p0 $0xF7A, s2;
	p2 =	seq.s32 @!p0 s5, $0x0  }
0x1f: {  	s9 =	smul.u32 $0xF7A, s1;
	s8 =	simm.s32 @!p0 $0x1BF5;
	p2 =	por !p2, p0  }
0x20: {  	[sflag:s8] =	ssyncset.s32 @!p0 $0xFFFFF086;
	s6 =	sadd.s32 @!p0 s3, s7;
	s7 =	simm.s32 @!p0 $0x108  }
0x21: {  	s3 =	sadd.s32 s3, s9;
	s6 =	sadd.s32 @!p0 $0x88, s6;
	s7 =	simm.s32 @p2 $0x1082  }
0x22: {  	[simem:s7], [sflag:s8] =	dma.local @!p0 [hbm:s6], $0xF7A  }
0x23: {  	s9 =	sor.u32 $0xD0000000, s2;
	s6 =	simm.s32 $0x108;
	_ =	swait.ge @!p0 [sflag:s8], $0x0  }
0x24: {  	s3 =	sadd.s32 $0x88, s3;
	s6 =	simm.s32 @!p1 $0x1082;
	[sflag:s4] =	ssyncset.s32 $0xFFFFF086  }
0x25: {  	[simem:s6], [sflag:s4] =	dma.local [hbm:s3], $0xF7A  }
0x26: {  	[smem:$0x3F9D] =	sst s1;
	(tag) =	ssettag s2;
	_ =	strace s9  }
0x27: {  	s1 =	sld [smem:$0x3FAD]  }
0x28: {  	s2 =	sld [smem:$0x3FAE]  }
0x29: {  	s4 =	sld [smem:$0x3FB0]  }
0x2a: {  	p0 =	seq.s32 s5, $0x0;
	s5 =	sld [smem:$0x3FB1]  }
0x2b: {  	s6 =	sld [smem:$0x3FB2]  }
0x2c: {  	s7 =	sld [smem:$0x3FB3]  }
0x2d: {  	s3 =	simm.s32 $0x108;
	s8 =	sld [smem:$0x3FB4]  }
0x2e: {  	s3 =	simm.s32 @!p0 $0x1082;
	s9 =	sld [smem:$0x3FB5]  }
0x2f: {  	lr =	sadd.s32 s0, s3;
	s0 =	sld [smem:$0x3FAC]  }
0x30: {  	s3 =	sld [smem:$0x3FAF]  }
0x31: {  	[smem:$0x3FB8] =	sst s10  }
0x32: {  	s10 =	sld [smem:$0x3FB6];
	_ =	sdelay $0x3  }
0x33: {  	p0 =	seq.s32 s10, $0x1;
	s10 =	sld [smem:$0x3FB8];
	_ =	sdelay $0x3  }
0x34: {  	[smem:$0x3FB8] =	sst s10  }
0x35: {  	s10 =	sld [smem:$0x3FB7];
	_ =	sdelay $0x3  }
0x36: {  	p1 =	seq.s32 s10, $0x1;
	s10 =	sld [smem:$0x3FB8];
	_ =	sdelay $0x3  }
0x37: {  	[smem:$0x3FB8] =	sst s10  }
0x38: {  	s10 =	sld [smem:$0x3FB9]  }
0x39: {  	_ = 	snop;
	(pc) =	sbr.ind lr, $3  }
0x3a: {  	_ = 	snop  }
0x3b: {  	_ = 	snop  }
0x3c: {  	p2 =	seq.s32 s10, $0x1;
	s10 =	sld [smem:$0x3FB8]  }
0x3d: {  	_ =	shalt  }
0x3e: {  	_ =	shalt  }
0x3f: {  	_ =	shalt  }
0x40: {  	_ =	shalt  }
0x41: {  	_ =	shalt  }
0x42: {  	_ =	shalt  }
0x43: {  	_ =	shalt  }
0x44: {  	_ =	shalt  }
0x45: {  	_ =	shalt  }
0x46: {  	_ =	shalt  }
0x47: {  	_ =	shalt  }
0x48: {  	_ =	shalt  }
0x49: {  	_ =	shalt  }
0x4a: {  	_ =	shalt  }
0x4b: {  	_ =	shalt  }
0x4c: {  	_ =	shalt  }
0x4d: {  	_ =	shalt  }
0x4e: {  	_ =	shalt  }
0x4f: {  	_ =	shalt  }
0x50: {  	_ =	shalt  }
0x51: {  	_ =	shalt  }
0x52: {  	_ =	shalt  }
0x53: {  	_ =	shalt  }
0x54: {  	_ =	shalt  }
0x55: {  	_ =	shalt  }
0x56: {  	_ =	shalt  }
0x57: {  	_ =	shalt  }
0x58: {  	_ =	shalt  }
0x59: {  	_ =	shalt  }
0x5a: {  	_ =	shalt  }
0x5b: {  	_ =	shalt  }
0x5c: {  	_ =	shalt  }
0x5d: {  	_ =	shalt  }
0x5e: {  	_ =	shalt  }
0x5f: {  	_ =	shalt  }
0x60: {  	_ =	shalt  }
0x61: {  	_ =	shalt  }
0x62: {  	_ =	shalt  }
0x63: {  	_ =	shalt  }
0x64: {  	_ =	shalt  }
0x65: {  	_ =	shalt  }
0x66: {  	_ =	shalt  }
0x67: {  	_ =	shalt  }
0x68: {  	_ =	shalt  }
0x69: {  	_ =	shalt  }
0x6a: {  	_ =	shalt  }
0x6b: {  	_ =	shalt  }
0x6c: {  	_ =	shalt  }
0x6d: {  	_ =	shalt  }
0x6e: {  	_ =	shalt  }
0x6f: {  	_ =	shalt  }
0x70: {  	_ =	shalt  }
0x71: {  	_ =	shalt  }
0x72: {  	_ =	shalt  }
0x73: {  	_ =	shalt  }
0x74: {  	_ =	shalt  }
0x75: {  	_ =	shalt  }
0x76: {  	_ =	shalt  }
0x77: {  	_ =	shalt  }
0x78: {  	_ =	shalt  }
0x79: {  	_ =	shalt  }
0x7a: {  	_ =	shalt  }
0x7b: {  	_ =	shalt  }
0x7c: {  	_ =	shalt  }
0x7d: {  	_ =	shalt  }
0x7e: {  	_ =	shalt  }
0x7f: {  	_ =	shalt  }
0x80: {  	_ =	shalt  }
0x81: {  	_ =	shalt  }
0x82: {  	_ =	shalt  }
0x83: {  	_ =	shalt  }
0x84: {  	_ =	shalt  }
0x85: {  	_ =	shalt  }
0x86: {  	_ =	shalt  }
0x87: {  	_ =	shalt  }
.Lfunc_end0:
.L_simem_size_0:
called_computation.3_lowered:
.L_overlay_start_0:
0x88: {  	s2 =	sld [smem:$0x3FD9]  }
0x89: {  	s3 =	sld [smem:$0x3FFE];
	_ =	sdelay $0x1  }
0x8a: {  	s1 =	srdreg.scid  }
0x8b: {  	s0 =	sand.u32 $0x1, s1  }
0x8c: {  	s14 =	sshll.u32 s0, $0xA;
	s2 =	sadd.s32 s3, s2  }
0x8d: {  	s2 =	sadd.s32 s2, s14  }
0x8e: {  	[smem:$0x3FC4] =	sst s2  }
0x8f: {  	_ = 	snop  }
0x90: {  	s2 =	sld [smem:$0x3FD0];
	_ =	sdelay $0x2  }
0x91: {  	s15 =	simm.s32 $0xB;
	s4 =	simm.s32 $0x10  }
0x92: {  	[smem:s4], [sflag:s15] =	dma.local [hbm:s2], $0x1  }
0x93: {  	_ =	swait.eq [sflag:s15], $0x1  }
0x94: {  	[sflag:s15] =	ssyncset.done $0x0  }
0x95: {  	[sflag:s15] =	ssyncadd.s32 $0xFFFFFFFF  }
0x96: {  	s16 =	sld [smem:$0x10];
	(tm) =	ssettm $0x1  }
0x97: {  	s17 =	sld [smem:$0x3FFB];
	_ =	sdelay $0x3  }
0x98: {  	_ =	strace s17  }
0x99: {  	s3 =	sld [smem:$0x3FFC];
	_ =	sdelay $0x3  }
0x9a: {  	_ =	strace s3  }
0x9b: {  	s3 =	sld [smem:$0x3FFD];
	_ =	sdelay $0x3  }
0x9c: {  	_ =	strace s3  }
0x9d: {  	_ =	strace $0x8FFFFFFF  }
0x9e: {  	s18 =	sld [smem:$0x3FDB];
	_ =	sdelay $0x1  }
0x9f: {  	s19 =	simm.s32 $_scs_section_size  }
0xa0: {  	s5 =	simm.s32 $_size__tile_overlayer_lowered;
	s6 =	simm.s32 $_tile_overlayer_lowered  }
0xa1: {  	s22 =	simm.s32 $0x1BFF;
	s21 =	sshll.u32 s6, $0x1;
	s3 =	sadd.s32 s19, s18  }
0xa2: {  	s7 =	simm.s32 $0x0;
	s20 =	sshll.u32 s5, $0x1;
	s5 =	sadd.s32 s21, s3  }
0xa3: {  	[timem:s7], [sflag:s22] =	dma.local [hbm:s5], s20  }
0xa4: {  	_ =	swait.ge [sflag:s22], s20  }
0xa5: {  	s4 =	ssub.s32 $0x0, s20;
	[sflag:s22] =	ssyncset.done $0x0  }
0xa6: {  	[sflag:s22] =	ssyncadd.s32 s4;
	_ =	sdelay $0x1  }
0xa7: {  	s23 =	simm.s32 $0x1B8B  }
0xa8: {  	_ =	swait.ge [sflag:s23], $0x1  }
0xa9: {  	[sflag:s23] =	ssyncset.done $0x0  }
0xaa: {  	s25 =	simm.s32 $0x1B8E;
	s24 =	sld [smem:$0x3FFE];
	[sflag:s23] =	ssyncadd.s32 $0xFFFFFFFF  }
0xab: {  	s26 =	simm.s32 $execute0_lowered;
	[smem:$0x3FD2] =	sst s25  }
0xac: {  	s5 =	sshll.u32 s26, $0x1;
	_ =	strace $0x8000004C;
	[dreg:$0x1] =	wrdreg $0xFFFFFFFF  }
0xad: {  	s28 =	simm.s32 $_size_execute0_lowered;
	s3 =	sadd.s32 s3, s5;
	[dreg:$0x0] =	wrdreg $0x0  }
0xae: {  	s5 =	sshll.u32 s28, $0x1;
	[dreg:$0x2] =	wrdreg s3  }
0xaf: {  	[dreg:$0x3] =	wrdreg s5  }
0xb0: {  	[dreg:$0x4] =	wrdreg $0xC0  }
0xb1: {  	_ =	task [dreg:s7], $0x5FFFF  }
0xb2: {  	[dreg:$0x1] =	wrdreg $0xFFFFFFFF  }
0xb3: {  	[dreg:$0x0] =	wrdreg $0x60  }
0xb4: {  	[dreg:$0x2] =	wrdreg s24  }
0xb5: {  	[dreg:$0x3] =	wrdreg s16  }
0xb6: {  	[dreg:$0x4] =	wrdreg $0xD0000  }
0xb7: {  	[dreg:$0x5] =	wrdreg $0x9  }
0xb8: {  	_ =	task.clear_ibuf [dreg:s7], $0x6FFFF;
	_ =	strace $0x9000004C  }
0xb9: {  	s29 =	simm.s32 $0x9;
	_ =	strace $0x8000004E  }
0xba: {  	_ =	swait.ge [sflag:s29], $0x1  }
0xbb: {  	[sflag:s29] =	ssyncadd.s32 $0xFFFFFFFF  }
0xbc: {  	_ =	strace $0x9000004E  }
0xbd: {  	_ =	sfence  }
0xbe: {  	s30 =	sld [smem:$0x0];
	_ =	sdelay $0x2  }
0xbf: {  	s31 =	sshll.u32 s1, $0xD;
	s1 =	sshrl.u32 s1, $0x2  }
0xc0: {  	s3 =	sand.u32 $0x4000, s31;
	s1 =	sadd.s32 s1, s30  }
0xc1: {  	s0 =	sor.u32 s3, s0;
	s1 =	sshll.u32 s1, $0x11  }
0xc2: {  	s0 =	sor.u32 s1, s0  }
0xc3: {  	s0 =	sadd.s32 $0x8F2B, s0  }
0xc4: {  	[sflag:s0] =	ssyncadd.remote.s32 $0x1  }
0xc5: {  	_ =	sfence.sel $0xFFFF  }
0xc6: {  	[dreg:$0x0] =	wrdreg $0xFFFFFFFF;
	(pc) =	sbr.abs _section_cstart, $3  }
0xc7: {  	[dreg:$0x1] =	wrdreg $0xFFFFFFFF  }
0xc8: {  	_ =	task.clear_ibuf [dreg:s7], $0x2FFFF;
	_ =	strace $0x9FFFFFFF  }
0xc9: {  	(tm) =	ssettm $0x7FFFFFFF  }
tec
execute0_lowered:
.L_overlay_start_1:
0x0: {  	(tag) =	ssettag $0x1  }
0x1: {  	s1 =	srdreg.scid  }
0x2: {  	s1 =	sand.u32 $0x1, s1  }
0x3: {  	p0 =	seq.s32 s1, $0x1  }
.Ltmp0:
0x4: {  	s7 =	rddreg [dreg:$0x0];
	(pc) =	sbr.rel @p0 .LBB2_4-.Ltmp0, $4  }
0x5: {  	s3 =	rddreg [dreg:$0x1]  }
0x6: {  	s2 =	rddreg [dreg:$0x2];
	s10 =	simm.s32 $0x0  }
0x7: {  	[smem:$0x7FF] =	sst s10  }
0x8: {  	s0 =	rddreg [dreg:$0x3];
	_ =	strace $0x8000004D;
	s1 =	stileid.u32  }
0x9: {  	s4 =	smul.u32 $0x500, s1  }
0xa: {  	s5 =	sadd.s32 $0x1A600, s7  }
0xb: {  	s5 =	sadd.s32 s5, s4  }
0xc: {  	[tilespmem:s10], [sflag:$0x3] =	stream.linear.gather [hbm4b:s5+s10], $0x2800, $0x38;
	[tilespmem:$0x16E00] =	vst v63  }
0xd: {  	s5 =	simm.s32 $0x3  }
0xe: {  	_ =	swait.ge [sflag:s5], $0x2800  }
0xf: {  	s6 =	sadd.s32 $0x15600, s7;
	s8 =	smul.u32 $0x9E00, s1;
	[sflag:s5] =	ssyncset.done $0x0  }
0x10: {  	s24 =	simm.s32 $0x2800;
	s4 =	sadd.s32 s6, s4;
	[sflag:s5] =	ssyncadd.s32 $0xFFFFD800  }
0x11: {  	[tilespmem:s24], [sflag:$0x3] =	stream.linear.gather [hbm4b:s4+s10], $0x2800, $0x38;
	[tilespmem:$0x16E00] =	vst v63  }
0x12: {  	s28 =	sshll.u32 s1, $0x6;
	s13 =	sshrl.u32 s8, $0x3;
	_ =	swait.ge [sflag:s5], $0x2800  }
0x13: {  	s25 =	sadd.s32 s8, s2;
	s26 =	sadd.s32 s3, s13;
	[sflag:s5] =	ssyncset.done $0x0  }
0x14: {  	s3 =	sor.u32 $0x1C03, s28;
	s4 =	sshrl.u32 s25, $0x3;
	[sflag:s5] =	ssyncadd.s32 $0xFFFFD800  }
0x15: {  	[spmem:s4], [sflag:s3] =	dma.local [hbm:s26], $0x13C0  }
0x16: {  	_ =	swait.ge [sflag:s5], $0x13C0  }
0x17: {  	[sflag:s5] =	ssyncset.done $0x0  }
0x18: {  	s9 =	simm.s32 $0x5000;
	[sflag:s5] =	ssyncadd.s32 $0xFFFFEC40  }
0x19: {  	s6 =	sadd.s32 $0x1C00, s7;
	s8 =	simm.s32 $0x100;
	[bflag:$0x0] =	sbarrier.arrive $0xFFFF  }
0x1a: {  	[tilespmem:s9], [sflag:$0x1] =	stream.indirect.gather [hbm4b:s6+s8], $0x40, s10, s8, $0xb8;
	[tilespmem:$0x16E00] =	vst v63  }
0x1b: {  	s10 =	simm.s32 $0x1  }
0x1c: {  	_ =	swait.ge [sflag:s10], $0x4000  }
0x1d: {  	[sflag:s10] =	ssyncset.done $0x0  }
0x1e: {  	s11 =	simm.s32 $0x9000;
	s12 =	simm.s32 $0x100;
	[sflag:s10] =	ssyncadd.s32 $0xFFFFC000  }
0x1f: {  	[tilespmem:s11], [sflag:$0x2] =	stream.indirect.gather [hbm4b:s6+s8], $0x40, s12, s8, $0xb8;
	[tilespmem:$0x16E00] =	vst v63  }
0x20: {  	s29 =	simm.s32 $0x2800  }
0x21: {  	[spmem:s2] =	stream.indirect.scatter.add.f32 [tilespmem:s9], [sflag:$0x3], $0x40, s29, s8, $0xb8;
	[tilespmem:$0x16E00] =	vst v63  }
0x22: {  	_ =	swait.ge [sflag:s5], $0x4000  }
0x23: {  	[sflag:s5] =	ssyncset.done $0x0  }
0x24: {  	s12 =	simm.s32 $0x2;
	[sflag:s5] =	ssyncadd.s32 $0xFFFFC000  }
0x25: {  	_ =	swait.ge [sflag:s12], $0x4000  }
0x26: {  	[sflag:s12] =	ssyncset.done $0x0  }
0x27: {  	s14 =	simm.s32 $0x200;
	[sflag:s12] =	ssyncadd.s32 $0xFFFFC000  }
0x28: {  	[tilespmem:s9], [sflag:$0x1] =	stream.indirect.gather [hbm4b:s6+s8], $0x40, s14, s8, $0xb8;
	[tilespmem:$0x16E00] =	vst v63  }
0x29: {  	s30 =	simm.s32 $0x2900  }
0x2a: {  	[spmem:s2] =	stream.indirect.scatter.add.f32 [tilespmem:s11], [sflag:$0x3], $0x40, s30, s8, $0xb8;
	[tilespmem:$0x16E00] =	vst v63  }
0x2b: {  	s31 =	sadd.s32 s13, s7;
	_ =	swait.ge [sflag:s5], $0x4000  }
0x2c: {  	s13 =	simm.s32 $0x800;
	s7 =	sadd.s32 $0x1F600, s31;
	[sflag:s5] =	ssyncset.done $0x0  }
.LBB2_2:
0x2d: {  	p0 =	sne.s32 s13, $0x9000  }
0x2e: {  	[sflag:s5] =	ssyncadd.s32 $0xFFFFC000;
	s14 =	smov.u32 s13;
	s13 =	sadd.s32 $0x800, s13  }
0x2f: {  	_ = 	snop  }
0x30: {  	_ =	swait.ge [sflag:s10], $0x4000  }
0x31: {  	s14 =	sshra.s32 s14, $0x2;
	[sflag:s10] =	ssyncset.done $0x0  }
0x32: {  	s15 =	sadd.s32 $0x100, s14;
	[sflag:s10] =	ssyncadd.s32 $0xFFFFC000  }
0x33: {  	[tilespmem:s11], [sflag:$0x2] =	stream.indirect.gather [hbm4b:s6+s8], $0x40, s15, s8, $0xb8;
	[tilespmem:$0x16E00] =	vst v63  }
0x34: {  	s15 =	sadd.s32 $0x2800, s14  }
0x35: {  	[spmem:s2] =	stream.indirect.scatter.add.f32 [tilespmem:s9], [sflag:$0x3], $0x40, s15, s8, $0xb8;
	[tilespmem:$0x16E00] =	vst v63  }
0x36: {  	_ =	swait.ge [sflag:s5], $0x4000  }
0x37: {  	[sflag:s5] =	ssyncset.done $0x0  }
0x38: {  	[sflag:s5] =	ssyncadd.s32 $0xFFFFC000  }
0x39: {  	_ =	swait.ge [sflag:s12], $0x4000  }
0x3a: {  	[sflag:s12] =	ssyncset.done $0x0  }
0x3b: {  	s15 =	sadd.s32 $0x200, s14;
	[sflag:s12] =	ssyncadd.s32 $0xFFFFC000  }
0x3c: {  	[tilespmem:s9], [sflag:$0x1] =	stream.indirect.gather [hbm4b:s6+s8], $0x40, s15, s8, $0xb8;
	[tilespmem:$0x16E00] =	vst v63  }
.Ltmp1:
0x3d: {  	_ = 	snop;
	(pc) =	sbr.rel @p0 .LBB2_2-.Ltmp1, $4  }
0x3e: {  	s14 =	sadd.s32 $0x2900, s14  }
0x3f: {  	[spmem:s2] =	stream.indirect.scatter.add.f32 [tilespmem:s11], [sflag:$0x3], $0x40, s14, s8, $0xb8;
	[tilespmem:$0x16E00] =	vst v63  }
0x40: {  	_ =	swait.ge [sflag:s5], $0x4000  }
0x41: {  	[sflag:s5] =	ssyncset.done $0x0  }
0x42: {  	[sflag:s5] =	ssyncadd.s32 $0xFFFFC000;
	s24 =	simm.s32 $0x1  }
0x43: {  	_ =	swait.ge [sflag:s24], $0x4000  }
0x44: {  	s25 =	simm.s32 $0x100;
	[sflag:s24] =	ssyncset.done $0x0  }
0x45: {  	s8 =	simm.s32 $0x2700;
	s9 =	simm.s32 $0x9000;
	[sflag:s24] =	ssyncadd.s32 $0xFFFFC000  }
0x46: {  	[tilespmem:s9], [sflag:$0x2] =	stream.indirect.gather [hbm4b:s6+s25], $0x40, s8, s25, $0xb8;
	[tilespmem:$0x16E00] =	vst v63  }
0x47: {  	s26 =	simm.s32 $0x4E00;
	s28 =	simm.s32 $0x5000;
	s29 =	simm.s32 $0x3  }
0x48: {  	[spmem:s2] =	stream.indirect.scatter.add.f32 [tilespmem:s28], [sflag:$0x3], $0x40, s26, s25, $0xb8;
	[tilespmem:$0x16E00] =	vst v63  }
0x49: {  	_ =	swait.ge [sflag:s29], $0x4000  }
0x4a: {  	[sflag:s29] =	ssyncset.done $0x0  }
0x4b: {  	s30 =	simm.s32 $0x2;
	[sflag:s29] =	ssyncadd.s32 $0xFFFFC000  }
0x4c: {  	_ =	swait.ge [sflag:s30], $0x4000  }
0x4d: {  	[sflag:s30] =	ssyncset.done $0x0  }
0x4e: {  	s31 =	simm.s32 $0x4F00;
	[sflag:s30] =	ssyncadd.s32 $0xFFFFC000  }
0x4f: {  	[spmem:s2] =	stream.indirect.scatter.add.f32 [tilespmem:s9], [sflag:$0x3], $0x40, s31, s25, $0xb8;
	[tilespmem:$0x16E00] =	vst v63  }
0x50: {  	_ =	swait.ge [sflag:s29], $0x4000  }
0x51: {  	[sflag:s29] =	ssyncset.done $0x0  }
0x52: {  	[sflag:s29] =	ssyncadd.s32 $0xFFFFC000  }
0x53: {  	[bflag:$0x0] =	sbarrier.arrive $0xFFFF  }
0x54: {  	[hbm:s7], [sflag:s3] =	dma.local [spmem:s4], $0x13C0  }
0x55: {  	_ =	swait.ge [sflag:s29], $0x13C0  }
0x56: {  	[sflag:s29] =	ssyncset.done $0x0  }
0x57: {  	[sflag:s29] =	ssyncadd.s32 $0xFFFFEC40  }
.LBB2_4:
0x58: {  	_ =	sfence.sel $0x180000  }
0x59: {  	[bflag:$0x0] =	sbarrier.arrive $0xFFFF  }
0x5a: {  	p0 =	sne.s32 s1, $0x0;
	_ =	strace $0x9000004D  }
0x5b: {  	s0 =	sadd.s32 @!p0 $0x100000, s0;
	[bflag:$0x2] =	sbarrier.arrive $0xFFFF  }
0x5c: {  	[sflag:s0] =	ssyncadd.tile.s32 @!p0 $0x1;
	_ =	shalt  }
.Lfunc_end2:
_tile_overlayer_lowered:
.L_overlay_start_2:
0x5d: {  	(tag) =	ssettag $0x2  }
0x5e: {  	s0 =	rddreg [dreg:$0x0];
	s2 =	stileid.u32  }
0x5f: {  	s1 =	rddreg [dreg:$0x1];
	p0 =	sne.s32 s2, $0x0  }
0x60: {  	s3 =	rddreg [dreg:$0x2];
	[bflag:$0x3] =	sbarrier.arrive $0xFFFF;
	s2 =	simm.s32 @!p0 $0x1C03  }
0x61: {  	[timem:s3], [sflag:s2] =	dma.local @!p0 [hbm:s0], s1  }
0x62: {  	s0 =	simm.s32 @!p0 $0x3  }
0x63: {  	_ =	swait.ge @!p0 [sflag:s0], s1  }
0x64: {  	s1 =	ssub.s32 @!p0 $0x0, s1;
	[sflag:s0] =	ssyncset.done @!p0 $0x0  }
0x65: {  	[sflag:s0] =	ssyncadd.s32 @!p0 s1  }
0x66: {  	[bflag:$0x3] =	sbarrier.arrive $0xFFFF  }
0x67: {  	_ =	shalt  }

// kernel: kernel.28.cloned.1.call-start
scs
__scs_entry_jumppad:
0x0: {  	(pc) =	sbr.rel $0x88, $3  }
0x1: {  	(tag) =	ssettag $0x0;
	lr =	simm.s32 $0x1  }
0x2: {  	[smem:$0x3F9D] =	sst lr;
	_ =	strace $0xD0000000  }
0x3: {  	_ = 	snop  }
0x4: {  	_ = 	snop  }
0x5: {  	_ = 	snop  }
0x6: {  	_ = 	snop  }
0x7: {  	_ = 	snop  }
__scs_overlays_trampoline_lowered:
0x8: {  	[smem:$0x3FAC] =	sst s0  }
0x9: {  	[smem:$0x3FAD] =	sst s1  }
0xa: {  	[smem:$0x3FAE] =	sst s2  }
0xb: {  	[smem:$0x3FAF] =	sst s3  }
0xc: {  	[smem:$0x3FB0] =	sst s4  }
0xd: {  	[smem:$0x3FB1] =	sst s5  }
0xe: {  	[smem:$0x3FB2] =	sst s6  }
0xf: {  	[smem:$0x3FB3] =	sst s7  }
0x10: {  	[smem:$0x3FB4] =	sst s8  }
0x11: {  	[smem:$0x3FB5] =	sst s9;
	s0 =	simm.s32 @!p0 $0x0  }
0x12: {  	s1 =	sld [smem:$0x3F9B];
	s0 =	simm.s32 @p0 $0x1  }
0x13: {  	[smem:$0x3FB6] =	sst s0;
	s0 =	simm.s32 @!p1 $0x0  }
0x14: {  	s2 =	sld [smem:$0x3F9A];
	s0 =	simm.s32 @p1 $0x1  }
0x15: {  	[smem:$0x3FB7] =	sst s0;
	s0 =	simm.s32 @!p2 $0x0  }
0x16: {  	s3 =	sld [smem:$0x3FDB];
	s0 =	simm.s32 @p2 $0x1  }
0x17: {  	s4 =	simm.s32 $0x1BF5;
	[smem:$0x3FB9] =	sst s0  }
0x18: {  	s0 =	sld [smem:$0x3F9C];
	_ =	swait.ge [sflag:s4], $0x0  }
0x19: {  	s7 =	sld [smem:$0x3F9D]  }
0x1a: {  	s8 =	sadd.s32 $0xFFFFE003, lr  }
0x1b: {  	s9 =	sadd.s32 $0xFFFFFEF7, lr;
	s5 =	simm.s32 $0xFFFFFFFF;
	p2 =	slt.u32 s8, $0xFFFFF086  }
0x1c: {  	p1 =	slt.u32 s9, $0xF7A;
	s5 =	simm.s32 @!p2 $0x0  }
0x1d: {  	s5 =	simm.s32 @p1 $0x1;
	p0 =	seq.s32 s7, s2  }
0x1e: {  	s7 =	smul.u32 @!p0 $0xF7A, s2;
	p2 =	seq.s32 @!p0 s5, $0x0  }
0x1f: {  	s9 =	smul.u32 $0xF7A, s1;
	s8 =	simm.s32 @!p0 $0x1BF5;
	p2 =	por !p2, p0  }
0x20: {  	[sflag:s8] =	ssyncset.s32 @!p0 $0xFFFFF086;
	s6 =	sadd.s32 @!p0 s3, s7;
	s7 =	simm.s32 @!p0 $0x108  }
0x21: {  	s3 =	sadd.s32 s3, s9;
	s6 =	sadd.s32 @!p0 $0x88, s6;
	s7 =	simm.s32 @p2 $0x1082  }
0x22: {  	[simem:s7], [sflag:s8] =	dma.local @!p0 [hbm:s6], $0xF7A  }
0x23: {  	s9 =	sor.u32 $0xD0000000, s2;
	s6 =	simm.s32 $0x108;
	_ =	swait.ge @!p0 [sflag:s8], $0x0  }
0x24: {  	s3 =	sadd.s32 $0x88, s3;
	s6 =	simm.s32 @!p1 $0x1082;
	[sflag:s4] =	ssyncset.s32 $0xFFFFF086  }
0x25: {  	[simem:s6], [sflag:s4] =	dma.local [hbm:s3], $0xF7A  }
0x26: {  	[smem:$0x3F9D] =	sst s1;
	(tag) =	ssettag s2;
	_ =	strace s9  }
0x27: {  	s1 =	sld [smem:$0x3FAD]  }
0x28: {  	s2 =	sld [smem:$0x3FAE]  }
0x29: {  	s4 =	sld [smem:$0x3FB0]  }
0x2a: {  	p0 =	seq.s32 s5, $0x0;
	s5 =	sld [smem:$0x3FB1]  }
0x2b: {  	s6 =	sld [smem:$0x3FB2]  }
0x2c: {  	s7 =	sld [smem:$0x3FB3]  }
0x2d: {  	s3 =	simm.s32 $0x108;
	s8 =	sld [smem:$0x3FB4]  }
0x2e: {  	s3 =	simm.s32 @!p0 $0x1082;
	s9 =	sld [smem:$0x3FB5]  }
0x2f: {  	lr =	sadd.s32 s0, s3;
	s0 =	sld [smem:$0x3FAC]  }
0x30: {  	s3 =	sld [smem:$0x3FAF]  }
0x31: {  	[smem:$0x3FB8] =	sst s10  }
0x32: {  	s10 =	sld [smem:$0x3FB6];
	_ =	sdelay $0x3  }
0x33: {  	p0 =	seq.s32 s10, $0x1;
	s10 =	sld [smem:$0x3FB8];
	_ =	sdelay $0x3  }
0x34: {  	[smem:$0x3FB8] =	sst s10  }
0x35: {  	s10 =	sld [smem:$0x3FB7];
	_ =	sdelay $0x3  }
0x36: {  	p1 =	seq.s32 s10, $0x1;
	s10 =	sld [smem:$0x3FB8];
	_ =	sdelay $0x3  }
0x37: {  	[smem:$0x3FB8] =	sst s10  }
0x38: {  	s10 =	sld [smem:$0x3FB9]  }
0x39: {  	_ = 	snop;
	(pc) =	sbr.ind lr, $3  }
0x3a: {  	_ = 	snop  }
0x3b: {  	_ = 	snop  }
0x3c: {  	p2 =	seq.s32 s10, $0x1;
	s10 =	sld [smem:$0x3FB8]  }
0x3d: {  	_ =	shalt  }
0x3e: {  	_ =	shalt  }
0x3f: {  	_ =	shalt  }
0x40: {  	_ =	shalt  }
0x41: {  	_ =	shalt  }
0x42: {  	_ =	shalt  }
0x43: {  	_ =	shalt  }
0x44: {  	_ =	shalt  }
0x45: {  	_ =	shalt  }
0x46: {  	_ =	shalt  }
0x47: {  	_ =	shalt  }
0x48: {  	_ =	shalt  }
0x49: {  	_ =	shalt  }
0x4a: {  	_ =	shalt  }
0x4b: {  	_ =	shalt  }
0x4c: {  	_ =	shalt  }
0x4d: {  	_ =	shalt  }
0x4e: {  	_ =	shalt  }
0x4f: {  	_ =	shalt  }
0x50: {  	_ =	shalt  }
0x51: {  	_ =	shalt  }
0x52: {  	_ =	shalt  }
0x53: {  	_ =	shalt  }
0x54: {  	_ =	shalt  }
0x55: {  	_ =	shalt  }
0x56: {  	_ =	shalt  }
0x57: {  	_ =	shalt  }
0x58: {  	_ =	shalt  }
0x59: {  	_ =	shalt  }
0x5a: {  	_ =	shalt  }
0x5b: {  	_ =	shalt  }
0x5c: {  	_ =	shalt  }
0x5d: {  	_ =	shalt  }
0x5e: {  	_ =	shalt  }
0x5f: {  	_ =	shalt  }
0x60: {  	_ =	shalt  }
0x61: {  	_ =	shalt  }
0x62: {  	_ =	shalt  }
0x63: {  	_ =	shalt  }
0x64: {  	_ =	shalt  }
0x65: {  	_ =	shalt  }
0x66: {  	_ =	shalt  }
0x67: {  	_ =	shalt  }
0x68: {  	_ =	shalt  }
0x69: {  	_ =	shalt  }
0x6a: {  	_ =	shalt  }
0x6b: {  	_ =	shalt  }
0x6c: {  	_ =	shalt  }
0x6d: {  	_ =	shalt  }
0x6e: {  	_ =	shalt  }
0x6f: {  	_ =	shalt  }
0x70: {  	_ =	shalt  }
0x71: {  	_ =	shalt  }
0x72: {  	_ =	shalt  }
0x73: {  	_ =	shalt  }
0x74: {  	_ =	shalt  }
0x75: {  	_ =	shalt  }
0x76: {  	_ =	shalt  }
0x77: {  	_ =	shalt  }
0x78: {  	_ =	shalt  }
0x79: {  	_ =	shalt  }
0x7a: {  	_ =	shalt  }
0x7b: {  	_ =	shalt  }
0x7c: {  	_ =	shalt  }
0x7d: {  	_ =	shalt  }
0x7e: {  	_ =	shalt  }
0x7f: {  	_ =	shalt  }
0x80: {  	_ =	shalt  }
0x81: {  	_ =	shalt  }
0x82: {  	_ =	shalt  }
0x83: {  	_ =	shalt  }
0x84: {  	_ =	shalt  }
0x85: {  	_ =	shalt  }
0x86: {  	_ =	shalt  }
0x87: {  	_ =	shalt  }
.Lfunc_end0:
.L_simem_size_0:
called_computation.4_lowered:
.L_overlay_start_0:
0x88: {  	s2 =	sld [smem:$0x3FD9]  }
0x89: {  	s3 =	sld [smem:$0x3FFE];
	_ =	sdelay $0x1  }
0x8a: {  	s1 =	srdreg.scid  }
0x8b: {  	s0 =	sand.u32 $0x1, s1  }
0x8c: {  	s14 =	sshll.u32 s0, $0xA;
	s2 =	sadd.s32 s3, s2  }
0x8d: {  	s2 =	sadd.s32 s2, s14  }
0x8e: {  	[smem:$0x3FC4] =	sst s2  }
0x8f: {  	_ = 	snop  }
0x90: {  	s2 =	sld [smem:$0x3FD0];
	_ =	sdelay $0x2  }
0x91: {  	s15 =	simm.s32 $0xB;
	s4 =	simm.s32 $0x10  }
0x92: {  	[smem:s4], [sflag:s15] =	dma.local [hbm:s2], $0x1  }
0x93: {  	_ =	swait.eq [sflag:s15], $0x1  }
0x94: {  	[sflag:s15] =	ssyncset.done $0x0  }
0x95: {  	[sflag:s15] =	ssyncadd.s32 $0xFFFFFFFF  }
0x96: {  	s16 =	sld [smem:$0x10];
	(tm) =	ssettm $0x1  }
0x97: {  	s17 =	sld [smem:$0x3FFB];
	_ =	sdelay $0x3  }
0x98: {  	_ =	strace s17  }
0x99: {  	s3 =	sld [smem:$0x3FFC];
	_ =	sdelay $0x3  }
0x9a: {  	_ =	strace s3  }
0x9b: {  	s3 =	sld [smem:$0x3FFD];
	_ =	sdelay $0x3  }
0x9c: {  	_ =	strace s3  }
0x9d: {  	_ =	strace $0x8FFFFFFF  }
0x9e: {  	s18 =	sld [smem:$0x3FDB];
	_ =	sdelay $0x1  }
0x9f: {  	s19 =	simm.s32 $_scs_section_size  }
0xa0: {  	s5 =	simm.s32 $_size__tile_overlayer_lowered;
	s6 =	simm.s32 $_tile_overlayer_lowered  }
0xa1: {  	s22 =	simm.s32 $0x1BFF;
	s21 =	sshll.u32 s6, $0x1;
	s3 =	sadd.s32 s19, s18  }
0xa2: {  	s7 =	simm.s32 $0x0;
	s20 =	sshll.u32 s5, $0x1;
	s5 =	sadd.s32 s21, s3  }
0xa3: {  	[timem:s7], [sflag:s22] =	dma.local [hbm:s5], s20  }
0xa4: {  	_ =	swait.ge [sflag:s22], s20  }
0xa5: {  	s4 =	ssub.s32 $0x0, s20;
	[sflag:s22] =	ssyncset.done $0x0  }
0xa6: {  	[sflag:s22] =	ssyncadd.s32 s4;
	_ =	sdelay $0x1  }
0xa7: {  	s23 =	simm.s32 $0x1B8B  }
0xa8: {  	_ =	swait.ge [sflag:s23], $0x1  }
0xa9: {  	[sflag:s23] =	ssyncset.done $0x0  }
0xaa: {  	s25 =	simm.s32 $0x1B8E;
	s24 =	sld [smem:$0x3FFE];
	[sflag:s23] =	ssyncadd.s32 $0xFFFFFFFF  }
0xab: {  	s26 =	simm.s32 $execute0_lowered;
	[smem:$0x3FD2] =	sst s25  }
0xac: {  	s5 =	sshll.u32 s26, $0x1;
	_ =	strace $0x8000004F;
	[dreg:$0x1] =	wrdreg $0xFFFFFFFF  }
0xad: {  	s28 =	simm.s32 $_size_execute0_lowered;
	s3 =	sadd.s32 s3, s5;
	[dreg:$0x0] =	wrdreg $0x0  }
0xae: {  	s5 =	sshll.u32 s28, $0x1;
	[dreg:$0x2] =	wrdreg s3  }
0xaf: {  	[dreg:$0x3] =	wrdreg s5  }
0xb0: {  	[dreg:$0x4] =	wrdreg $0xC0  }
0xb1: {  	_ =	task [dreg:s7], $0x5FFFF  }
0xb2: {  	[dreg:$0x1] =	wrdreg $0xFFFFFFFF  }
0xb3: {  	[dreg:$0x0] =	wrdreg $0x60  }
0xb4: {  	[dreg:$0x2] =	wrdreg s24  }
0xb5: {  	[dreg:$0x3] =	wrdreg s16  }
0xb6: {  	[dreg:$0x4] =	wrdreg $0xD0000  }
0xb7: {  	[dreg:$0x5] =	wrdreg $0x9  }
0xb8: {  	_ =	task.clear_ibuf [dreg:s7], $0x6FFFF;
	_ =	strace $0x9000004F  }
0xb9: {  	s29 =	simm.s32 $0x9;
	_ =	strace $0x80000051  }
0xba: {  	_ =	swait.ge [sflag:s29], $0x1  }
0xbb: {  	[sflag:s29] =	ssyncadd.s32 $0xFFFFFFFF  }
0xbc: {  	_ =	strace $0x90000051  }
0xbd: {  	_ =	sfence  }
0xbe: {  	s30 =	sld [smem:$0x0];
	_ =	sdelay $0x2  }
0xbf: {  	s31 =	sshll.u32 s1, $0xD;
	s1 =	sshrl.u32 s1, $0x2  }
0xc0: {  	s3 =	sand.u32 $0x4000, s31;
	s1 =	sadd.s32 s1, s30  }
0xc1: {  	s0 =	sor.u32 s3, s0;
	s1 =	sshll.u32 s1, $0x11  }
0xc2: {  	s0 =	sor.u32 s1, s0  }
0xc3: {  	s0 =	sadd.s32 $0x8F2B, s0  }
0xc4: {  	[sflag:s0] =	ssyncadd.remote.s32 $0x1  }
0xc5: {  	_ =	sfence.sel $0xFFFF  }
0xc6: {  	[dreg:$0x0] =	wrdreg $0xFFFFFFFF;
	(pc) =	sbr.abs _section_cstart, $3  }
0xc7: {  	[dreg:$0x1] =	wrdreg $0xFFFFFFFF  }
0xc8: {  	_ =	task.clear_ibuf [dreg:s7], $0x2FFFF;
	_ =	strace $0x9FFFFFFF  }
0xc9: {  	(tm) =	ssettm $0x7FFFFFFF  }
tec
execute0_lowered:
.L_overlay_start_1:
0x0: {  	(tag) =	ssettag $0x1  }
0x1: {  	s1 =	srdreg.scid  }
0x2: {  	s1 =	sand.u32 $0x1, s1  }
0x3: {  	p0 =	seq.s32 s1, $0x1  }
.Ltmp0:
0x4: {  	s7 =	rddreg [dreg:$0x0];
	(pc) =	sbr.rel @p0 .LBB2_4-.Ltmp0, $4  }
0x5: {  	s3 =	rddreg [dreg:$0x1]  }
0x6: {  	s2 =	rddreg [dreg:$0x2];
	s10 =	simm.s32 $0x0  }
0x7: {  	[smem:$0x7FF] =	sst s10  }
0x8: {  	s0 =	rddreg [dreg:$0x3];
	_ =	strace $0x80000050;
	s1 =	stileid.u32  }
0x9: {  	s4 =	smul.u32 $0x500, s1  }
0xa: {  	s5 =	sadd.s32 $0x1A600, s7  }
0xb: {  	s5 =	sadd.s32 s5, s4  }
0xc: {  	[tilespmem:s10], [sflag:$0x3] =	stream.linear.gather [hbm4b:s5+s10], $0x2800, $0x38;
	[tilespmem:$0x16E00] =	vst v63  }
0xd: {  	s5 =	simm.s32 $0x3  }
0xe: {  	_ =	swait.ge [sflag:s5], $0x2800  }
0xf: {  	s6 =	sadd.s32 $0x15600, s7;
	s8 =	smul.u32 $0x9E00, s1;
	[sflag:s5] =	ssyncset.done $0x0  }
0x10: {  	s24 =	simm.s32 $0x2800;
	s4 =	sadd.s32 s6, s4;
	[sflag:s5] =	ssyncadd.s32 $0xFFFFD800  }
0x11: {  	[tilespmem:s24], [sflag:$0x3] =	stream.linear.gather [hbm4b:s4+s10], $0x2800, $0x38;
	[tilespmem:$0x16E00] =	vst v63  }
0x12: {  	s28 =	sshll.u32 s1, $0x6;
	s13 =	sshrl.u32 s8, $0x3;
	_ =	swait.ge [sflag:s5], $0x2800  }
0x13: {  	s25 =	sadd.s32 s8, s2;
	s26 =	sadd.s32 s3, s13;
	[sflag:s5] =	ssyncset.done $0x0  }
0x14: {  	s3 =	sor.u32 $0x1C03, s28;
	s4 =	sshrl.u32 s25, $0x3;
	[sflag:s5] =	ssyncadd.s32 $0xFFFFD800  }
0x15: {  	[spmem:s4], [sflag:s3] =	dma.local [hbm:s26], $0x13C0  }
0x16: {  	_ =	swait.ge [sflag:s5], $0x13C0  }
0x17: {  	[sflag:s5] =	ssyncset.done $0x0  }
0x18: {  	s9 =	simm.s32 $0x5000;
	[sflag:s5] =	ssyncadd.s32 $0xFFFFEC40  }
0x19: {  	s6 =	sadd.s32 $0x1C00, s7;
	s8 =	simm.s32 $0x100;
	[bflag:$0x0] =	sbarrier.arrive $0xFFFF  }
0x1a: {  	[tilespmem:s9], [sflag:$0x1] =	stream.indirect.gather [hbm4b:s6+s8], $0x40, s10, s8, $0xb8;
	[tilespmem:$0x16E00] =	vst v63  }
0x1b: {  	s10 =	simm.s32 $0x1  }
0x1c: {  	_ =	swait.ge [sflag:s10], $0x4000  }
0x1d: {  	[sflag:s10] =	ssyncset.done $0x0  }
0x1e: {  	s11 =	simm.s32 $0x9000;
	s12 =	simm.s32 $0x100;
	[sflag:s10] =	ssyncadd.s32 $0xFFFFC000  }
0x1f: {  	[tilespmem:s11], [sflag:$0x2] =	stream.indirect.gather [hbm4b:s6+s8], $0x40, s12, s8, $0xb8;
	[tilespmem:$0x16E00] =	vst v63  }
0x20: {  	s29 =	simm.s32 $0x2800  }
0x21: {  	[spmem:s2] =	stream.indirect.scatter.add.f32 [tilespmem:s9], [sflag:$0x3], $0x40, s29, s8, $0xb8;
	[tilespmem:$0x16E00] =	vst v63  }
0x22: {  	_ =	swait.ge [sflag:s5], $0x4000  }
0x23: {  	[sflag:s5] =	ssyncset.done $0x0  }
0x24: {  	s12 =	simm.s32 $0x2;
	[sflag:s5] =	ssyncadd.s32 $0xFFFFC000  }
0x25: {  	_ =	swait.ge [sflag:s12], $0x4000  }
0x26: {  	[sflag:s12] =	ssyncset.done $0x0  }
0x27: {  	s14 =	simm.s32 $0x200;
	[sflag:s12] =	ssyncadd.s32 $0xFFFFC000  }
0x28: {  	[tilespmem:s9], [sflag:$0x1] =	stream.indirect.gather [hbm4b:s6+s8], $0x40, s14, s8, $0xb8;
	[tilespmem:$0x16E00] =	vst v63  }
0x29: {  	s30 =	simm.s32 $0x2900  }
0x2a: {  	[spmem:s2] =	stream.indirect.scatter.add.f32 [tilespmem:s11], [sflag:$0x3], $0x40, s30, s8, $0xb8;
	[tilespmem:$0x16E00] =	vst v63  }
0x2b: {  	s31 =	sadd.s32 s13, s7;
	_ =	swait.ge [sflag:s5], $0x4000  }
0x2c: {  	s13 =	simm.s32 $0x800;
	s7 =	sadd.s32 $0x1F600, s31;
	[sflag:s5] =	ssyncset.done $0x0  }
.LBB2_2:
0x2d: {  	p0 =	sne.s32 s13, $0x9000  }
0x2e: {  	[sflag:s5] =	ssyncadd.s32 $0xFFFFC000;
	s14 =	smov.u32 s13;
	s13 =	sadd.s32 $0x800, s13  }
0x2f: {  	_ = 	snop  }
0x30: {  	_ =	swait.ge [sflag:s10], $0x4000  }
0x31: {  	s14 =	sshra.s32 s14, $0x2;
	[sflag:s10] =	ssyncset.done $0x0  }
0x32: {  	s15 =	sadd.s32 $0x100, s14;
	[sflag:s10] =	ssyncadd.s32 $0xFFFFC000  }
0x33: {  	[tilespmem:s11], [sflag:$0x2] =	stream.indirect.gather [hbm4b:s6+s8], $0x40, s15, s8, $0xb8;
	[tilespmem:$0x16E00] =	vst v63  }
0x34: {  	s15 =	sadd.s32 $0x2800, s14  }
0x35: {  	[spmem:s2] =	stream.indirect.scatter.add.f32 [tilespmem:s9], [sflag:$0x3], $0x40, s15, s8, $0xb8;
	[tilespmem:$0x16E00] =	vst v63  }
0x36: {  	_ =	swait.ge [sflag:s5], $0x4000  }
0x37: {  	[sflag:s5] =	ssyncset.done $0x0  }
0x38: {  	[sflag:s5] =	ssyncadd.s32 $0xFFFFC000  }
0x39: {  	_ =	swait.ge [sflag:s12], $0x4000  }
0x3a: {  	[sflag:s12] =	ssyncset.done $0x0  }
0x3b: {  	s15 =	sadd.s32 $0x200, s14;
	[sflag:s12] =	ssyncadd.s32 $0xFFFFC000  }
0x3c: {  	[tilespmem:s9], [sflag:$0x1] =	stream.indirect.gather [hbm4b:s6+s8], $0x40, s15, s8, $0xb8;
	[tilespmem:$0x16E00] =	vst v63  }
.Ltmp1:
0x3d: {  	_ = 	snop;
	(pc) =	sbr.rel @p0 .LBB2_2-.Ltmp1, $4  }
0x3e: {  	s14 =	sadd.s32 $0x2900, s14  }
0x3f: {  	[spmem:s2] =	stream.indirect.scatter.add.f32 [tilespmem:s11], [sflag:$0x3], $0x40, s14, s8, $0xb8;
	[tilespmem:$0x16E00] =	vst v63  }
0x40: {  	_ =	swait.ge [sflag:s5], $0x4000  }
0x41: {  	[sflag:s5] =	ssyncset.done $0x0  }
0x42: {  	[sflag:s5] =	ssyncadd.s32 $0xFFFFC000;
	s24 =	simm.s32 $0x1  }
0x43: {  	_ =	swait.ge [sflag:s24], $0x4000  }
0x44: {  	s25 =	simm.s32 $0x100;
	[sflag:s24] =	ssyncset.done $0x0  }
0x45: {  	s8 =	simm.s32 $0x2700;
	s9 =	simm.s32 $0x9000;
	[sflag:s24] =	ssyncadd.s32 $0xFFFFC000  }
0x46: {  	[tilespmem:s9], [sflag:$0x2] =	stream.indirect.gather [hbm4b:s6+s25], $0x40, s8, s25, $0xb8;
	[tilespmem:$0x16E00] =	vst v63  }
0x47: {  	s26 =	simm.s32 $0x4E00;
	s28 =	simm.s32 $0x5000;
	s29 =	simm.s32 $0x3  }
0x48: {  	[spmem:s2] =	stream.indirect.scatter.add.f32 [tilespmem:s28], [sflag:$0x3], $0x40, s26, s25, $0xb8;
	[tilespmem:$0x16E00] =	vst v63  }
0x49: {  	_ =	swait.ge [sflag:s29], $0x4000  }
0x4a: {  	[sflag:s29] =	ssyncset.done $0x0  }
0x4b: {  	s30 =	simm.s32 $0x2;
	[sflag:s29] =	ssyncadd.s32 $0xFFFFC000  }
0x4c: {  	_ =	swait.ge [sflag:s30], $0x4000  }
0x4d: {  	[sflag:s30] =	ssyncset.done $0x0  }
0x4e: {  	s31 =	simm.s32 $0x4F00;
	[sflag:s30] =	ssyncadd.s32 $0xFFFFC000  }
0x4f: {  	[spmem:s2] =	stream.indirect.scatter.add.f32 [tilespmem:s9], [sflag:$0x3], $0x40, s31, s25, $0xb8;
	[tilespmem:$0x16E00] =	vst v63  }
0x50: {  	_ =	swait.ge [sflag:s29], $0x4000  }
0x51: {  	[sflag:s29] =	ssyncset.done $0x0  }
0x52: {  	[sflag:s29] =	ssyncadd.s32 $0xFFFFC000  }
0x53: {  	[bflag:$0x0] =	sbarrier.arrive $0xFFFF  }
0x54: {  	[hbm:s7], [sflag:s3] =	dma.local [spmem:s4], $0x13C0  }
0x55: {  	_ =	swait.ge [sflag:s29], $0x13C0  }
0x56: {  	[sflag:s29] =	ssyncset.done $0x0  }
0x57: {  	[sflag:s29] =	ssyncadd.s32 $0xFFFFEC40  }
.LBB2_4:
0x58: {  	_ =	sfence.sel $0x180000  }
0x59: {  	[bflag:$0x0] =	sbarrier.arrive $0xFFFF  }
0x5a: {  	p0 =	sne.s32 s1, $0x0;
	_ =	strace $0x90000050  }
0x5b: {  	s0 =	sadd.s32 @!p0 $0x100000, s0;
	[bflag:$0x2] =	sbarrier.arrive $0xFFFF  }
0x5c: {  	[sflag:s0] =	ssyncadd.tile.s32 @!p0 $0x1;
	_ =	shalt  }
.Lfunc_end2:
_tile_overlayer_lowered:
.L_overlay_start_2:
0x5d: {  	(tag) =	ssettag $0x2  }
0x5e: {  	s0 =	rddreg [dreg:$0x0];
	s2 =	stileid.u32  }
0x5f: {  	s1 =	rddreg [dreg:$0x1];
	p0 =	sne.s32 s2, $0x0  }
0x60: {  	s3 =	rddreg [dreg:$0x2];
	[bflag:$0x3] =	sbarrier.arrive $0xFFFF;
	s2 =	simm.s32 @!p0 $0x1C03  }
0x61: {  	[timem:s3], [sflag:s2] =	dma.local @!p0 [hbm:s0], s1  }
0x62: {  	s0 =	simm.s32 @!p0 $0x3  }
0x63: {  	_ =	swait.ge @!p0 [sflag:s0], s1  }
0x64: {  	s1 =	ssub.s32 @!p0 $0x0, s1;
	[sflag:s0] =	ssyncset.done @!p0 $0x0  }
0x65: {  	[sflag:s0] =	ssyncadd.s32 @!p0 s1  }
0x66: {  	[bflag:$0x3] =	sbarrier.arrive $0xFFFF  }
0x67: {  	_ =	shalt  }

// kernel: kernel.31.cloned.1.call-start
scs
__scs_entry_jumppad:
0x0: {  	(pc) =	sbr.rel $0x88, $3  }
0x1: {  	(tag) =	ssettag $0x0;
	lr =	simm.s32 $0x1  }
0x2: {  	[smem:$0x3F9D] =	sst lr;
	_ =	strace $0xD0000000  }
0x3: {  	_ = 	snop  }
0x4: {  	_ = 	snop  }
0x5: {  	_ = 	snop  }
0x6: {  	_ = 	snop  }
0x7: {  	_ = 	snop  }
__scs_overlays_trampoline_lowered:
0x8: {  	[smem:$0x3FAC] =	sst s0  }
0x9: {  	[smem:$0x3FAD] =	sst s1  }
0xa: {  	[smem:$0x3FAE] =	sst s2  }
0xb: {  	[smem:$0x3FAF] =	sst s3  }
0xc: {  	[smem:$0x3FB0] =	sst s4  }
0xd: {  	[smem:$0x3FB1] =	sst s5  }
0xe: {  	[smem:$0x3FB2] =	sst s6  }
0xf: {  	[smem:$0x3FB3] =	sst s7  }
0x10: {  	[smem:$0x3FB4] =	sst s8  }
0x11: {  	[smem:$0x3FB5] =	sst s9;
	s0 =	simm.s32 @!p0 $0x0  }
0x12: {  	s1 =	sld [smem:$0x3F9B];
	s0 =	simm.s32 @p0 $0x1  }
0x13: {  	[smem:$0x3FB6] =	sst s0;
	s0 =	simm.s32 @!p1 $0x0  }
0x14: {  	s2 =	sld [smem:$0x3F9A];
	s0 =	simm.s32 @p1 $0x1  }
0x15: {  	[smem:$0x3FB7] =	sst s0;
	s0 =	simm.s32 @!p2 $0x0  }
0x16: {  	s3 =	sld [smem:$0x3FDB];
	s0 =	simm.s32 @p2 $0x1  }
0x17: {  	s4 =	simm.s32 $0x1BF5;
	[smem:$0x3FB9] =	sst s0  }
0x18: {  	s0 =	sld [smem:$0x3F9C];
	_ =	swait.ge [sflag:s4], $0x0  }
0x19: {  	s7 =	sld [smem:$0x3F9D]  }
0x1a: {  	s8 =	sadd.s32 $0xFFFFE003, lr  }
0x1b: {  	s9 =	sadd.s32 $0xFFFFFEF7, lr;
	s5 =	simm.s32 $0xFFFFFFFF;
	p2 =	slt.u32 s8, $0xFFFFF086  }
0x1c: {  	p1 =	slt.u32 s9, $0xF7A;
	s5 =	simm.s32 @!p2 $0x0  }
0x1d: {  	s5 =	simm.s32 @p1 $0x1;
	p0 =	seq.s32 s7, s2  }
0x1e: {  	s7 =	smul.u32 @!p0 $0xF7A, s2;
	p2 =	seq.s32 @!p0 s5, $0x0  }
0x1f: {  	s9 =	smul.u32 $0xF7A, s1;
	s8 =	simm.s32 @!p0 $0x1BF5;
	p2 =	por !p2, p0  }
0x20: {  	[sflag:s8] =	ssyncset.s32 @!p0 $0xFFFFF086;
	s6 =	sadd.s32 @!p0 s3, s7;
	s7 =	simm.s32 @!p0 $0x108  }
0x21: {  	s3 =	sadd.s32 s3, s9;
	s6 =	sadd.s32 @!p0 $0x88, s6;
	s7 =	simm.s32 @p2 $0x1082  }
0x22: {  	[simem:s7], [sflag:s8] =	dma.local @!p0 [hbm:s6], $0xF7A  }
0x23: {  	s9 =	sor.u32 $0xD0000000, s2;
	s6 =	simm.s32 $0x108;
	_ =	swait.ge @!p0 [sflag:s8], $0x0  }
0x24: {  	s3 =	sadd.s32 $0x88, s3;
	s6 =	simm.s32 @!p1 $0x1082;
	[sflag:s4] =	ssyncset.s32 $0xFFFFF086  }
0x25: {  	[simem:s6], [sflag:s4] =	dma.local [hbm:s3], $0xF7A  }
0x26: {  	[smem:$0x3F9D] =	sst s1;
	(tag) =	ssettag s2;
	_ =	strace s9  }
0x27: {  	s1 =	sld [smem:$0x3FAD]  }
0x28: {  	s2 =	sld [smem:$0x3FAE]  }
0x29: {  	s4 =	sld [smem:$0x3FB0]  }
0x2a: {  	p0 =	seq.s32 s5, $0x0;
	s5 =	sld [smem:$0x3FB1]  }
0x2b: {  	s6 =	sld [smem:$0x3FB2]  }
0x2c: {  	s7 =	sld [smem:$0x3FB3]  }
0x2d: {  	s3 =	simm.s32 $0x108;
	s8 =	sld [smem:$0x3FB4]  }
0x2e: {  	s3 =	simm.s32 @!p0 $0x1082;
	s9 =	sld [smem:$0x3FB5]  }
0x2f: {  	lr =	sadd.s32 s0, s3;
	s0 =	sld [smem:$0x3FAC]  }
0x30: {  	s3 =	sld [smem:$0x3FAF]  }
0x31: {  	[smem:$0x3FB8] =	sst s10  }
0x32: {  	s10 =	sld [smem:$0x3FB6];
	_ =	sdelay $0x3  }
0x33: {  	p0 =	seq.s32 s10, $0x1;
	s10 =	sld [smem:$0x3FB8];
	_ =	sdelay $0x3  }
0x34: {  	[smem:$0x3FB8] =	sst s10  }
0x35: {  	s10 =	sld [smem:$0x3FB7];
	_ =	sdelay $0x3  }
0x36: {  	p1 =	seq.s32 s10, $0x1;
	s10 =	sld [smem:$0x3FB8];
	_ =	sdelay $0x3  }
0x37: {  	[smem:$0x3FB8] =	sst s10  }
0x38: {  	s10 =	sld [smem:$0x3FB9]  }
0x39: {  	_ = 	snop;
	(pc) =	sbr.ind lr, $3  }
0x3a: {  	_ = 	snop  }
0x3b: {  	_ = 	snop  }
0x3c: {  	p2 =	seq.s32 s10, $0x1;
	s10 =	sld [smem:$0x3FB8]  }
0x3d: {  	_ =	shalt  }
0x3e: {  	_ =	shalt  }
0x3f: {  	_ =	shalt  }
0x40: {  	_ =	shalt  }
0x41: {  	_ =	shalt  }
0x42: {  	_ =	shalt  }
0x43: {  	_ =	shalt  }
0x44: {  	_ =	shalt  }
0x45: {  	_ =	shalt  }
0x46: {  	_ =	shalt  }
0x47: {  	_ =	shalt  }
0x48: {  	_ =	shalt  }
0x49: {  	_ =	shalt  }
0x4a: {  	_ =	shalt  }
0x4b: {  	_ =	shalt  }
0x4c: {  	_ =	shalt  }
0x4d: {  	_ =	shalt  }
0x4e: {  	_ =	shalt  }
0x4f: {  	_ =	shalt  }
0x50: {  	_ =	shalt  }
0x51: {  	_ =	shalt  }
0x52: {  	_ =	shalt  }
0x53: {  	_ =	shalt  }
0x54: {  	_ =	shalt  }
0x55: {  	_ =	shalt  }
0x56: {  	_ =	shalt  }
0x57: {  	_ =	shalt  }
0x58: {  	_ =	shalt  }
0x59: {  	_ =	shalt  }
0x5a: {  	_ =	shalt  }
0x5b: {  	_ =	shalt  }
0x5c: {  	_ =	shalt  }
0x5d: {  	_ =	shalt  }
0x5e: {  	_ =	shalt  }
0x5f: {  	_ =	shalt  }
0x60: {  	_ =	shalt  }
0x61: {  	_ =	shalt  }
0x62: {  	_ =	shalt  }
0x63: {  	_ =	shalt  }
0x64: {  	_ =	shalt  }
0x65: {  	_ =	shalt  }
0x66: {  	_ =	shalt  }
0x67: {  	_ =	shalt  }
0x68: {  	_ =	shalt  }
0x69: {  	_ =	shalt  }
0x6a: {  	_ =	shalt  }
0x6b: {  	_ =	shalt  }
0x6c: {  	_ =	shalt  }
0x6d: {  	_ =	shalt  }
0x6e: {  	_ =	shalt  }
0x6f: {  	_ =	shalt  }
0x70: {  	_ =	shalt  }
0x71: {  	_ =	shalt  }
0x72: {  	_ =	shalt  }
0x73: {  	_ =	shalt  }
0x74: {  	_ =	shalt  }
0x75: {  	_ =	shalt  }
0x76: {  	_ =	shalt  }
0x77: {  	_ =	shalt  }
0x78: {  	_ =	shalt  }
0x79: {  	_ =	shalt  }
0x7a: {  	_ =	shalt  }
0x7b: {  	_ =	shalt  }
0x7c: {  	_ =	shalt  }
0x7d: {  	_ =	shalt  }
0x7e: {  	_ =	shalt  }
0x7f: {  	_ =	shalt  }
0x80: {  	_ =	shalt  }
0x81: {  	_ =	shalt  }
0x82: {  	_ =	shalt  }
0x83: {  	_ =	shalt  }
0x84: {  	_ =	shalt  }
0x85: {  	_ =	shalt  }
0x86: {  	_ =	shalt  }
0x87: {  	_ =	shalt  }
.Lfunc_end0:
.L_simem_size_0:
called_computation.5_lowered:
.L_overlay_start_0:
0x88: {  	s2 =	sld [smem:$0x3FD9]  }
0x89: {  	s3 =	sld [smem:$0x3FFE];
	_ =	sdelay $0x1  }
0x8a: {  	s1 =	srdreg.scid  }
0x8b: {  	s0 =	sand.u32 $0x1, s1  }
0x8c: {  	s14 =	sshll.u32 s0, $0xA;
	s2 =	sadd.s32 s3, s2  }
0x8d: {  	s2 =	sadd.s32 s2, s14  }
0x8e: {  	[smem:$0x3FC4] =	sst s2  }
0x8f: {  	_ = 	snop  }
0x90: {  	s2 =	sld [smem:$0x3FD0];
	_ =	sdelay $0x2  }
0x91: {  	s15 =	simm.s32 $0xB;
	s4 =	simm.s32 $0x10  }
0x92: {  	[smem:s4], [sflag:s15] =	dma.local [hbm:s2], $0x1  }
0x93: {  	_ =	swait.eq [sflag:s15], $0x1  }
0x94: {  	[sflag:s15] =	ssyncset.done $0x0  }
0x95: {  	[sflag:s15] =	ssyncadd.s32 $0xFFFFFFFF  }
0x96: {  	s16 =	sld [smem:$0x10];
	(tm) =	ssettm $0x1  }
0x97: {  	s17 =	sld [smem:$0x3FFB];
	_ =	sdelay $0x3  }
0x98: {  	_ =	strace s17  }
0x99: {  	s3 =	sld [smem:$0x3FFC];
	_ =	sdelay $0x3  }
0x9a: {  	_ =	strace s3  }
0x9b: {  	s3 =	sld [smem:$0x3FFD];
	_ =	sdelay $0x3  }
0x9c: {  	_ =	strace s3  }
0x9d: {  	_ =	strace $0x8FFFFFFF  }
0x9e: {  	s18 =	sld [smem:$0x3FDB];
	_ =	sdelay $0x1  }
0x9f: {  	s19 =	simm.s32 $_scs_section_size  }
0xa0: {  	s5 =	simm.s32 $_size__tile_overlayer_lowered;
	s6 =	simm.s32 $_tile_overlayer_lowered  }
0xa1: {  	s22 =	simm.s32 $0x1BFF;
	s21 =	sshll.u32 s6, $0x1;
	s3 =	sadd.s32 s19, s18  }
0xa2: {  	s7 =	simm.s32 $0x0;
	s20 =	sshll.u32 s5, $0x1;
	s5 =	sadd.s32 s21, s3  }
0xa3: {  	[timem:s7], [sflag:s22] =	dma.local [hbm:s5], s20  }
0xa4: {  	_ =	swait.ge [sflag:s22], s20  }
0xa5: {  	s4 =	ssub.s32 $0x0, s20;
	[sflag:s22] =	ssyncset.done $0x0  }
0xa6: {  	[sflag:s22] =	ssyncadd.s32 s4;
	_ =	sdelay $0x1  }
0xa7: {  	s23 =	simm.s32 $0x1B8B  }
0xa8: {  	_ =	swait.ge [sflag:s23], $0x1  }
0xa9: {  	[sflag:s23] =	ssyncset.done $0x0  }
0xaa: {  	s25 =	simm.s32 $0x1B8E;
	s24 =	sld [smem:$0x3FFE];
	[sflag:s23] =	ssyncadd.s32 $0xFFFFFFFF  }
0xab: {  	s26 =	simm.s32 $execute0_lowered;
	[smem:$0x3FD2] =	sst s25  }
0xac: {  	s5 =	sshll.u32 s26, $0x1;
	_ =	strace $0x80000052;
	[dreg:$0x1] =	wrdreg $0xFFFFFFFF  }
0xad: {  	s28 =	simm.s32 $_size_execute0_lowered;
	s3 =	sadd.s32 s3, s5;
	[dreg:$0x0] =	wrdreg $0x0  }
0xae: {  	s5 =	sshll.u32 s28, $0x1;
	[dreg:$0x2] =	wrdreg s3  }
0xaf: {  	[dreg:$0x3] =	wrdreg s5  }
0xb0: {  	[dreg:$0x4] =	wrdreg $0xC0  }
0xb1: {  	_ =	task [dreg:s7], $0x5FFFF  }
0xb2: {  	[dreg:$0x1] =	wrdreg $0xFFFFFFFF  }
0xb3: {  	[dreg:$0x0] =	wrdreg $0x60  }
0xb4: {  	[dreg:$0x2] =	wrdreg s24  }
0xb5: {  	[dreg:$0x3] =	wrdreg s16  }
0xb6: {  	[dreg:$0x4] =	wrdreg $0xD0000  }
0xb7: {  	[dreg:$0x5] =	wrdreg $0xA  }
0xb8: {  	_ =	task.clear_ibuf [dreg:s7], $0x6FFFF;
	_ =	strace $0x90000052  }
0xb9: {  	s29 =	simm.s32 $0xA;
	_ =	strace $0x80000054  }
0xba: {  	_ =	swait.ge [sflag:s29], $0x1  }
0xbb: {  	[sflag:s29] =	ssyncadd.s32 $0xFFFFFFFF  }
0xbc: {  	_ =	strace $0x90000054  }
0xbd: {  	_ =	sfence  }
0xbe: {  	s30 =	sld [smem:$0x0];
	_ =	sdelay $0x2  }
0xbf: {  	s31 =	sshll.u32 s1, $0xD;
	s1 =	sshrl.u32 s1, $0x2  }
0xc0: {  	s3 =	sand.u32 $0x4000, s31;
	s1 =	sadd.s32 s1, s30  }
0xc1: {  	s0 =	sor.u32 s3, s0;
	s1 =	sshll.u32 s1, $0x11  }
0xc2: {  	s0 =	sor.u32 s1, s0  }
0xc3: {  	s0 =	sadd.s32 $0x8F2B, s0  }
0xc4: {  	[sflag:s0] =	ssyncadd.remote.s32 $0x1  }
0xc5: {  	_ =	sfence.sel $0xFFFF  }
0xc6: {  	[dreg:$0x0] =	wrdreg $0xFFFFFFFF;
	(pc) =	sbr.abs _section_cstart, $3  }
0xc7: {  	[dreg:$0x1] =	wrdreg $0xFFFFFFFF  }
0xc8: {  	_ =	task.clear_ibuf [dreg:s7], $0x2FFFF;
	_ =	strace $0x9FFFFFFF  }
0xc9: {  	(tm) =	ssettm $0x7FFFFFFF  }
tec
execute0_lowered:
.L_overlay_start_1:
0x0: {  	(tag) =	ssettag $0x1  }
0x1: {  	s1 =	srdreg.scid  }
0x2: {  	s1 =	sand.u32 $0x1, s1  }
0x3: {  	p0 =	seq.s32 s1, $0x1  }
.Ltmp0:
0x4: {  	s7 =	rddreg [dreg:$0x0];
	(pc) =	sbr.rel @p0 .LBB2_4-.Ltmp0, $4  }
0x5: {  	s3 =	rddreg [dreg:$0x1]  }
0x6: {  	s2 =	rddreg [dreg:$0x2];
	s10 =	simm.s32 $0x0  }
0x7: {  	[smem:$0x7FF] =	sst s10  }
0x8: {  	s0 =	rddreg [dreg:$0x3];
	_ =	strace $0x80000053;
	s1 =	stileid.u32  }
0x9: {  	s4 =	smul.u32 $0x500, s1  }
0xa: {  	s5 =	sadd.s32 $0x1A600, s7  }
0xb: {  	s5 =	sadd.s32 s5, s4  }
0xc: {  	[tilespmem:s10], [sflag:$0x3] =	stream.linear.gather [hbm4b:s5+s10], $0x2800, $0x38;
	[tilespmem:$0x16E00] =	vst v63  }
0xd: {  	s5 =	simm.s32 $0x3  }
0xe: {  	_ =	swait.ge [sflag:s5], $0x2800  }
0xf: {  	s6 =	sadd.s32 $0x15600, s7;
	s8 =	smul.u32 $0x9E00, s1;
	[sflag:s5] =	ssyncset.done $0x0  }
0x10: {  	s24 =	simm.s32 $0x2800;
	s4 =	sadd.s32 s6, s4;
	[sflag:s5] =	ssyncadd.s32 $0xFFFFD800  }
0x11: {  	[tilespmem:s24], [sflag:$0x3] =	stream.linear.gather [hbm4b:s4+s10], $0x2800, $0x38;
	[tilespmem:$0x16E00] =	vst v63  }
0x12: {  	s28 =	sshll.u32 s1, $0x6;
	s13 =	sshrl.u32 s8, $0x3;
	_ =	swait.ge [sflag:s5], $0x2800  }
0x13: {  	s25 =	sadd.s32 s8, s2;
	s26 =	sadd.s32 s3, s13;
	[sflag:s5] =	ssyncset.done $0x0  }
0x14: {  	s3 =	sor.u32 $0x1C03, s28;
	s4 =	sshrl.u32 s25, $0x3;
	[sflag:s5] =	ssyncadd.s32 $0xFFFFD800  }
0x15: {  	[spmem:s4], [sflag:s3] =	dma.local [hbm:s26], $0x13C0  }
0x16: {  	_ =	swait.ge [sflag:s5], $0x13C0  }
0x17: {  	[sflag:s5] =	ssyncset.done $0x0  }
0x18: {  	s9 =	simm.s32 $0x5000;
	[sflag:s5] =	ssyncadd.s32 $0xFFFFEC40  }
0x19: {  	s6 =	sadd.s32 $0x1C00, s7;
	s8 =	simm.s32 $0x100;
	[bflag:$0x0] =	sbarrier.arrive $0xFFFF  }
0x1a: {  	[tilespmem:s9], [sflag:$0x1] =	stream.indirect.gather [hbm4b:s6+s8], $0x40, s10, s8, $0xb8;
	[tilespmem:$0x16E00] =	vst v63  }
0x1b: {  	s10 =	simm.s32 $0x1  }
0x1c: {  	_ =	swait.ge [sflag:s10], $0x4000  }
0x1d: {  	[sflag:s10] =	ssyncset.done $0x0  }
0x1e: {  	s11 =	simm.s32 $0x9000;
	s12 =	simm.s32 $0x100;
	[sflag:s10] =	ssyncadd.s32 $0xFFFFC000  }
0x1f: {  	[tilespmem:s11], [sflag:$0x2] =	stream.indirect.gather [hbm4b:s6+s8], $0x40, s12, s8, $0xb8;
	[tilespmem:$0x16E00] =	vst v63  }
0x20: {  	s29 =	simm.s32 $0x2800  }
0x21: {  	[spmem:s2] =	stream.indirect.scatter.add.f32 [tilespmem:s9], [sflag:$0x3], $0x40, s29, s8, $0xb8;
	[tilespmem:$0x16E00] =	vst v63  }
0x22: {  	_ =	swait.ge [sflag:s5], $0x4000  }
0x23: {  	[sflag:s5] =	ssyncset.done $0x0  }
0x24: {  	s12 =	simm.s32 $0x2;
	[sflag:s5] =	ssyncadd.s32 $0xFFFFC000  }
0x25: {  	_ =	swait.ge [sflag:s12], $0x4000  }
0x26: {  	[sflag:s12] =	ssyncset.done $0x0  }
0x27: {  	s14 =	simm.s32 $0x200;
	[sflag:s12] =	ssyncadd.s32 $0xFFFFC000  }
0x28: {  	[tilespmem:s9], [sflag:$0x1] =	stream.indirect.gather [hbm4b:s6+s8], $0x40, s14, s8, $0xb8;
	[tilespmem:$0x16E00] =	vst v63  }
0x29: {  	s30 =	simm.s32 $0x2900  }
0x2a: {  	[spmem:s2] =	stream.indirect.scatter.add.f32 [tilespmem:s11], [sflag:$0x3], $0x40, s30, s8, $0xb8;
	[tilespmem:$0x16E00] =	vst v63  }
0x2b: {  	s31 =	sadd.s32 s13, s7;
	_ =	swait.ge [sflag:s5], $0x4000  }
0x2c: {  	s13 =	simm.s32 $0x800;
	s7 =	sadd.s32 $0x1F600, s31;
	[sflag:s5] =	ssyncset.done $0x0  }
.LBB2_2:
0x2d: {  	p0 =	sne.s32 s13, $0x9000  }
0x2e: {  	[sflag:s5] =	ssyncadd.s32 $0xFFFFC000;
	s14 =	smov.u32 s13;
	s13 =	sadd.s32 $0x800, s13  }
0x2f: {  	_ = 	snop  }
0x30: {  	_ =	swait.ge [sflag:s10], $0x4000  }
0x31: {  	s14 =	sshra.s32 s14, $0x2;
	[sflag:s10] =	ssyncset.done $0x0  }
0x32: {  	s15 =	sadd.s32 $0x100, s14;
	[sflag:s10] =	ssyncadd.s32 $0xFFFFC000  }
0x33: {  	[tilespmem:s11], [sflag:$0x2] =	stream.indirect.gather [hbm4b:s6+s8], $0x40, s15, s8, $0xb8;
	[tilespmem:$0x16E00] =	vst v63  }
0x34: {  	s15 =	sadd.s32 $0x2800, s14  }
0x35: {  	[spmem:s2] =	stream.indirect.scatter.add.f32 [tilespmem:s9], [sflag:$0x3], $0x40, s15, s8, $0xb8;
	[tilespmem:$0x16E00] =	vst v63  }
0x36: {  	_ =	swait.ge [sflag:s5], $0x4000  }
0x37: {  	[sflag:s5] =	ssyncset.done $0x0  }
0x38: {  	[sflag:s5] =	ssyncadd.s32 $0xFFFFC000  }
0x39: {  	_ =	swait.ge [sflag:s12], $0x4000  }
0x3a: {  	[sflag:s12] =	ssyncset.done $0x0  }
0x3b: {  	s15 =	sadd.s32 $0x200, s14;
	[sflag:s12] =	ssyncadd.s32 $0xFFFFC000  }
0x3c: {  	[tilespmem:s9], [sflag:$0x1] =	stream.indirect.gather [hbm4b:s6+s8], $0x40, s15, s8, $0xb8;
	[tilespmem:$0x16E00] =	vst v63  }
.Ltmp1:
0x3d: {  	_ = 	snop;
	(pc) =	sbr.rel @p0 .LBB2_2-.Ltmp1, $4  }
0x3e: {  	s14 =	sadd.s32 $0x2900, s14  }
0x3f: {  	[spmem:s2] =	stream.indirect.scatter.add.f32 [tilespmem:s11], [sflag:$0x3], $0x40, s14, s8, $0xb8;
	[tilespmem:$0x16E00] =	vst v63  }
0x40: {  	_ =	swait.ge [sflag:s5], $0x4000  }
0x41: {  	[sflag:s5] =	ssyncset.done $0x0  }
0x42: {  	[sflag:s5] =	ssyncadd.s32 $0xFFFFC000;
	s24 =	simm.s32 $0x1  }
0x43: {  	_ =	swait.ge [sflag:s24], $0x4000  }
0x44: {  	s25 =	simm.s32 $0x100;
	[sflag:s24] =	ssyncset.done $0x0  }
0x45: {  	s8 =	simm.s32 $0x2700;
	s9 =	simm.s32 $0x9000;
	[sflag:s24] =	ssyncadd.s32 $0xFFFFC000  }
0x46: {  	[tilespmem:s9], [sflag:$0x2] =	stream.indirect.gather [hbm4b:s6+s25], $0x40, s8, s25, $0xb8;
	[tilespmem:$0x16E00] =	vst v63  }
0x47: {  	s26 =	simm.s32 $0x4E00;
	s28 =	simm.s32 $0x5000;
	s29 =	simm.s32 $0x3  }
0x48: {  	[spmem:s2] =	stream.indirect.scatter.add.f32 [tilespmem:s28], [sflag:$0x3], $0x40, s26, s25, $0xb8;
	[tilespmem:$0x16E00] =	vst v63  }
0x49: {  	_ =	swait.ge [sflag:s29], $0x4000  }
0x4a: {  	[sflag:s29] =	ssyncset.done $0x0  }
0x4b: {  	s30 =	simm.s32 $0x2;
	[sflag:s29] =	ssyncadd.s32 $0xFFFFC000  }
0x4c: {  	_ =	swait.ge [sflag:s30], $0x4000  }
0x4d: {  	[sflag:s30] =	ssyncset.done $0x0  }
0x4e: {  	s31 =	simm.s32 $0x4F00;
	[sflag:s30] =	ssyncadd.s32 $0xFFFFC000  }
0x4f: {  	[spmem:s2] =	stream.indirect.scatter.add.f32 [tilespmem:s9], [sflag:$0x3], $0x40, s31, s25, $0xb8;
	[tilespmem:$0x16E00] =	vst v63  }
0x50: {  	_ =	swait.ge [sflag:s29], $0x4000  }
0x51: {  	[sflag:s29] =	ssyncset.done $0x0  }
0x52: {  	[sflag:s29] =	ssyncadd.s32 $0xFFFFC000  }
0x53: {  	[bflag:$0x0] =	sbarrier.arrive $0xFFFF  }
0x54: {  	[hbm:s7], [sflag:s3] =	dma.local [spmem:s4], $0x13C0  }
0x55: {  	_ =	swait.ge [sflag:s29], $0x13C0  }
0x56: {  	[sflag:s29] =	ssyncset.done $0x0  }
0x57: {  	[sflag:s29] =	ssyncadd.s32 $0xFFFFEC40  }
.LBB2_4:
0x58: {  	_ =	sfence.sel $0x180000  }
0x59: {  	[bflag:$0x0] =	sbarrier.arrive $0xFFFF  }
0x5a: {  	p0 =	sne.s32 s1, $0x0;
	_ =	strace $0x90000053  }
0x5b: {  	s0 =	sadd.s32 @!p0 $0x100000, s0;
	[bflag:$0x2] =	sbarrier.arrive $0xFFFF  }
0x5c: {  	[sflag:s0] =	ssyncadd.tile.s32 @!p0 $0x1;
	_ =	shalt  }
.Lfunc_end2:
_tile_overlayer_lowered:
.L_overlay_start_2:
0x5d: {  	(tag) =	ssettag $0x2  }
0x5e: {  	s0 =	rddreg [dreg:$0x0];
	s2 =	stileid.u32  }
0x5f: {  	s1 =	rddreg [dreg:$0x1];
	p0 =	sne.s32 s2, $0x0  }
0x60: {  	s3 =	rddreg [dreg:$0x2];
	[bflag:$0x3] =	sbarrier.arrive $0xFFFF;
	s2 =	simm.s32 @!p0 $0x1C03  }
0x61: {  	[timem:s3], [sflag:s2] =	dma.local @!p0 [hbm:s0], s1  }
0x62: {  	s0 =	simm.s32 @!p0 $0x3  }
0x63: {  	_ =	swait.ge @!p0 [sflag:s0], s1  }
0x64: {  	s1 =	ssub.s32 @!p0 $0x0, s1;
	[sflag:s0] =	ssyncset.done @!p0 $0x0  }
0x65: {  	[sflag:s0] =	ssyncadd.s32 @!p0 s1  }
0x66: {  	[bflag:$0x3] =	sbarrier.arrive $0xFFFF  }
0x67: {  	_ =	shalt  }

// kernel: kernel.34.cloned.1.call-start
scs
__scs_entry_jumppad:
0x0: {  	(pc) =	sbr.rel $0x88, $3  }
0x1: {  	(tag) =	ssettag $0x0;
	lr =	simm.s32 $0x1  }
0x2: {  	[smem:$0x3F9D] =	sst lr;
	_ =	strace $0xD0000000  }
0x3: {  	_ = 	snop  }
0x4: {  	_ = 	snop  }
0x5: {  	_ = 	snop  }
0x6: {  	_ = 	snop  }
0x7: {  	_ = 	snop  }
__scs_overlays_trampoline_lowered:
0x8: {  	[smem:$0x3FAC] =	sst s0  }
0x9: {  	[smem:$0x3FAD] =	sst s1  }
0xa: {  	[smem:$0x3FAE] =	sst s2  }
0xb: {  	[smem:$0x3FAF] =	sst s3  }
0xc: {  	[smem:$0x3FB0] =	sst s4  }
0xd: {  	[smem:$0x3FB1] =	sst s5  }
0xe: {  	[smem:$0x3FB2] =	sst s6  }
0xf: {  	[smem:$0x3FB3] =	sst s7  }
0x10: {  	[smem:$0x3FB4] =	sst s8  }
0x11: {  	[smem:$0x3FB5] =	sst s9;
	s0 =	simm.s32 @!p0 $0x0  }
0x12: {  	s1 =	sld [smem:$0x3F9B];
	s0 =	simm.s32 @p0 $0x1  }
0x13: {  	[smem:$0x3FB6] =	sst s0;
	s0 =	simm.s32 @!p1 $0x0  }
0x14: {  	s2 =	sld [smem:$0x3F9A];
	s0 =	simm.s32 @p1 $0x1  }
0x15: {  	[smem:$0x3FB7] =	sst s0;
	s0 =	simm.s32 @!p2 $0x0  }
0x16: {  	s3 =	sld [smem:$0x3FDB];
	s0 =	simm.s32 @p2 $0x1  }
0x17: {  	s4 =	simm.s32 $0x1BF5;
	[smem:$0x3FB9] =	sst s0  }
0x18: {  	s0 =	sld [smem:$0x3F9C];
	_ =	swait.ge [sflag:s4], $0x0  }
0x19: {  	s7 =	sld [smem:$0x3F9D]  }
0x1a: {  	s8 =	sadd.s32 $0xFFFFE003, lr  }
0x1b: {  	s9 =	sadd.s32 $0xFFFFFEF7, lr;
	s5 =	simm.s32 $0xFFFFFFFF;
	p2 =	slt.u32 s8, $0xFFFFF086  }
0x1c: {  	p1 =	slt.u32 s9, $0xF7A;
	s5 =	simm.s32 @!p2 $0x0  }
0x1d: {  	s5 =	simm.s32 @p1 $0x1;
	p0 =	seq.s32 s7, s2  }
0x1e: {  	s7 =	smul.u32 @!p0 $0xF7A, s2;
	p2 =	seq.s32 @!p0 s5, $0x0  }
0x1f: {  	s9 =	smul.u32 $0xF7A, s1;
	s8 =	simm.s32 @!p0 $0x1BF5;
	p2 =	por !p2, p0  }
0x20: {  	[sflag:s8] =	ssyncset.s32 @!p0 $0xFFFFF086;
	s6 =	sadd.s32 @!p0 s3, s7;
	s7 =	simm.s32 @!p0 $0x108  }
0x21: {  	s3 =	sadd.s32 s3, s9;
	s6 =	sadd.s32 @!p0 $0x88, s6;
	s7 =	simm.s32 @p2 $0x1082  }
0x22: {  	[simem:s7], [sflag:s8] =	dma.local @!p0 [hbm:s6], $0xF7A  }
0x23: {  	s9 =	sor.u32 $0xD0000000, s2;
	s6 =	simm.s32 $0x108;
	_ =	swait.ge @!p0 [sflag:s8], $0x0  }
0x24: {  	s3 =	sadd.s32 $0x88, s3;
	s6 =	simm.s32 @!p1 $0x1082;
	[sflag:s4] =	ssyncset.s32 $0xFFFFF086  }
0x25: {  	[simem:s6], [sflag:s4] =	dma.local [hbm:s3], $0xF7A  }
0x26: {  	[smem:$0x3F9D] =	sst s1;
	(tag) =	ssettag s2;
	_ =	strace s9  }
0x27: {  	s1 =	sld [smem:$0x3FAD]  }
0x28: {  	s2 =	sld [smem:$0x3FAE]  }
0x29: {  	s4 =	sld [smem:$0x3FB0]  }
0x2a: {  	p0 =	seq.s32 s5, $0x0;
	s5 =	sld [smem:$0x3FB1]  }
0x2b: {  	s6 =	sld [smem:$0x3FB2]  }
0x2c: {  	s7 =	sld [smem:$0x3FB3]  }
0x2d: {  	s3 =	simm.s32 $0x108;
	s8 =	sld [smem:$0x3FB4]  }
0x2e: {  	s3 =	simm.s32 @!p0 $0x1082;
	s9 =	sld [smem:$0x3FB5]  }
0x2f: {  	lr =	sadd.s32 s0, s3;
	s0 =	sld [smem:$0x3FAC]  }
0x30: {  	s3 =	sld [smem:$0x3FAF]  }
0x31: {  	[smem:$0x3FB8] =	sst s10  }
0x32: {  	s10 =	sld [smem:$0x3FB6];
	_ =	sdelay $0x3  }
0x33: {  	p0 =	seq.s32 s10, $0x1;
	s10 =	sld [smem:$0x3FB8];
	_ =	sdelay $0x3  }
0x34: {  	[smem:$0x3FB8] =	sst s10  }
0x35: {  	s10 =	sld [smem:$0x3FB7];
	_ =	sdelay $0x3  }
0x36: {  	p1 =	seq.s32 s10, $0x1;
	s10 =	sld [smem:$0x3FB8];
	_ =	sdelay $0x3  }
0x37: {  	[smem:$0x3FB8] =	sst s10  }
0x38: {  	s10 =	sld [smem:$0x3FB9]  }
0x39: {  	_ = 	snop;
	(pc) =	sbr.ind lr, $3  }
0x3a: {  	_ = 	snop  }
0x3b: {  	_ = 	snop  }
0x3c: {  	p2 =	seq.s32 s10, $0x1;
	s10 =	sld [smem:$0x3FB8]  }
0x3d: {  	_ =	shalt  }
0x3e: {  	_ =	shalt  }
0x3f: {  	_ =	shalt  }
0x40: {  	_ =	shalt  }
0x41: {  	_ =	shalt  }
0x42: {  	_ =	shalt  }
0x43: {  	_ =	shalt  }
0x44: {  	_ =	shalt  }
0x45: {  	_ =	shalt  }
0x46: {  	_ =	shalt  }
0x47: {  	_ =	shalt  }
0x48: {  	_ =	shalt  }
0x49: {  	_ =	shalt  }
0x4a: {  	_ =	shalt  }
0x4b: {  	_ =	shalt  }
0x4c: {  	_ =	shalt  }
0x4d: {  	_ =	shalt  }
0x4e: {  	_ =	shalt  }
0x4f: {  	_ =	shalt  }
0x50: {  	_ =	shalt  }
0x51: {  	_ =	shalt  }
0x52: {  	_ =	shalt  }
0x53: {  	_ =	shalt  }
0x54: {  	_ =	shalt  }
0x55: {  	_ =	shalt  }
0x56: {  	_ =	shalt  }
0x57: {  	_ =	shalt  }
0x58: {  	_ =	shalt  }
0x59: {  	_ =	shalt  }
0x5a: {  	_ =	shalt  }
0x5b: {  	_ =	shalt  }
0x5c: {  	_ =	shalt  }
0x5d: {  	_ =	shalt  }
0x5e: {  	_ =	shalt  }
0x5f: {  	_ =	shalt  }
0x60: {  	_ =	shalt  }
0x61: {  	_ =	shalt  }
0x62: {  	_ =	shalt  }
0x63: {  	_ =	shalt  }
0x64: {  	_ =	shalt  }
0x65: {  	_ =	shalt  }
0x66: {  	_ =	shalt  }
0x67: {  	_ =	shalt  }
0x68: {  	_ =	shalt  }
0x69: {  	_ =	shalt  }
0x6a: {  	_ =	shalt  }
0x6b: {  	_ =	shalt  }
0x6c: {  	_ =	shalt  }
0x6d: {  	_ =	shalt  }
0x6e: {  	_ =	shalt  }
0x6f: {  	_ =	shalt  }
0x70: {  	_ =	shalt  }
0x71: {  	_ =	shalt  }
0x72: {  	_ =	shalt  }
0x73: {  	_ =	shalt  }
0x74: {  	_ =	shalt  }
0x75: {  	_ =	shalt  }
0x76: {  	_ =	shalt  }
0x77: {  	_ =	shalt  }
0x78: {  	_ =	shalt  }
0x79: {  	_ =	shalt  }
0x7a: {  	_ =	shalt  }
0x7b: {  	_ =	shalt  }
0x7c: {  	_ =	shalt  }
0x7d: {  	_ =	shalt  }
0x7e: {  	_ =	shalt  }
0x7f: {  	_ =	shalt  }
0x80: {  	_ =	shalt  }
0x81: {  	_ =	shalt  }
0x82: {  	_ =	shalt  }
0x83: {  	_ =	shalt  }
0x84: {  	_ =	shalt  }
0x85: {  	_ =	shalt  }
0x86: {  	_ =	shalt  }
0x87: {  	_ =	shalt  }
.Lfunc_end0:
.L_simem_size_0:
called_computation.6_lowered:
.L_overlay_start_0:
0x88: {  	s2 =	sld [smem:$0x3FD9]  }
0x89: {  	s3 =	sld [smem:$0x3FFE];
	_ =	sdelay $0x1  }
0x8a: {  	s1 =	srdreg.scid  }
0x8b: {  	s0 =	sand.u32 $0x1, s1  }
0x8c: {  	s15 =	sshll.u32 s0, $0xA;
	s2 =	sadd.s32 s3, s2  }
0x8d: {  	s2 =	sadd.s32 s2, s15  }
0x8e: {  	[smem:$0x3FC4] =	sst s2  }
0x8f: {  	_ = 	snop  }
0x90: {  	s2 =	sld [smem:$0x3FD0];
	_ =	sdelay $0x2  }
0x91: {  	s16 =	simm.s32 $0xB;
	s4 =	simm.s32 $0x10  }
0x92: {  	[smem:s4], [sflag:s16] =	dma.local [hbm:s2], $0x1  }
0x93: {  	_ =	swait.eq [sflag:s16], $0x1  }
0x94: {  	[sflag:s16] =	ssyncset.done $0x0  }
0x95: {  	[sflag:s16] =	ssyncadd.s32 $0xFFFFFFFF  }
0x96: {  	s17 =	sld [smem:$0x10];
	(tm) =	ssettm $0x1  }
0x97: {  	s18 =	sld [smem:$0x3FFB];
	_ =	sdelay $0x3  }
0x98: {  	_ =	strace s18  }
0x99: {  	s2 =	sld [smem:$0x3FFC];
	_ =	sdelay $0x3  }
0x9a: {  	_ =	strace s2  }
0x9b: {  	s2 =	sld [smem:$0x3FFD];
	_ =	sdelay $0x3  }
0x9c: {  	_ =	strace s2  }
0x9d: {  	_ =	strace $0x8FFFFFFF  }
0x9e: {  	s19 =	sld [smem:$0x3FDB];
	_ =	sdelay $0x1  }
0x9f: {  	s20 =	simm.s32 $_scs_section_size  }
0xa0: {  	s5 =	simm.s32 $_size__tile_overlayer_lowered;
	s6 =	simm.s32 $_tile_overlayer_lowered  }
0xa1: {  	s7 =	simm.s32 $0x1BFF;
	s21 =	sshll.u32 s6, $0x1;
	s4 =	sadd.s32 s20, s19  }
0xa2: {  	s22 =	simm.s32 $0x0;
	s5 =	sshll.u32 s5, $0x1;
	s6 =	sadd.s32 s21, s4  }
0xa3: {  	[timem:s22], [sflag:s7] =	dma.local [hbm:s6], s5  }
0xa4: {  	_ =	swait.ge [sflag:s7], s5  }
0xa5: {  	s5 =	ssub.s32 $0x0, s5;
	[sflag:s7] =	ssyncset.done $0x0  }
0xa6: {  	[sflag:s7] =	ssyncadd.s32 s5;
	_ =	sdelay $0x1  }
0xa7: {  	s23 =	simm.s32 $0x1B8B  }
0xa8: {  	_ =	swait.ge [sflag:s23], $0x1  }
0xa9: {  	[sflag:s23] =	ssyncset.done $0x0  }
0xaa: {  	[sflag:s23] =	ssyncadd.s32 $0xFFFFFFFF  }
0xab: {  	s5 =	sld [smem:$0x0]  }
0xac: {  	s6 =	sand.u32 $0xFFFFFFFE, s1  }
0xad: {  	p0 =	sne.s32 s1, s6  }
0xae: {  	s6 =	sshll.u32 @p0 s6, $0xE  }
0xaf: {  	s6 =	sadd.s32 @p0 $0x11B8D, s6;
	s7 =	sshll.u32 @p0 s5, $0x11  }
0xb0: {  	s6 =	sor.u32 @p0 s7, s6  }
0xb1: {  	[sflag:s6] =	ssyncadd.remote.s32 @p0 $0x1;
	_ =	sdelay $0x1  }
0xb2: {  	s6 =	simm.s32 @p0 $0x1B8D  }
0xb3: {  	_ =	swait.eq @p0 [sflag:s6], $0x1  }
0xb4: {  	[sflag:s6] =	ssyncadd.s32 @p0 $0xFFFFFFFF  }
0xb5: {  	s7 =	sshll.u32 @!p0 s1, $0xE  }
0xb6: {  	s7 =	sor.u32 @!p0 $0x4000, s7;
	s6 =	simm.s32 @!p0 $0x1B8D  }
0xb7: {  	s5 =	sshll.u32 @!p0 s5, $0x11;
	s7 =	sadd.s32 @!p0 $0x11B8D, s7;
	_ =	swait.eq @!p0 [sflag:s6], $0x1  }
0xb8: {  	s5 =	sor.u32 @!p0 s5, s7;
	[sflag:s6] =	ssyncadd.s32 @!p0 $0xFFFFFFFF  }
0xb9: {  	s25 =	simm.s32 $0x1B8E;
	s24 =	sld [smem:$0x3FFE];
	[sflag:s5] =	ssyncadd.remote.s32 @!p0 $0x1  }
0xba: {  	s26 =	simm.s32 $execute0_lowered;
	[smem:$0x3FD2] =	sst s25  }
0xbb: {  	s6 =	sshll.u32 s26, $0x1;
	_ =	strace $0x80000058;
	[dreg:$0x1] =	wrdreg $0xFFFFFFFF  }
0xbc: {  	s28 =	simm.s32 $_size_execute0_lowered;
	s4 =	sadd.s32 s4, s6;
	[dreg:$0x0] =	wrdreg $0x0  }
0xbd: {  	s6 =	sshll.u32 s28, $0x1;
	[dreg:$0x2] =	wrdreg s4  }
0xbe: {  	[dreg:$0x3] =	wrdreg s6  }
0xbf: {  	[dreg:$0x4] =	wrdreg $0xC0  }
0xc0: {  	_ =	task [dreg:s22], $0x5FFFF  }
0xc1: {  	[dreg:$0x1] =	wrdreg $0xFFFFFFFF  }
0xc2: {  	[dreg:$0x0] =	wrdreg $0x60  }
0xc3: {  	[dreg:$0x2] =	wrdreg s24  }
0xc4: {  	[dreg:$0x3] =	wrdreg s17  }
0xc5: {  	[dreg:$0x4] =	wrdreg $0xD0000  }
0xc6: {  	[dreg:$0x5] =	wrdreg $0xA  }
0xc7: {  	_ =	task.clear_ibuf [dreg:s22], $0x6FFFF;
	_ =	strace $0x90000058  }
0xc8: {  	s29 =	simm.s32 $0xA;
	_ =	strace $0x8000005A  }
0xc9: {  	_ =	swait.ge [sflag:s29], $0x1  }
0xca: {  	[sflag:s29] =	ssyncadd.s32 $0xFFFFFFFF  }
0xcb: {  	_ =	strace $0x9000005A  }
0xcc: {  	_ =	sfence  }
0xcd: {  	s30 =	sld [smem:$0x0];
	_ =	sdelay $0x2  }
0xce: {  	s31 =	sshll.u32 s1, $0xD;
	s1 =	sshrl.u32 s1, $0x2  }
0xcf: {  	s4 =	sand.u32 $0x4000, s31;
	s1 =	sadd.s32 s1, s30  }
0xd0: {  	s0 =	sor.u32 s4, s0;
	s1 =	sshll.u32 s1, $0x11  }
0xd1: {  	s0 =	sor.u32 s1, s0  }
0xd2: {  	s0 =	sadd.s32 $0x8F2B, s0  }
0xd3: {  	[sflag:s0] =	ssyncadd.remote.s32 $0x1  }
0xd4: {  	_ =	sfence.sel $0xFFFF  }
0xd5: {  	[dreg:$0x0] =	wrdreg $0xFFFFFFFF;
	(pc) =	sbr.abs _section_cstart, $3  }
0xd6: {  	[dreg:$0x1] =	wrdreg $0xFFFFFFFF  }
0xd7: {  	_ =	task.clear_ibuf [dreg:s22], $0x2FFFF;
	_ =	strace $0x9FFFFFFF  }
0xd8: {  	(tm) =	ssettm $0x7FFFFFFF  }
0xd9: {  	_ =	shalt  }
tec
execute0_lowered:
.L_overlay_start_1:
0x0: {  	(tag) =	ssettag $0x1  }
0x1: {  	s1 =	srdreg.scid  }
0x2: {  	s1 =	sand.u32 $0x1, s1  }
0x3: {  	p0 =	seq.s32 s1, $0x1  }
.Ltmp0:
0x4: {  	s7 =	rddreg [dreg:$0x0];
	(pc) =	sbr.rel @p0 .LBB2_4-.Ltmp0, $4  }
0x5: {  	s3 =	rddreg [dreg:$0x1]  }
0x6: {  	s2 =	rddreg [dreg:$0x2];
	s10 =	simm.s32 $0x0  }
0x7: {  	[smem:$0x7FF] =	sst s10  }
0x8: {  	s0 =	rddreg [dreg:$0x3];
	_ =	strace $0x80000059;
	s1 =	stileid.u32  }
0x9: {  	s4 =	smul.u32 $0x500, s1  }
0xa: {  	s5 =	sadd.s32 $0x1A600, s7  }
0xb: {  	s5 =	sadd.s32 s5, s4  }
0xc: {  	[tilespmem:s10], [sflag:$0x3] =	stream.linear.gather [hbm4b:s5+s10], $0x2800, $0x38;
	[tilespmem:$0x16E00] =	vst v63  }
0xd: {  	s5 =	simm.s32 $0x3  }
0xe: {  	_ =	swait.ge [sflag:s5], $0x2800  }
0xf: {  	s6 =	sadd.s32 $0x15600, s7;
	s8 =	smul.u32 $0x9E00, s1;
	[sflag:s5] =	ssyncset.done $0x0  }
0x10: {  	s24 =	simm.s32 $0x2800;
	s4 =	sadd.s32 s6, s4;
	[sflag:s5] =	ssyncadd.s32 $0xFFFFD800  }
0x11: {  	[tilespmem:s24], [sflag:$0x3] =	stream.linear.gather [hbm4b:s4+s10], $0x2800, $0x38;
	[tilespmem:$0x16E00] =	vst v63  }
0x12: {  	s28 =	sshll.u32 s1, $0x6;
	s13 =	sshrl.u32 s8, $0x3;
	_ =	swait.ge [sflag:s5], $0x2800  }
0x13: {  	s25 =	sadd.s32 s8, s2;
	s26 =	sadd.s32 s3, s13;
	[sflag:s5] =	ssyncset.done $0x0  }
0x14: {  	s3 =	sor.u32 $0x1C03, s28;
	s4 =	sshrl.u32 s25, $0x3;
	[sflag:s5] =	ssyncadd.s32 $0xFFFFD800  }
0x15: {  	[spmem:s4], [sflag:s3] =	dma.local [hbm:s26], $0x13C0  }
0x16: {  	_ =	swait.ge [sflag:s5], $0x13C0  }
0x17: {  	[sflag:s5] =	ssyncset.done $0x0  }
0x18: {  	s9 =	simm.s32 $0x5000;
	[sflag:s5] =	ssyncadd.s32 $0xFFFFEC40  }
0x19: {  	s6 =	sadd.s32 $0x1C00, s7;
	s8 =	simm.s32 $0x100;
	[bflag:$0x0] =	sbarrier.arrive $0xFFFF  }
0x1a: {  	[tilespmem:s9], [sflag:$0x1] =	stream.indirect.gather [hbm4b:s6+s8], $0x40, s10, s8, $0xb8;
	[tilespmem:$0x16E00] =	vst v63  }
0x1b: {  	s10 =	simm.s32 $0x1  }
0x1c: {  	_ =	swait.ge [sflag:s10], $0x4000  }
0x1d: {  	[sflag:s10] =	ssyncset.done $0x0  }
0x1e: {  	s11 =	simm.s32 $0x9000;
	s12 =	simm.s32 $0x100;
	[sflag:s10] =	ssyncadd.s32 $0xFFFFC000  }
0x1f: {  	[tilespmem:s11], [sflag:$0x2] =	stream.indirect.gather [hbm4b:s6+s8], $0x40, s12, s8, $0xb8;
	[tilespmem:$0x16E00] =	vst v63  }
0x20: {  	s29 =	simm.s32 $0x2800  }
0x21: {  	[spmem:s2] =	stream.indirect.scatter.add.f32 [tilespmem:s9], [sflag:$0x3], $0x40, s29, s8, $0xb8;
	[tilespmem:$0x16E00] =	vst v63  }
0x22: {  	_ =	swait.ge [sflag:s5], $0x4000  }
0x23: {  	[sflag:s5] =	ssyncset.done $0x0  }
0x24: {  	s12 =	simm.s32 $0x2;
	[sflag:s5] =	ssyncadd.s32 $0xFFFFC000  }
0x25: {  	_ =	swait.ge [sflag:s12], $0x4000  }
0x26: {  	[sflag:s12] =	ssyncset.done $0x0  }
0x27: {  	s14 =	simm.s32 $0x200;
	[sflag:s12] =	ssyncadd.s32 $0xFFFFC000  }
0x28: {  	[tilespmem:s9], [sflag:$0x1] =	stream.indirect.gather [hbm4b:s6+s8], $0x40, s14, s8, $0xb8;
	[tilespmem:$0x16E00] =	vst v63  }
0x29: {  	s30 =	simm.s32 $0x2900  }
0x2a: {  	[spmem:s2] =	stream.indirect.scatter.add.f32 [tilespmem:s11], [sflag:$0x3], $0x40, s30, s8, $0xb8;
	[tilespmem:$0x16E00] =	vst v63  }
0x2b: {  	s31 =	sadd.s32 s13, s7;
	_ =	swait.ge [sflag:s5], $0x4000  }
0x2c: {  	s13 =	simm.s32 $0x800;
	s7 =	sadd.s32 $0x1F600, s31;
	[sflag:s5] =	ssyncset.done $0x0  }
.LBB2_2:
0x2d: {  	p0 =	sne.s32 s13, $0x9000  }
0x2e: {  	[sflag:s5] =	ssyncadd.s32 $0xFFFFC000;
	s14 =	smov.u32 s13;
	s13 =	sadd.s32 $0x800, s13  }
0x2f: {  	_ = 	snop  }
0x30: {  	_ =	swait.ge [sflag:s10], $0x4000  }
0x31: {  	s14 =	sshra.s32 s14, $0x2;
	[sflag:s10] =	ssyncset.done $0x0  }
0x32: {  	s15 =	sadd.s32 $0x100, s14;
	[sflag:s10] =	ssyncadd.s32 $0xFFFFC000  }
0x33: {  	[tilespmem:s11], [sflag:$0x2] =	stream.indirect.gather [hbm4b:s6+s8], $0x40, s15, s8, $0xb8;
	[tilespmem:$0x16E00] =	vst v63  }
0x34: {  	s15 =	sadd.s32 $0x2800, s14  }
0x35: {  	[spmem:s2] =	stream.indirect.scatter.add.f32 [tilespmem:s9], [sflag:$0x3], $0x40, s15, s8, $0xb8;
	[tilespmem:$0x16E00] =	vst v63  }
0x36: {  	_ =	swait.ge [sflag:s5], $0x4000  }
0x37: {  	[sflag:s5] =	ssyncset.done $0x0  }
0x38: {  	[sflag:s5] =	ssyncadd.s32 $0xFFFFC000  }
0x39: {  	_ =	swait.ge [sflag:s12], $0x4000  }
0x3a: {  	[sflag:s12] =	ssyncset.done $0x0  }
0x3b: {  	s15 =	sadd.s32 $0x200, s14;
	[sflag:s12] =	ssyncadd.s32 $0xFFFFC000  }
0x3c: {  	[tilespmem:s9], [sflag:$0x1] =	stream.indirect.gather [hbm4b:s6+s8], $0x40, s15, s8, $0xb8;
	[tilespmem:$0x16E00] =	vst v63  }
.Ltmp1:
0x3d: {  	_ = 	snop;
	(pc) =	sbr.rel @p0 .LBB2_2-.Ltmp1, $4  }
0x3e: {  	s14 =	sadd.s32 $0x2900, s14  }
0x3f: {  	[spmem:s2] =	stream.indirect.scatter.add.f32 [tilespmem:s11], [sflag:$0x3], $0x40, s14, s8, $0xb8;
	[tilespmem:$0x16E00] =	vst v63  }
0x40: {  	_ =	swait.ge [sflag:s5], $0x4000  }
0x41: {  	[sflag:s5] =	ssyncset.done $0x0  }
0x42: {  	[sflag:s5] =	ssyncadd.s32 $0xFFFFC000;
	s24 =	simm.s32 $0x1  }
0x43: {  	_ =	swait.ge [sflag:s24], $0x4000  }
0x44: {  	s25 =	simm.s32 $0x100;
	[sflag:s24] =	ssyncset.done $0x0  }
0x45: {  	s8 =	simm.s32 $0x2700;
	s9 =	simm.s32 $0x9000;
	[sflag:s24] =	ssyncadd.s32 $0xFFFFC000  }
0x46: {  	[tilespmem:s9], [sflag:$0x2] =	stream.indirect.gather [hbm4b:s6+s25], $0x40, s8, s25, $0xb8;
	[tilespmem:$0x16E00] =	vst v63  }
0x47: {  	s26 =	simm.s32 $0x4E00;
	s28 =	simm.s32 $0x5000;
	s29 =	simm.s32 $0x3  }
0x48: {  	[spmem:s2] =	stream.indirect.scatter.add.f32 [tilespmem:s28], [sflag:$0x3], $0x40, s26, s25, $0xb8;
	[tilespmem:$0x16E00] =	vst v63  }
0x49: {  	_ =	swait.ge [sflag:s29], $0x4000  }
0x4a: {  	[sflag:s29] =	ssyncset.done $0x0  }
0x4b: {  	s30 =	simm.s32 $0x2;
	[sflag:s29] =	ssyncadd.s32 $0xFFFFC000  }
0x4c: {  	_ =	swait.ge [sflag:s30], $0x4000  }
0x4d: {  	[sflag:s30] =	ssyncset.done $0x0  }
0x4e: {  	s31 =	simm.s32 $0x4F00;
	[sflag:s30] =	ssyncadd.s32 $0xFFFFC000  }
0x4f: {  	[spmem:s2] =	stream.indirect.scatter.add.f32 [tilespmem:s9], [sflag:$0x3], $0x40, s31, s25, $0xb8;
	[tilespmem:$0x16E00] =	vst v63  }
0x50: {  	_ =	swait.ge [sflag:s29], $0x4000  }
0x51: {  	[sflag:s29] =	ssyncset.done $0x0  }
0x52: {  	[sflag:s29] =	ssyncadd.s32 $0xFFFFC000  }
0x53: {  	[bflag:$0x0] =	sbarrier.arrive $0xFFFF  }
0x54: {  	[hbm:s7], [sflag:s3] =	dma.local [spmem:s4], $0x13C0  }
0x55: {  	_ =	swait.ge [sflag:s29], $0x13C0  }
0x56: {  	[sflag:s29] =	ssyncset.done $0x0  }
0x57: {  	[sflag:s29] =	ssyncadd.s32 $0xFFFFEC40  }
.LBB2_4:
0x58: {  	_ =	sfence.sel $0x180000  }
0x59: {  	[bflag:$0x0] =	sbarrier.arrive $0xFFFF  }
0x5a: {  	p0 =	sne.s32 s1, $0x0;
	_ =	strace $0x90000059  }
0x5b: {  	s0 =	sadd.s32 @!p0 $0x100000, s0;
	[bflag:$0x2] =	sbarrier.arrive $0xFFFF  }
0x5c: {  	[sflag:s0] =	ssyncadd.tile.s32 @!p0 $0x1;
	_ =	shalt  }
.Lfunc_end2:
_tile_overlayer_lowered:
.L_overlay_start_2:
0x5d: {  	(tag) =	ssettag $0x2  }
0x5e: {  	s0 =	rddreg [dreg:$0x0];
	s2 =	stileid.u32  }
0x5f: {  	s1 =	rddreg [dreg:$0x1];
	p0 =	sne.s32 s2, $0x0  }
0x60: {  	s3 =	rddreg [dreg:$0x2];
	[bflag:$0x3] =	sbarrier.arrive $0xFFFF;
	s2 =	simm.s32 @!p0 $0x1C03  }
0x61: {  	[timem:s3], [sflag:s2] =	dma.local @!p0 [hbm:s0], s1  }
0x62: {  	s0 =	simm.s32 @!p0 $0x3  }
0x63: {  	_ =	swait.ge @!p0 [sflag:s0], s1  }
0x64: {  	s1 =	ssub.s32 @!p0 $0x0, s1;
	[sflag:s0] =	ssyncset.done @!p0 $0x0  }
0x65: {  	[sflag:s0] =	ssyncadd.s32 @!p0 s1  }
0x66: {  	[bflag:$0x3] =	sbarrier.arrive $0xFFFF  }
0x67: {  	_ =	shalt  }

</sc_bundles>
